<compile_context>
chip_gen: v7x
topology: tpu7x:2x2x1
jax: 0.10.2.dev20260603
libtpu: 0.0.44.dev20260713+nightly
codegen_flags: <defaults>
</compile_context>

<pallas_src>
import functools

import jax
import jax.numpy as jnp
from jax import lax
from jax.experimental import pallas as pl
from jax.experimental.pallas import tpu as pltpu
from jax.experimental.pallas import tpu_sc as plsc

_NC = 2
_NS = 16
_NW = _NC * _NS
_L = 16
_HUGE = 2**31 - 1
_CAP = 4096


def _make(m, d, b, wc, shift):
    assert (1 << shift) == wc
    nfull = m // wc
    rem = m - nfull * wc
    rem_main = rem & ~127
    rem_tail = rem - rem_main
    tail_owner = nfull % _NW
    kfull = nfull // _NW
    nleft = nfull - kfull * _NW
    assert b % (_NW * _L) == 0 and d == 2 * _L and (b * d) % _NS == 0

    mesh = plsc.VectorSubcoreMesh(core_axis_name="c", subcore_axis_name="s")

    out_types = [jax.ShapeDtypeStruct((d, m), jnp.float32)]
    if rem_tail:
        out_types.append(jax.ShapeDtypeStruct((rem_tail, d), jnp.float32))

    @functools.partial(
        pl.kernel,
        out_type=tuple(out_types),
        mesh=mesh,
        compiler_params=pltpu.CompilerParams(needs_layout_passes=False),
        scratch_types=[
            pltpu.VMEM((b + _L,), jnp.int32),
            pltpu.VMEM((_CAP + _L,), jnp.int32),
            pltpu.VMEM((2 * _L,), jnp.int32),
            pltpu.VMEM((2 * _L,), jnp.int32),
            pltpu.VMEM((max(rem_tail, 1), d), jnp.float32),
            pltpu.VMEM((4, d, wc), jnp.float32),
            pltpu.VMEM((_L * d,), jnp.float32),
            pltpu.VMEM_SHARED((b * d,), jnp.float32),
            pltpu.SemaphoreType.DMA((4,)),
            pltpu.SemaphoreType.DMA((4,)),
            pltpu.SemaphoreType.DMA,
        ],
    )
    def scatter_kernel(xt_hbm, xtail_hbm, idx_hbm, vflat_hbm, out_hbm,
                       tail_hbm, idx_v, myj_v, tmpj_v, tmpl_v, btail, bufs,
                       vslots, vals_sh, in_sems, out_sems, gsem):
        cid = lax.axis_index("c")
        sid = lax.axis_index("s")
        wid = sid * _NC + cid

        lanes = lax.iota(jnp.int32, _L)
        full = lanes >= 0

        def in_copy(wg, sl):
            return pltpu.make_async_copy(
                xt_hbm.at[:, pl.ds(wg * wc, wc)], bufs.at[sl],
                in_sems.at[sl])

        def out_copy(wg, sl):
            return pltpu.make_async_copy(
                bufs.at[sl], out_hbm.at[:, pl.ds(wg * wc, wc)],
                out_sems.at[sl])

        if kfull > 0:
            in_copy(wid, 0).start()
        if kfull > 1:
            in_copy(wid + _NW, 1).start()

        vseg = b * d // _NS
        pltpu.sync_copy(vflat_hbm.at[pl.ds(sid * vseg, vseg)],
                        vals_sh.at[pl.ds(sid * vseg, vseg)])

        pltpu.sync_copy(idx_hbm, idx_v.at[pl.ds(0, b)])
        plsc.subcore_barrier()

        def scan_body(g, n):
            iv = idx_v[pl.ds(g * _L, _L)]
            q = lax.shift_right_logical(iv, shift)
            msk = (q & (_NW - 1)) == wid
            cnt = plsc.all_reduce_population_count(msk)[0]

            @pl.when((cnt > 0) & (n + cnt <= _CAP))
            def _():
                plsc.store_compressed(myj_v.at[pl.ds(n, _L)],
                                      lanes + g * _L, mask=msk)
                plsc.store_compressed(idx_v.at[pl.ds(n, _L)], iv, mask=msk)

            return n + cnt

        n = lax.fori_loop(0, b // _L, scan_body, jnp.int32(0), unroll=2)
        fb = n > _CAP

        @pl.when(~fb)
        def _():
            plsc.store_compressed(idx_v.at[pl.ds(n, _L)],
                                  jnp.full((_L,), _HUGE, dtype=jnp.int32),
                                  mask=full)

        @pl.when(fb)
        def _():
            pltpu.sync_copy(idx_hbm, idx_v.at[pl.ds(0, b)])

        nq = lax.div(n + _L - 1, _L)

        def apply_updates(pos_of, buf_store):
            def make_q_body(jv_of):
                def q_body(qi, _):
                    lv = idx_v[pl.ds(qi * _L, _L)]
                    pos, wm = pos_of(lv)
                    c = plsc.all_reduce_population_count(wm)[0]

                    @pl.when(c > 0)
                    def _():
                        plsc.store_compressed(tmpl_v.at[pl.ds(0, _L)], pos,
                                              mask=wm)
                        plsc.store_compressed(tmpj_v.at[pl.ds(0, _L)],
                                              jv_of(qi), mask=wm)

                        def fetch(t, carry):
                            jt = tmpj_v[pl.ds(t, _L)][0]
                            pltpu.make_async_copy(
                                vals_sh.at[pl.ds(jt * d, d)],
                                vslots.at[pl.ds(t * d, d)], gsem).start()
                            return carry

                        lax.fori_loop(0, c, fetch, jnp.int32(0))

                        def drain(t, carry):
                            pltpu.make_async_copy(
                                vals_sh.at[pl.ds(0, d)],
                                vslots.at[pl.ds(0, d)], gsem).wait()
                            return carry

                        lax.fori_loop(0, c, drain, jnp.int32(0))

                        def item(t, carry):
                            pt = tmpl_v[pl.ds(t, _L)][0]
                            buf_store(pt, t)
                            return carry

                        lax.fori_loop(0, c, item, jnp.int32(0))

                    return 0

                return q_body

            @pl.when(~fb)
            def _():
                lax.fori_loop(0, nq,
                              make_q_body(
                                  lambda qi: myj_v[pl.ds(qi * _L, _L)]),
                              0)

            @pl.when(fb)
            def _():
                lax.fori_loop(0, b // _L,
                              make_q_body(lambda qi: lanes + qi * _L),
                              0)

        def window_pos_of(wg):
            def pos_of(lv):
                wm = lax.shift_right_logical(lv, shift) == wg
                return lv & (wc - 1), wm
            return pos_of

        def col_store_in(sl):
            def col_store(pt, t):
                posv = jnp.full((_L,), pt, jnp.int32)
                slv = jnp.full((_L,), sl, jnp.int32)
                g0 = plsc.load_gather(bufs, [slv, lanes, posv])
                g1 = plsc.load_gather(bufs, [slv, lanes + _L, posv])
                plsc.store_scatter(bufs, [slv, lanes, posv],
                                   g0 + vslots[pl.ds(t * d, _L)])
                plsc.store_scatter(bufs, [slv, lanes + _L, posv],
                                   g1 + vslots[pl.ds(t * d + _L, _L)])
            return col_store

        def pipe_body(k, _):
            sl = k & 3
            wg = wid + _NW * k
            in_copy(wg, sl).wait()

            @pl.when(k + 2 < kfull)
            def _():
                sl2 = (k + 2) & 3

                @pl.when(k >= 2)
                def _():
                    out_copy(wg - 2 * _NW, sl2).wait()

                in_copy(wg + 2 * _NW, sl2).start()

            apply_updates(window_pos_of(wg), col_store_in(sl))
            out_copy(wg, sl).start()
            return 0

        lax.fori_loop(0, kfull, pipe_body, 0)
        for j in range(max(kfull - 4, 0), kfull):
            out_copy(wid + _NW * j, j & 3).wait()

        if nleft:
            @pl.when(wid < nleft)
            def _():
                wg = kfull * _NW + wid
                pltpu.sync_copy(xt_hbm.at[:, pl.ds(wg * wc, wc)], bufs.at[0])
                apply_updates(window_pos_of(wg), col_store_in(0))
                pltpu.sync_copy(bufs.at[0],
                                out_hbm.at[:, pl.ds(wg * wc, wc)])

        if rem_main:
            @pl.when(wid == tail_owner)
            def _():
                base = nfull * wc
                pltpu.sync_copy(xt_hbm.at[:, pl.ds(base, rem_main)],
                                bufs.at[0, :, pl.ds(0, rem_main)])

                def pos_of(lv):
                    wm = lax.shift_right_logical(lv, shift) == nfull
                    pos = lv & (wc - 1)
                    return pos, wm & (pos < rem_main)

                apply_updates(pos_of, col_store_in(0))
                pltpu.sync_copy(bufs.at[0, :, pl.ds(0, rem_main)],
                                out_hbm.at[:, pl.ds(base, rem_main)])

        if rem_tail:
            @pl.when(wid == tail_owner)
            def _():
                def row_store(pt, t):
                    for h in range(d // _L):
                        cur = btail[pt, pl.ds(h * _L, _L)]
                        btail[pt, pl.ds(h * _L, _L)] = (
                            cur + vslots[pl.ds(t * d + h * _L, _L)])

                pltpu.sync_copy(xtail_hbm, btail)

                def pos_of(lv):
                    wm = lax.shift_right_logical(lv, shift) == nfull
                    pos = (lv & (wc - 1)) - rem_main
                    return pos, wm & (pos >= 0)

                apply_updates(pos_of, row_store)
                pltpu.sync_copy(btail, tail_hbm)

    def run(x, indices, values):
        xt = jnp.swapaxes(x, 0, 1)
        vflat = values.reshape(-1)
        if rem_tail:
            xtail = lax.slice(x, (nfull * wc + rem_main, 0), (m, d))
            out_t, out_tail = scatter_kernel(xt, xtail, indices, vflat)
            out = jnp.swapaxes(out_t, 0, 1)
            return lax.dynamic_update_slice(out, out_tail,
                                            (nfull * wc + rem_main, 0))
        (out_t,) = scatter_kernel(xt, indices, vflat)
        return jnp.swapaxes(out_t, 0, 1)

    return run


def kernel(x, indices, values):
    m, d = x.shape
    b = indices.shape[0]
    fn = _make(m, d, b, wc=512, shift=9)
    return fn(x, indices, values)

# --- scband reference (transcript-rebuilt; emitter-appended) ---
"""Pipeline reference for scband-index-put-in-place-model-21775484190969 (READ-ONLY COPY).

The authoritative reference and input builder live on the scoring server;
editing this copy changes nothing except your own understanding.
"""

import jax, jax.numpy as jnp
import numpy as np

M = 1000000
D = 32
B = 16384
ACCUMULATE = True

def setup_inputs(seed: int = 0) -> dict:
    key = jax.random.key(seed)
    k1, k2, k3 = jax.random.split(key, 3)
    x = jax.random.normal(k1, (M, D), dtype=jnp.float32)
    indices = jax.random.randint(k2, (B,), 0, M, dtype=jnp.int32)
    values = jax.random.normal(k3, (B, D), dtype=jnp.float32)
    return {"x": x, "indices": indices, "values": values}

def reference(x, indices, values):
    # torch: result = x.clone(); result.index_put_((indices,), values, accumulate=True)
    # jax clone is implicit (functional update returns a new array)
    if ACCUMULATE:
        result = x.at[indices].add(values)
    else:
        result = x.at[indices].set(values)
    return result

if __name__ == "__main__":
    import jax
    _d = setup_inputs()
    print(jax.jit(kernel)(*tuple(_d.values())))

</pallas_src>

<mosaic_0001>
#map = affine_map<(d0, d1) -> (0, 0)>
#map1 = affine_map<(d0, d1) -> (0)>
module attributes {stable_mosaic.version = 14 : i64} {
  func.func @scatter_kernel(%arg0: i32, %arg1: i32, %arg2: memref<32x1000000xf32, #tpu.memory_space<hbm>>, %arg3: memref<64x32xf32, #tpu.memory_space<hbm>>, %arg4: memref<16384xi32, #tpu.memory_space<hbm>>, %arg5: memref<524288xf32, #tpu.memory_space<hbm>>, %arg6: memref<32x1000000xf32, #tpu.memory_space<hbm>>, %arg7: memref<64x32xf32, #tpu.memory_space<hbm>>, %arg8: memref<16400xi32, #tpu.memory_space<vmem>>, %arg9: memref<4112xi32, #tpu.memory_space<vmem>>, %arg10: memref<32xi32, #tpu.memory_space<vmem>>, %arg11: memref<32xi32, #tpu.memory_space<vmem>>, %arg12: memref<64x32xf32, #tpu.memory_space<vmem>>, %arg13: memref<4x32x512xf32, #tpu.memory_space<vmem>>, %arg14: memref<512xf32, #tpu.memory_space<vmem>>, %arg15: memref<524288xf32, #tpu.memory_space<vmem_shared>>, %arg16: memref<4x!tpu.dma_semaphore, #tpu.memory_space<semaphore_mem>>, %arg17: memref<4x!tpu.dma_semaphore, #tpu.memory_space<semaphore_mem>>, %arg18: memref<!tpu.dma_semaphore, #tpu.memory_space<semaphore_mem>>) attributes {dimension_semantics = [#tpu.dimension_semantics<core_parallel>, #tpu.dimension_semantics<subcore_parallel>], iteration_bounds = array<i64: 2, 16>, scalar_prefetch = 0 : i64, scratch_operands = 11 : i64, tpu.core_type = #tpu.core_type<sc_vector_subcore>, window_params = [{transform_indices = #map}, {transform_indices = #map}, {transform_indices = #map1}, {transform_indices = #map1}, {transform_indices = #map}, {transform_indices = #map}]} {
    %mul3A = arith.constant 2 : i32
    %mul3A_0 = arith.muli %arg1, %mul3A : i32
    %add3A = arith.addi %mul3A_0, %arg0 : i32
    %iota3A = tpu.iota {dimensions = array<i32: 0>} : vector<16xi32>
    %ge3A = arith.constant 0 : i32
    %ge3A_1 = vector.broadcast %ge3A : i32 to vector<16xi32>
    %ge3A_2 = arith.cmpi sge, %iota3A, %ge3A_1 : vector<16xi32>
    %mul3A_3 = arith.constant 512 : i32
    %mul3A_4 = arith.muli %add3A, %mul3A_3 : i32
    %dma_start3A = arith.constant 0 : i32
    %dma_start3A_5 = arith.constant 0 : i32
    %dma_start3A_6 = arith.constant 0 : i32
    %dma_start3A_7 = arith.constant 0 : i32
    %dma_start3A_8 = tpu.memref_slice %arg13[%dma_start3A, %dma_start3A_6, %dma_start3A_7] : memref<4x32x512xf32, #tpu.memory_space<vmem>> -> memref<1x32x512xf32, #tpu.memory_space<vmem>>
    %dma_start3A_9 = tpu.memref_squeeze %dma_start3A_8 : memref<1x32x512xf32, #tpu.memory_space<vmem>> -> memref<32x512xf32, #tpu.memory_space<vmem>>
    %dma_start3A_10 = arith.constant 0 : i32
    %dma_start3A_11 = tpu.memref_slice %arg2[%dma_start3A_10, %mul3A_4] : memref<32x1000000xf32, #tpu.memory_space<hbm>> -> memref<32x512xf32, #tpu.memory_space<hbm>>
    %dma_start3A_12 = tpu.memref_slice %arg16[%dma_start3A_5] : memref<4x!tpu.dma_semaphore, #tpu.memory_space<semaphore_mem>> -> memref<1x!tpu.dma_semaphore, #tpu.memory_space<semaphore_mem>>
    %dma_start3A_13 = tpu.memref_squeeze %dma_start3A_12 : memref<1x!tpu.dma_semaphore, #tpu.memory_space<semaphore_mem>> -> memref<!tpu.dma_semaphore, #tpu.memory_space<semaphore_mem>>
    %dma_start3A_14 = arith.constant 0 : i32
    %dma_start3A_15 = arith.constant 0 : i32
    %dma_start3A_16 = tpu.memref_slice %arg13[%dma_start3A, %dma_start3A_14, %dma_start3A_15] : memref<4x32x512xf32, #tpu.memory_space<vmem>> -> memref<1x32x512xf32, #tpu.memory_space<vmem>>
    %dma_start3A_17 = tpu.memref_squeeze %dma_start3A_16 : memref<1x32x512xf32, #tpu.memory_space<vmem>> -> memref<32x512xf32, #tpu.memory_space<vmem>>
    %dma_start3A_18 = arith.constant 0 : i32
    %dma_start3A_19 = tpu.memref_slice %arg2[%dma_start3A_18, %mul3A_4] : memref<32x1000000xf32, #tpu.memory_space<hbm>> -> memref<32x512xf32, #tpu.memory_space<hbm>>
    tpu.enqueue_dma source(%dma_start3A_19 : memref<32x512xf32, #tpu.memory_space<hbm>>) target(%dma_start3A_17 : memref<32x512xf32, #tpu.memory_space<vmem>>) target_semaphore(%dma_start3A_13 : memref<!tpu.dma_semaphore, #tpu.memory_space<semaphore_mem>>)
    %add3A_20 = arith.constant 32 : i32
    %add3A_21 = arith.addi %add3A, %add3A_20 : i32
    %mul3A_22 = arith.constant 512 : i32
    %mul3A_23 = arith.muli %add3A_21, %mul3A_22 : i32
    %dma_start3A_24 = arith.constant 1 : i32
    %dma_start3A_25 = arith.constant 1 : i32
    %dma_start3A_26 = arith.constant 0 : i32
    %dma_start3A_27 = arith.constant 0 : i32
    %dma_start3A_28 = tpu.memref_slice %arg13[%dma_start3A_24, %dma_start3A_26, %dma_start3A_27] : memref<4x32x512xf32, #tpu.memory_space<vmem>> -> memref<1x32x512xf32, #tpu.memory_space<vmem>>
    %dma_start3A_29 = tpu.memref_squeeze %dma_start3A_28 : memref<1x32x512xf32, #tpu.memory_space<vmem>> -> memref<32x512xf32, #tpu.memory_space<vmem>>
    %dma_start3A_30 = arith.constant 0 : i32
    %dma_start3A_31 = tpu.memref_slice %arg2[%dma_start3A_30, %mul3A_23] : memref<32x1000000xf32, #tpu.memory_space<hbm>> -> memref<32x512xf32, #tpu.memory_space<hbm>>
    %dma_start3A_32 = tpu.memref_slice %arg16[%dma_start3A_25] : memref<4x!tpu.dma_semaphore, #tpu.memory_space<semaphore_mem>> -> memref<1x!tpu.dma_semaphore, #tpu.memory_space<semaphore_mem>>
    %dma_start3A_33 = tpu.memref_squeeze %dma_start3A_32 : memref<1x!tpu.dma_semaphore, #tpu.memory_space<semaphore_mem>> -> memref<!tpu.dma_semaphore, #tpu.memory_space<semaphore_mem>>
    %dma_start3A_34 = arith.constant 0 : i32
    %dma_start3A_35 = arith.constant 0 : i32
    %dma_start3A_36 = tpu.memref_slice %arg13[%dma_start3A_24, %dma_start3A_34, %dma_start3A_35] : memref<4x32x512xf32, #tpu.memory_space<vmem>> -> memref<1x32x512xf32, #tpu.memory_space<vmem>>
    %dma_start3A_37 = tpu.memref_squeeze %dma_start3A_36 : memref<1x32x512xf32, #tpu.memory_space<vmem>> -> memref<32x512xf32, #tpu.memory_space<vmem>>
    %dma_start3A_38 = arith.constant 0 : i32
    %dma_start3A_39 = tpu.memref_slice %arg2[%dma_start3A_38, %mul3A_23] : memref<32x1000000xf32, #tpu.memory_space<hbm>> -> memref<32x512xf32, #tpu.memory_space<hbm>>
    tpu.enqueue_dma source(%dma_start3A_39 : memref<32x512xf32, #tpu.memory_space<hbm>>) target(%dma_start3A_37 : memref<32x512xf32, #tpu.memory_space<vmem>>) target_semaphore(%dma_start3A_33 : memref<!tpu.dma_semaphore, #tpu.memory_space<semaphore_mem>>)
    %mul3A_40 = arith.constant 32768 : i32
    %mul3A_41 = arith.muli %arg1, %mul3A_40 : i32
    %mul3A_42 = arith.constant 32768 : i32
    %mul3A_43 = arith.muli %arg1, %mul3A_42 : i32
    "tpu.region"() ({
      %run_scoped3A = tpu.sem_alloc : memref<!tpu.dma_semaphore, #tpu.memory_space<semaphore_mem>>
      %dma_start3A_154 = tpu.memref_slice %arg15[%mul3A_43] : memref<524288xf32, #tpu.memory_space<vmem_shared>> -> memref<32768xf32, #tpu.memory_space<vmem_shared>>
      %dma_start3A_155 = tpu.memref_slice %arg5[%mul3A_41] : memref<524288xf32, #tpu.memory_space<hbm>> -> memref<32768xf32, #tpu.memory_space<hbm>>
      tpu.enqueue_dma source(%dma_start3A_155 : memref<32768xf32, #tpu.memory_space<hbm>>) target(%dma_start3A_154 : memref<32768xf32, #tpu.memory_space<vmem_shared>>) target_semaphore(%run_scoped3A : memref<!tpu.dma_semaphore, #tpu.memory_space<semaphore_mem>>)
      %dma_wait3A_156 = tpu.memref_slice %arg15[%mul3A_43] : memref<524288xf32, #tpu.memory_space<vmem_shared>> -> memref<32768xf32, #tpu.memory_space<vmem_shared>>
      %dma_wait3A_157 = tpu.memref_slice %arg5[%mul3A_41] : memref<524288xf32, #tpu.memory_space<hbm>> -> memref<32768xf32, #tpu.memory_space<hbm>>
      tpu.wait_dma2 semaphore(%run_scoped3A : memref<!tpu.dma_semaphore, #tpu.memory_space<semaphore_mem>>) src(%dma_wait3A_157 : memref<32768xf32, #tpu.memory_space<hbm>>) dst(%dma_wait3A_156 : memref<32768xf32, #tpu.memory_space<vmem_shared>>)
      tpu.yield
    }) : () -> ()
    "tpu.region"() ({
      %run_scoped3A = tpu.sem_alloc : memref<!tpu.dma_semaphore, #tpu.memory_space<semaphore_mem>>
      %dma_start3A_154 = arith.constant 0 : i32
      %dma_start3A_155 = tpu.memref_slice %arg8[%dma_start3A_154] : memref<16400xi32, #tpu.memory_space<vmem>> -> memref<16384xi32, #tpu.memory_space<vmem>>
      %dma_start3A_156 = arith.constant 0 : i32
      %dma_start3A_157 = tpu.memref_slice %arg8[%dma_start3A_156] : memref<16400xi32, #tpu.memory_space<vmem>> -> memref<16384xi32, #tpu.memory_space<vmem>>
      tpu.enqueue_dma source(%arg4 : memref<16384xi32, #tpu.memory_space<hbm>>) target(%dma_start3A_157 : memref<16384xi32, #tpu.memory_space<vmem>>) target_semaphore(%run_scoped3A : memref<!tpu.dma_semaphore, #tpu.memory_space<semaphore_mem>>)
      %dma_wait3A_158 = arith.constant 0 : i32
      %dma_wait3A_159 = tpu.memref_slice %arg8[%dma_wait3A_158] : memref<16400xi32, #tpu.memory_space<vmem>> -> memref<16384xi32, #tpu.memory_space<vmem>>
      %dma_wait3A_160 = arith.constant 0 : i32
      %dma_wait3A_161 = tpu.memref_slice %arg8[%dma_wait3A_160] : memref<16400xi32, #tpu.memory_space<vmem>> -> memref<16384xi32, #tpu.memory_space<vmem>>
      tpu.wait_dma2 semaphore(%run_scoped3A : memref<!tpu.dma_semaphore, #tpu.memory_space<semaphore_mem>>) src(%arg4 : memref<16384xi32, #tpu.memory_space<hbm>>) dst(%dma_wait3A_161 : memref<16384xi32, #tpu.memory_space<vmem>>)
      tpu.yield
    }) : () -> ()
    %barrier3A = arith.constant 0 : index
    tpu.barrier barrier_id(%barrier3A)
    %scan3A = arith.constant 0 : i32
    %scan3A_44 = arith.constant 0 : i32
    %scan3A_45 = arith.constant 1024 : i32
    %scan3A_46 = arith.addi %scan3A_44, %scan3A_45 : i32
    %scan3A_47 = arith.constant 2 : i32
    %scan3A_48 = scf.for %scan3A_154 = %scan3A_44 to %scan3A_46 step %scan3A_47 iter_args(%scan3A_155 = %scan3A) -> (i32)  : i32 {
      %mul3A_156 = arith.constant 16 : i32
      %mul3A_157 = arith.muli %scan3A_154, %mul3A_156 : i32
      %get3A = arith.index_cast %mul3A_157 : i32 to index
      %get3A_158 = tpu.vector_load %arg8[%get3A] {strides = array<i32>} : memref<16400xi32, #tpu.memory_space<vmem>>, vector<16xi32>,
      %shift_right_logical3A = arith.constant 9 : i32
      %shift_right_logical3A_159 = vector.broadcast %shift_right_logical3A : i32 to vector<16xi32>
      %shift_right_logical3A_160 = arith.shrui %get3A_158, %shift_right_logical3A_159 : vector<16xi32>
      %and3A = arith.constant 31 : i32
      %and3A_161 = vector.broadcast %and3A : i32 to vector<16xi32>
      %and3A_162 = arith.andi %shift_right_logical3A_160, %and3A_161 : vector<16xi32>
      %eq3A_163 = vector.broadcast %add3A : i32 to vector<16xi32>
      %eq3A_164 = arith.cmpi eq, %and3A_162, %eq3A_163 : vector<16xi32>
      %all_reduce_population_count3A = tpu.all_reduce %eq3A_164 {dim = 0 : i64, kind = #tpu.reduction_kind<sum>} : vector<16xi1> -> vector<16xi32>
      %slice3A = vector.extract_strided_slice %all_reduce_population_count3A {offsets = [0], sizes = [1], strides = [1]} : vector<16xi32> to vector<1xi32>
      %squeeze3A = vector.extract %slice3A[0] : i32 from vector<1xi32>
      %gt3A_165 = arith.constant 0 : i32
      %gt3A_166 = arith.cmpi sgt, %squeeze3A, %gt3A_165 : i32
      %add3A_167 = arith.addi %scan3A_155, %squeeze3A : i32
      %le3A = arith.constant 4096 : i32
      %le3A_168 = arith.cmpi sle, %add3A_167, %le3A : i32
      %and3A_169 = arith.andi %gt3A_166, %le3A_168 : i1
      %convert_element_type3A_170 = arith.extui %and3A_169 : i1 to i32
      %cond3A_171 = arith.constant 0 : i32
      %cond3A_172 = arith.cmpi ne, %convert_element_type3A_170, %cond3A_171 : i32
      scf.if %cond3A_172 {
        %mul3A_201 = arith.constant 16 : i32
        %mul3A_202 = arith.muli %scan3A_154, %mul3A_201 : i32
        %add3A_203 = vector.broadcast %mul3A_202 : i32 to vector<16xi32>
        %add3A_204 = arith.addi %iota3A, %add3A_203 : vector<16xi32>
        %swap3A = arith.index_cast %scan3A_155 : i32 to index
        %swap3A_205 = tpu.vector_load %arg9[%swap3A] masked %eq3A_164 {strides = array<i32>} : memref<4112xi32, #tpu.memory_space<vmem>>, vector<16xi32>, vector<16xi1>
        tpu.vector_store %arg9[%swap3A], %add3A_204 masked %eq3A_164 {strides = array<i32>} : memref<4112xi32, #tpu.memory_space<vmem>>, vector<16xi32>, vector<16xi1>
        %swap3A_206 = arith.index_cast %scan3A_155 : i32 to index
        %swap3A_207 = tpu.vector_load %arg8[%swap3A_206] masked %eq3A_164 {strides = array<i32>} : memref<16400xi32, #tpu.memory_space<vmem>>, vector<16xi32>, vector<16xi1>
        tpu.vector_store %arg8[%swap3A_206], %get3A_158 masked %eq3A_164 {strides = array<i32>} : memref<16400xi32, #tpu.memory_space<vmem>>, vector<16xi32>, vector<16xi1>
      } else {
      }
      %add3A_173 = arith.addi %scan3A_155, %squeeze3A : i32
      %scan3A_174 = arith.constant 1 : i32
      %scan3A_175 = arith.addi %scan3A_154, %scan3A_174 : i32
      %mul3A_176 = arith.constant 16 : i32
      %mul3A_177 = arith.muli %scan3A_175, %mul3A_176 : i32
      %get3A_178 = arith.index_cast %mul3A_177 : i32 to index
      %get3A_179 = tpu.vector_load %arg8[%get3A_178] {strides = array<i32>} : memref<16400xi32, #tpu.memory_space<vmem>>, vector<16xi32>,
      %shift_right_logical3A_180 = arith.constant 9 : i32
      %shift_right_logical3A_181 = vector.broadcast %shift_right_logical3A_180 : i32 to vector<16xi32>
      %shift_right_logical3A_182 = arith.shrui %get3A_179, %shift_right_logical3A_181 : vector<16xi32>
      %and3A_183 = arith.constant 31 : i32
      %and3A_184 = vector.broadcast %and3A_183 : i32 to vector<16xi32>
      %and3A_185 = arith.andi %shift_right_logical3A_182, %and3A_184 : vector<16xi32>
      %eq3A_186 = vector.broadcast %add3A : i32 to vector<16xi32>
      %eq3A_187 = arith.cmpi eq, %and3A_185, %eq3A_186 : vector<16xi32>
      %all_reduce_population_count3A_188 = tpu.all_reduce %eq3A_187 {dim = 0 : i64, kind = #tpu.reduction_kind<sum>} : vector<16xi1> -> vector<16xi32>
      %slice3A_189 = vector.extract_strided_slice %all_reduce_population_count3A_188 {offsets = [0], sizes = [1], strides = [1]} : vector<16xi32> to vector<1xi32>
      %squeeze3A_190 = vector.extract %slice3A_189[0] : i32 from vector<1xi32>
      %gt3A_191 = arith.constant 0 : i32
      %gt3A_192 = arith.cmpi sgt, %squeeze3A_190, %gt3A_191 : i32
      %add3A_193 = arith.addi %add3A_173, %squeeze3A_190 : i32
      %le3A_194 = arith.constant 4096 : i32
      %le3A_195 = arith.cmpi sle, %add3A_193, %le3A_194 : i32
      %and3A_196 = arith.andi %gt3A_192, %le3A_195 : i1
      %convert_element_type3A_197 = arith.extui %and3A_196 : i1 to i32
      %cond3A_198 = arith.constant 0 : i32
      %cond3A_199 = arith.cmpi ne, %convert_element_type3A_197, %cond3A_198 : i32
      scf.if %cond3A_199 {
        %mul3A_201 = arith.constant 16 : i32
        %mul3A_202 = arith.muli %scan3A_175, %mul3A_201 : i32
        %add3A_203 = vector.broadcast %mul3A_202 : i32 to vector<16xi32>
        %add3A_204 = arith.addi %iota3A, %add3A_203 : vector<16xi32>
        %swap3A = arith.index_cast %add3A_173 : i32 to index
        %swap3A_205 = tpu.vector_load %arg9[%swap3A] masked %eq3A_187 {strides = array<i32>} : memref<4112xi32, #tpu.memory_space<vmem>>, vector<16xi32>, vector<16xi1>
        tpu.vector_store %arg9[%swap3A], %add3A_204 masked %eq3A_187 {strides = array<i32>} : memref<4112xi32, #tpu.memory_space<vmem>>, vector<16xi32>, vector<16xi1>
        %swap3A_206 = arith.index_cast %add3A_173 : i32 to index
        %swap3A_207 = tpu.vector_load %arg8[%swap3A_206] masked %eq3A_187 {strides = array<i32>} : memref<16400xi32, #tpu.memory_space<vmem>>, vector<16xi32>, vector<16xi1>
        tpu.vector_store %arg8[%swap3A_206], %get3A_179 masked %eq3A_187 {strides = array<i32>} : memref<16400xi32, #tpu.memory_space<vmem>>, vector<16xi32>, vector<16xi1>
      } else {
      }
      %add3A_200 = arith.addi %add3A_173, %squeeze3A_190 : i32
      scf.yield %add3A_200 : i32
    }
    %scan3A_49 = arith.constant 1024 : i32
    %gt3A = arith.constant 4096 : i32
    %gt3A_50 = arith.cmpi sgt, %scan3A_48, %gt3A : i32
    %not3A = arith.constant true
    %not3A_51 = arith.xori %gt3A_50, %not3A : i1
    %convert_element_type3A = arith.extui %not3A_51 : i1 to i32
    %cond3A = arith.constant 0 : i32
    %cond3A_52 = arith.cmpi ne, %convert_element_type3A, %cond3A : i32
    scf.if %cond3A_52 {
      %broadcast_in_dim3A = arith.constant 2147483647 : i32
      %broadcast_in_dim3A_154 = vector.broadcast %broadcast_in_dim3A : i32 to vector<16xi32>
      %swap3A = arith.index_cast %scan3A_48 : i32 to index
      %swap3A_155 = tpu.vector_load %arg8[%swap3A] masked %ge3A_2 {strides = array<i32>} : memref<16400xi32, #tpu.memory_space<vmem>>, vector<16xi32>, vector<16xi1>
      tpu.vector_store %arg8[%swap3A], %broadcast_in_dim3A_154 masked %ge3A_2 {strides = array<i32>} : memref<16400xi32, #tpu.memory_space<vmem>>, vector<16xi32>, vector<16xi1>
    } else {
    }
    %convert_element_type3A_53 = arith.extui %gt3A_50 : i1 to i32
    %cond3A_54 = arith.constant 0 : i32
    %cond3A_55 = arith.cmpi ne, %convert_element_type3A_53, %cond3A_54 : i32
    scf.if %cond3A_55 {
      "tpu.region"() ({
        %run_scoped3A = tpu.sem_alloc : memref<!tpu.dma_semaphore, #tpu.memory_space<semaphore_mem>>
        %dma_start3A_154 = arith.constant 0 : i32
        %dma_start3A_155 = tpu.memref_slice %arg8[%dma_start3A_154] : memref<16400xi32, #tpu.memory_space<vmem>> -> memref<16384xi32, #tpu.memory_space<vmem>>
        %dma_start3A_156 = arith.constant 0 : i32
        %dma_start3A_157 = tpu.memref_slice %arg8[%dma_start3A_156] : memref<16400xi32, #tpu.memory_space<vmem>> -> memref<16384xi32, #tpu.memory_space<vmem>>
        tpu.enqueue_dma source(%arg4 : memref<16384xi32, #tpu.memory_space<hbm>>) target(%dma_start3A_157 : memref<16384xi32, #tpu.memory_space<vmem>>) target_semaphore(%run_scoped3A : memref<!tpu.dma_semaphore, #tpu.memory_space<semaphore_mem>>)
        %dma_wait3A_158 = arith.constant 0 : i32
        %dma_wait3A_159 = tpu.memref_slice %arg8[%dma_wait3A_158] : memref<16400xi32, #tpu.memory_space<vmem>> -> memref<16384xi32, #tpu.memory_space<vmem>>
        %dma_wait3A_160 = arith.constant 0 : i32
        %dma_wait3A_161 = tpu.memref_slice %arg8[%dma_wait3A_160] : memref<16400xi32, #tpu.memory_space<vmem>> -> memref<16384xi32, #tpu.memory_space<vmem>>
        tpu.wait_dma2 semaphore(%run_scoped3A : memref<!tpu.dma_semaphore, #tpu.memory_space<semaphore_mem>>) src(%arg4 : memref<16384xi32, #tpu.memory_space<hbm>>) dst(%dma_wait3A_161 : memref<16384xi32, #tpu.memory_space<vmem>>)
        tpu.yield
      }) : () -> ()
    } else {
    }
    %add3A_56 = arith.constant 16 : i32
    %add3A_57 = arith.addi %scan3A_48, %add3A_56 : i32
    %sub3A = arith.constant 1 : i32
    %sub3A_58 = arith.subi %add3A_57, %sub3A : i32
    %div3A = arith.constant 16 : i32
    %div3A_59 = arith.divsi %sub3A_58, %div3A : i32
    %scan3A_60 = arith.constant 0 : i32
    %scan3A_61 = arith.constant 0 : i32
    %scan3A_62 = arith.constant 61 : i32
    %scan3A_63 = arith.addi %scan3A_61, %scan3A_62 : i32
    %scan3A_64 = arith.constant 1 : i32
    %scan3A_65 = scf.for %scan3A_154 = %scan3A_61 to %scan3A_63 step %scan3A_64 iter_args(%scan3A_155 = %scan3A_60) -> (i32)  : i32 {
      %and3A = arith.constant 3 : i32
      %and3A_156 = arith.andi %scan3A_154, %and3A : i32
      %mul3A_157 = arith.constant 32 : i32
      %mul3A_158 = arith.muli %mul3A_157, %scan3A_154 : i32
      %add3A_159 = arith.addi %add3A, %mul3A_158 : i32
      %mul3A_160 = arith.constant 512 : i32
      %mul3A_161 = arith.muli %add3A_159, %mul3A_160 : i32
      %dma_wait3A_162 = arith.constant 0 : i32
      %dma_wait3A_163 = arith.constant 0 : i32
      %dma_wait3A_164 = tpu.memref_slice %arg13[%and3A_156, %dma_wait3A_162, %dma_wait3A_163] : memref<4x32x512xf32, #tpu.memory_space<vmem>> -> memref<1x32x512xf32, #tpu.memory_space<vmem>>
      %dma_wait3A_165 = tpu.memref_squeeze %dma_wait3A_164 : memref<1x32x512xf32, #tpu.memory_space<vmem>> -> memref<32x512xf32, #tpu.memory_space<vmem>>
      %dma_wait3A_166 = arith.constant 0 : i32
      %dma_wait3A_167 = tpu.memref_slice %arg2[%dma_wait3A_166, %mul3A_161] : memref<32x1000000xf32, #tpu.memory_space<hbm>> -> memref<32x512xf32, #tpu.memory_space<hbm>>
      %dma_wait3A_168 = tpu.memref_slice %arg16[%and3A_156] : memref<4x!tpu.dma_semaphore, #tpu.memory_space<semaphore_mem>> -> memref<1x!tpu.dma_semaphore, #tpu.memory_space<semaphore_mem>>
      %dma_wait3A_169 = tpu.memref_squeeze %dma_wait3A_168 : memref<1x!tpu.dma_semaphore, #tpu.memory_space<semaphore_mem>> -> memref<!tpu.dma_semaphore, #tpu.memory_space<semaphore_mem>>
      %dma_wait3A_170 = arith.constant 0 : i32
      %dma_wait3A_171 = arith.constant 0 : i32
      %dma_wait3A_172 = tpu.memref_slice %arg13[%and3A_156, %dma_wait3A_170, %dma_wait3A_171] : memref<4x32x512xf32, #tpu.memory_space<vmem>> -> memref<1x32x512xf32, #tpu.memory_space<vmem>>
      %dma_wait3A_173 = tpu.memref_squeeze %dma_wait3A_172 : memref<1x32x512xf32, #tpu.memory_space<vmem>> -> memref<32x512xf32, #tpu.memory_space<vmem>>
      %dma_wait3A_174 = arith.constant 0 : i32
      %dma_wait3A_175 = tpu.memref_slice %arg2[%dma_wait3A_174, %mul3A_161] : memref<32x1000000xf32, #tpu.memory_space<hbm>> -> memref<32x512xf32, #tpu.memory_space<hbm>>
      tpu.wait_dma2 semaphore(%dma_wait3A_169 : memref<!tpu.dma_semaphore, #tpu.memory_space<semaphore_mem>>) src(%dma_wait3A_175 : memref<32x512xf32, #tpu.memory_space<hbm>>) dst(%dma_wait3A_173 : memref<32x512xf32, #tpu.memory_space<vmem>>)
      %add3A_176 = arith.constant 2 : i32
      %add3A_177 = arith.addi %scan3A_154, %add3A_176 : i32
      %lt3A_178 = arith.constant 61 : i32
      %lt3A_179 = arith.cmpi slt, %add3A_177, %lt3A_178 : i32
      %convert_element_type3A_180 = arith.extui %lt3A_179 : i1 to i32
      %cond3A_181 = arith.constant 0 : i32
      %cond3A_182 = arith.cmpi ne, %convert_element_type3A_180, %cond3A_181 : i32
      scf.if %cond3A_182 {
        %add3A_208 = arith.constant 2 : i32
        %add3A_209 = arith.addi %scan3A_154, %add3A_208 : i32
        %and3A_210 = arith.constant 3 : i32
        %and3A_211 = arith.andi %add3A_209, %and3A_210 : i32
        %ge3A_212 = arith.constant 2 : i32
        %ge3A_213 = arith.cmpi sge, %scan3A_154, %ge3A_212 : i32
        %convert_element_type3A_214 = arith.extui %ge3A_213 : i1 to i32
        %cond3A_215 = arith.constant 0 : i32
        %cond3A_216 = arith.cmpi ne, %convert_element_type3A_214, %cond3A_215 : i32
        scf.if %cond3A_216 {
          %sub3A_235 = arith.constant 64 : i32
          %sub3A_236 = arith.subi %add3A_159, %sub3A_235 : i32
          %mul3A_237 = arith.constant 512 : i32
          %mul3A_238 = arith.muli %sub3A_236, %mul3A_237 : i32
          %dma_wait3A_239 = arith.constant 0 : i32
          %dma_wait3A_240 = arith.constant 0 : i32
          %dma_wait3A_241 = tpu.memref_slice %arg13[%and3A_211, %dma_wait3A_239, %dma_wait3A_240] : memref<4x32x512xf32, #tpu.memory_space<vmem>> -> memref<1x32x512xf32, #tpu.memory_space<vmem>>
          %dma_wait3A_242 = tpu.memref_squeeze %dma_wait3A_241 : memref<1x32x512xf32, #tpu.memory_space<vmem>> -> memref<32x512xf32, #tpu.memory_space<vmem>>
          %dma_wait3A_243 = arith.constant 0 : i32
          %dma_wait3A_244 = tpu.memref_slice %arg6[%dma_wait3A_243, %mul3A_238] : memref<32x1000000xf32, #tpu.memory_space<hbm>> -> memref<32x512xf32, #tpu.memory_space<hbm>>
          %dma_wait3A_245 = tpu.memref_slice %arg17[%and3A_211] : memref<4x!tpu.dma_semaphore, #tpu.memory_space<semaphore_mem>> -> memref<1x!tpu.dma_semaphore, #tpu.memory_space<semaphore_mem>>
          %dma_wait3A_246 = tpu.memref_squeeze %dma_wait3A_245 : memref<1x!tpu.dma_semaphore, #tpu.memory_space<semaphore_mem>> -> memref<!tpu.dma_semaphore, #tpu.memory_space<semaphore_mem>>
          %dma_wait3A_247 = arith.constant 0 : i32
          %dma_wait3A_248 = tpu.memref_slice %arg6[%dma_wait3A_247, %mul3A_238] : memref<32x1000000xf32, #tpu.memory_space<hbm>> -> memref<32x512xf32, #tpu.memory_space<hbm>>
          %dma_wait3A_249 = arith.constant 0 : i32
          %dma_wait3A_250 = arith.constant 0 : i32
          %dma_wait3A_251 = tpu.memref_slice %arg13[%and3A_211, %dma_wait3A_249, %dma_wait3A_250] : memref<4x32x512xf32, #tpu.memory_space<vmem>> -> memref<1x32x512xf32, #tpu.memory_space<vmem>>
          %dma_wait3A_252 = tpu.memref_squeeze %dma_wait3A_251 : memref<1x32x512xf32, #tpu.memory_space<vmem>> -> memref<32x512xf32, #tpu.memory_space<vmem>>
          tpu.wait_dma2 semaphore(%dma_wait3A_246 : memref<!tpu.dma_semaphore, #tpu.memory_space<semaphore_mem>>) src(%dma_wait3A_252 : memref<32x512xf32, #tpu.memory_space<vmem>>) dst(%dma_wait3A_248 : memref<32x512xf32, #tpu.memory_space<hbm>>)
        } else {
        }
        %add3A_217 = arith.constant 64 : i32
        %add3A_218 = arith.addi %add3A_159, %add3A_217 : i32
        %mul3A_219 = arith.constant 512 : i32
        %mul3A_220 = arith.muli %add3A_218, %mul3A_219 : i32
        %dma_start3A_221 = arith.constant 0 : i32
        %dma_start3A_222 = arith.constant 0 : i32
        %dma_start3A_223 = tpu.memref_slice %arg13[%and3A_211, %dma_start3A_221, %dma_start3A_222] : memref<4x32x512xf32, #tpu.memory_space<vmem>> -> memref<1x32x512xf32, #tpu.memory_space<vmem>>
        %dma_start3A_224 = tpu.memref_squeeze %dma_start3A_223 : memref<1x32x512xf32, #tpu.memory_space<vmem>> -> memref<32x512xf32, #tpu.memory_space<vmem>>
        %dma_start3A_225 = arith.constant 0 : i32
        %dma_start3A_226 = tpu.memref_slice %arg2[%dma_start3A_225, %mul3A_220] : memref<32x1000000xf32, #tpu.memory_space<hbm>> -> memref<32x512xf32, #tpu.memory_space<hbm>>
        %dma_start3A_227 = tpu.memref_slice %arg16[%and3A_211] : memref<4x!tpu.dma_semaphore, #tpu.memory_space<semaphore_mem>> -> memref<1x!tpu.dma_semaphore, #tpu.memory_space<semaphore_mem>>
        %dma_start3A_228 = tpu.memref_squeeze %dma_start3A_227 : memref<1x!tpu.dma_semaphore, #tpu.memory_space<semaphore_mem>> -> memref<!tpu.dma_semaphore, #tpu.memory_space<semaphore_mem>>
        %dma_start3A_229 = arith.constant 0 : i32
        %dma_start3A_230 = arith.constant 0 : i32
        %dma_start3A_231 = tpu.memref_slice %arg13[%and3A_211, %dma_start3A_229, %dma_start3A_230] : memref<4x32x512xf32, #tpu.memory_space<vmem>> -> memref<1x32x512xf32, #tpu.memory_space<vmem>>
        %dma_start3A_232 = tpu.memref_squeeze %dma_start3A_231 : memref<1x32x512xf32, #tpu.memory_space<vmem>> -> memref<32x512xf32, #tpu.memory_space<vmem>>
        %dma_start3A_233 = arith.constant 0 : i32
        %dma_start3A_234 = tpu.memref_slice %arg2[%dma_start3A_233, %mul3A_220] : memref<32x1000000xf32, #tpu.memory_space<hbm>> -> memref<32x512xf32, #tpu.memory_space<hbm>>
        tpu.enqueue_dma source(%dma_start3A_234 : memref<32x512xf32, #tpu.memory_space<hbm>>) target(%dma_start3A_232 : memref<32x512xf32, #tpu.memory_space<vmem>>) target_semaphore(%dma_start3A_228 : memref<!tpu.dma_semaphore, #tpu.memory_space<semaphore_mem>>)
      } else {
      }
      %not3A_183 = arith.constant true
      %not3A_184 = arith.xori %gt3A_50, %not3A_183 : i1
      %convert_element_type3A_185 = arith.extui %not3A_184 : i1 to i32
      %cond3A_186 = arith.constant 0 : i32
      %cond3A_187 = arith.cmpi ne, %convert_element_type3A_185, %cond3A_186 : i32
      scf.if %cond3A_187 {
        %while3A = arith.constant 0 : i32
        %while3A_208 = arith.constant 0 : i32
        %while3A_209 = arith.subi %div3A_59, %while3A : i32
        %while3A_210 = arith.addi %while3A, %while3A_209 : i32
        %while3A_211 = arith.constant 1 : i32
        %while3A_212 = arith.divsi %while3A_209, %while3A_211 : i32
        %while3A_213 = arith.muli %while3A_212, %while3A_211 : i32
        %while3A_214 = arith.addi %while3A, %while3A_213 : i32
        %while3A_215 = arith.constant 1 : i32
        %while3A_216 = scf.for %while3A_219 = %while3A to %while3A_214 step %while3A_215 iter_args(%while3A_220 = %while3A_208) -> (i32)  : i32 {
          %mul3A_221 = arith.constant 16 : i32
          %mul3A_222 = arith.muli %while3A_219, %mul3A_221 : i32
          %get3A = arith.index_cast %mul3A_222 : i32 to index
          %get3A_223 = tpu.vector_load %arg8[%get3A] {strides = array<i32>} : memref<16400xi32, #tpu.memory_space<vmem>>, vector<16xi32>,
          %shift_right_logical3A = arith.constant 9 : i32
          %shift_right_logical3A_224 = vector.broadcast %shift_right_logical3A : i32 to vector<16xi32>
          %shift_right_logical3A_225 = arith.shrui %get3A_223, %shift_right_logical3A_224 : vector<16xi32>
          %eq3A_226 = vector.broadcast %add3A_159 : i32 to vector<16xi32>
          %eq3A_227 = arith.cmpi eq, %shift_right_logical3A_225, %eq3A_226 : vector<16xi32>
          %and3A_228 = arith.constant 511 : i32
          %and3A_229 = vector.broadcast %and3A_228 : i32 to vector<16xi32>
          %and3A_230 = arith.andi %get3A_223, %and3A_229 : vector<16xi32>
          %all_reduce_population_count3A = tpu.all_reduce %eq3A_227 {dim = 0 : i64, kind = #tpu.reduction_kind<sum>} : vector<16xi1> -> vector<16xi32>
          %slice3A = vector.extract_strided_slice %all_reduce_population_count3A {offsets = [0], sizes = [1], strides = [1]} : vector<16xi32> to vector<1xi32>
          %squeeze3A = vector.extract %slice3A[0] : i32 from vector<1xi32>
          %gt3A_231 = arith.constant 0 : i32
          %gt3A_232 = arith.cmpi sgt, %squeeze3A, %gt3A_231 : i32
          %convert_element_type3A_233 = arith.extui %gt3A_232 : i1 to i32
          %cond3A_234 = arith.constant 0 : i32
          %cond3A_235 = arith.cmpi ne, %convert_element_type3A_233, %cond3A_234 : i32
          scf.if %cond3A_235 {
            %swap3A = arith.constant 0 : index
            %swap3A_237 = tpu.vector_load %arg11[%swap3A] masked %eq3A_227 {strides = array<i32>} : memref<32xi32, #tpu.memory_space<vmem>>, vector<16xi32>, vector<16xi1>
            tpu.vector_store %arg11[%swap3A], %and3A_230 masked %eq3A_227 {strides = array<i32>} : memref<32xi32, #tpu.memory_space<vmem>>, vector<16xi32>, vector<16xi1>
            %mul3A_238 = arith.constant 16 : i32
            %mul3A_239 = arith.muli %while3A_219, %mul3A_238 : i32
            %get3A_240 = arith.index_cast %mul3A_239 : i32 to index
            %get3A_241 = tpu.vector_load %arg9[%get3A_240] {strides = array<i32>} : memref<4112xi32, #tpu.memory_space<vmem>>, vector<16xi32>,
            %swap3A_242 = arith.constant 0 : index
            %swap3A_243 = tpu.vector_load %arg10[%swap3A_242] masked %eq3A_227 {strides = array<i32>} : memref<32xi32, #tpu.memory_space<vmem>>, vector<16xi32>, vector<16xi1>
            tpu.vector_store %arg10[%swap3A_242], %get3A_241 masked %eq3A_227 {strides = array<i32>} : memref<32xi32, #tpu.memory_space<vmem>>, vector<16xi32>, vector<16xi1>
            %while3A_244 = arith.constant 0 : i32
            %while3A_245 = arith.constant 0 : i32
            %while3A_246 = arith.subi %squeeze3A, %while3A_245 : i32
            %while3A_247 = arith.addi %while3A_245, %while3A_246 : i32
            %while3A_248 = arith.constant 1 : i32
            %while3A_249 = arith.divsi %while3A_246, %while3A_248 : i32
            %while3A_250 = arith.muli %while3A_249, %while3A_248 : i32
            %while3A_251 = arith.addi %while3A_245, %while3A_250 : i32
            %while3A_252 = arith.constant 1 : i32
            scf.for %while3A_274 = %while3A_245 to %while3A_251 step %while3A_252  : i32 {
              %get3A_275 = arith.index_cast %while3A_274 : i32 to index
              %get3A_276 = tpu.vector_load %arg10[%get3A_275] {strides = array<i32>} : memref<32xi32, #tpu.memory_space<vmem>>, vector<16xi32>,
              %slice3A_277 = vector.extract_strided_slice %get3A_276 {offsets = [0], sizes = [1], strides = [1]} : vector<16xi32> to vector<1xi32>
              %squeeze3A_278 = vector.extract %slice3A_277[0] : i32 from vector<1xi32>
              %mul3A_279 = arith.constant 32 : i32
              %mul3A_280 = arith.muli %squeeze3A_278, %mul3A_279 : i32
              %mul3A_281 = arith.constant 32 : i32
              %mul3A_282 = arith.muli %while3A_274, %mul3A_281 : i32
              %dma_start3A_283 = tpu.memref_slice %arg14[%mul3A_282] : memref<512xf32, #tpu.memory_space<vmem>> -> memref<32xf32, #tpu.memory_space<vmem>>
              %dma_start3A_284 = tpu.memref_slice %arg15[%mul3A_280] : memref<524288xf32, #tpu.memory_space<vmem_shared>> -> memref<32xf32, #tpu.memory_space<vmem_shared>>
              %dma_start3A_285 = tpu.memref_slice %arg14[%mul3A_282] : memref<512xf32, #tpu.memory_space<vmem>> -> memref<32xf32, #tpu.memory_space<vmem>>
              %dma_start3A_286 = tpu.memref_slice %arg15[%mul3A_280] : memref<524288xf32, #tpu.memory_space<vmem_shared>> -> memref<32xf32, #tpu.memory_space<vmem_shared>>
              tpu.enqueue_dma source(%dma_start3A_286 : memref<32xf32, #tpu.memory_space<vmem_shared>>) target(%dma_start3A_285 : memref<32xf32, #tpu.memory_space<vmem>>) target_semaphore(%arg18 : memref<!tpu.dma_semaphore, #tpu.memory_space<semaphore_mem>>)
            }
            %while3A_253 = arith.constant 1 : i32
            scf.for %while3A_274 = %while3A_251 to %while3A_247 step %while3A_253  : i32 {
              %get3A_275 = arith.index_cast %while3A_274 : i32 to index
              %get3A_276 = tpu.vector_load %arg10[%get3A_275] {strides = array<i32>} : memref<32xi32, #tpu.memory_space<vmem>>, vector<16xi32>,
              %slice3A_277 = vector.extract_strided_slice %get3A_276 {offsets = [0], sizes = [1], strides = [1]} : vector<16xi32> to vector<1xi32>
              %squeeze3A_278 = vector.extract %slice3A_277[0] : i32 from vector<1xi32>
              %mul3A_279 = arith.constant 32 : i32
              %mul3A_280 = arith.muli %squeeze3A_278, %mul3A_279 : i32
              %mul3A_281 = arith.constant 32 : i32
              %mul3A_282 = arith.muli %while3A_274, %mul3A_281 : i32
              %dma_start3A_283 = tpu.memref_slice %arg14[%mul3A_282] : memref<512xf32, #tpu.memory_space<vmem>> -> memref<32xf32, #tpu.memory_space<vmem>>
              %dma_start3A_284 = tpu.memref_slice %arg15[%mul3A_280] : memref<524288xf32, #tpu.memory_space<vmem_shared>> -> memref<32xf32, #tpu.memory_space<vmem_shared>>
              %dma_start3A_285 = tpu.memref_slice %arg14[%mul3A_282] : memref<512xf32, #tpu.memory_space<vmem>> -> memref<32xf32, #tpu.memory_space<vmem>>
              %dma_start3A_286 = tpu.memref_slice %arg15[%mul3A_280] : memref<524288xf32, #tpu.memory_space<vmem_shared>> -> memref<32xf32, #tpu.memory_space<vmem_shared>>
              tpu.enqueue_dma source(%dma_start3A_286 : memref<32xf32, #tpu.memory_space<vmem_shared>>) target(%dma_start3A_285 : memref<32xf32, #tpu.memory_space<vmem>>) target_semaphore(%arg18 : memref<!tpu.dma_semaphore, #tpu.memory_space<semaphore_mem>>)
            }
            %while3A_254 = arith.constant 0 : i32
            %while3A_255 = arith.constant 0 : i32
            %while3A_256 = arith.subi %squeeze3A, %while3A_255 : i32
            %while3A_257 = arith.addi %while3A_255, %while3A_256 : i32
            %while3A_258 = arith.constant 1 : i32
            %while3A_259 = arith.divsi %while3A_256, %while3A_258 : i32
            %while3A_260 = arith.muli %while3A_259, %while3A_258 : i32
            %while3A_261 = arith.addi %while3A_255, %while3A_260 : i32
            %while3A_262 = arith.constant 1 : i32
            scf.for %while3A_274 = %while3A_255 to %while3A_261 step %while3A_262  : i32 {
              %dma_wait3A_275 = arith.constant 0 : i32
              %dma_wait3A_276 = tpu.memref_slice %arg14[%dma_wait3A_275] : memref<512xf32, #tpu.memory_space<vmem>> -> memref<32xf32, #tpu.memory_space<vmem>>
              %dma_wait3A_277 = arith.constant 0 : i32
              %dma_wait3A_278 = tpu.memref_slice %arg15[%dma_wait3A_277] : memref<524288xf32, #tpu.memory_space<vmem_shared>> -> memref<32xf32, #tpu.memory_space<vmem_shared>>
              %dma_wait3A_279 = arith.constant 0 : i32
              %dma_wait3A_280 = tpu.memref_slice %arg14[%dma_wait3A_279] : memref<512xf32, #tpu.memory_space<vmem>> -> memref<32xf32, #tpu.memory_space<vmem>>
              %dma_wait3A_281 = arith.constant 0 : i32
              %dma_wait3A_282 = tpu.memref_slice %arg15[%dma_wait3A_281] : memref<524288xf32, #tpu.memory_space<vmem_shared>> -> memref<32xf32, #tpu.memory_space<vmem_shared>>
              tpu.wait_dma2 semaphore(%arg18 : memref<!tpu.dma_semaphore, #tpu.memory_space<semaphore_mem>>) src(%dma_wait3A_282 : memref<32xf32, #tpu.memory_space<vmem_shared>>) dst(%dma_wait3A_280 : memref<32xf32, #tpu.memory_space<vmem>>)
            }
            %while3A_263 = arith.constant 1 : i32
            scf.for %while3A_274 = %while3A_261 to %while3A_257 step %while3A_263  : i32 {
              %dma_wait3A_275 = arith.constant 0 : i32
              %dma_wait3A_276 = tpu.memref_slice %arg14[%dma_wait3A_275] : memref<512xf32, #tpu.memory_space<vmem>> -> memref<32xf32, #tpu.memory_space<vmem>>
              %dma_wait3A_277 = arith.constant 0 : i32
              %dma_wait3A_278 = tpu.memref_slice %arg15[%dma_wait3A_277] : memref<524288xf32, #tpu.memory_space<vmem_shared>> -> memref<32xf32, #tpu.memory_space<vmem_shared>>
              %dma_wait3A_279 = arith.constant 0 : i32
              %dma_wait3A_280 = tpu.memref_slice %arg14[%dma_wait3A_279] : memref<512xf32, #tpu.memory_space<vmem>> -> memref<32xf32, #tpu.memory_space<vmem>>
              %dma_wait3A_281 = arith.constant 0 : i32
              %dma_wait3A_282 = tpu.memref_slice %arg15[%dma_wait3A_281] : memref<524288xf32, #tpu.memory_space<vmem_shared>> -> memref<32xf32, #tpu.memory_space<vmem_shared>>
              tpu.wait_dma2 semaphore(%arg18 : memref<!tpu.dma_semaphore, #tpu.memory_space<semaphore_mem>>) src(%dma_wait3A_282 : memref<32xf32, #tpu.memory_space<vmem_shared>>) dst(%dma_wait3A_280 : memref<32xf32, #tpu.memory_space<vmem>>)
            }
            %while3A_264 = arith.constant 0 : i32
            %while3A_265 = arith.constant 0 : i32
            %while3A_266 = arith.subi %squeeze3A, %while3A_265 : i32
            %while3A_267 = arith.addi %while3A_265, %while3A_266 : i32
            %while3A_268 = arith.constant 1 : i32
            %while3A_269 = arith.divsi %while3A_266, %while3A_268 : i32
            %while3A_270 = arith.muli %while3A_269, %while3A_268 : i32
            %while3A_271 = arith.addi %while3A_265, %while3A_270 : i32
            %while3A_272 = arith.constant 1 : i32
            scf.for %while3A_274 = %while3A_265 to %while3A_271 step %while3A_272  : i32 {
              %get3A_275 = arith.index_cast %while3A_274 : i32 to index
              %get3A_276 = tpu.vector_load %arg11[%get3A_275] {strides = array<i32>} : memref<32xi32, #tpu.memory_space<vmem>>, vector<16xi32>,
              %slice3A_277 = vector.extract_strided_slice %get3A_276 {offsets = [0], sizes = [1], strides = [1]} : vector<16xi32> to vector<1xi32>
              %squeeze3A_278 = vector.extract %slice3A_277[0] : i32 from vector<1xi32>
              %broadcast_in_dim3A = vector.broadcast %squeeze3A_278 : i32 to vector<16xi32>
              %broadcast_in_dim3A_279 = vector.broadcast %and3A_156 : i32 to vector<16xi32>
              %gather3A = tpu.vector_load_idx %arg13[%broadcast_in_dim3A_279, %iota3A, %broadcast_in_dim3A] : memref<4x32x512xf32, #tpu.memory_space<vmem>>[vector<16xi32>, vector<16xi32>, vector<16xi32>], vector<16xf32>,
              %add3A_280 = arith.constant 16 : i32
              %add3A_281 = vector.broadcast %add3A_280 : i32 to vector<16xi32>
              %add3A_282 = arith.addi %iota3A, %add3A_281 : vector<16xi32>
              %gather3A_283 = tpu.vector_load_idx %arg13[%broadcast_in_dim3A_279, %add3A_282, %broadcast_in_dim3A] : memref<4x32x512xf32, #tpu.memory_space<vmem>>[vector<16xi32>, vector<16xi32>, vector<16xi32>], vector<16xf32>,
              %mul3A_284 = arith.constant 32 : i32
              %mul3A_285 = arith.muli %while3A_274, %mul3A_284 : i32
              %get3A_286 = arith.index_cast %mul3A_285 : i32 to index
              %get3A_287 = tpu.vector_load %arg14[%get3A_286] {strides = array<i32>} : memref<512xf32, #tpu.memory_space<vmem>>, vector<16xf32>,
              %add3A_288 = arith.addf %gather3A, %get3A_287 : vector<16xf32>
              tpu.vector_store_idx %arg13[%broadcast_in_dim3A_279, %iota3A, %broadcast_in_dim3A], %add3A_288 : memref<4x32x512xf32, #tpu.memory_space<vmem>>[vector<16xi32>, vector<16xi32>, vector<16xi32>], vector<16xf32>,
              %add3A_289 = arith.constant 16 : i32
              %add3A_290 = vector.broadcast %add3A_289 : i32 to vector<16xi32>
              %add3A_291 = arith.addi %iota3A, %add3A_290 : vector<16xi32>
              %mul3A_292 = arith.constant 32 : i32
              %mul3A_293 = arith.muli %while3A_274, %mul3A_292 : i32
              %add3A_294 = arith.constant 16 : i32
              %add3A_295 = arith.addi %mul3A_293, %add3A_294 : i32
              %get3A_296 = arith.index_cast %add3A_295 : i32 to index
              %get3A_297 = tpu.vector_load %arg14[%get3A_296] {strides = array<i32>} : memref<512xf32, #tpu.memory_space<vmem>>, vector<16xf32>,
              %add3A_298 = arith.addf %gather3A_283, %get3A_297 : vector<16xf32>
              tpu.vector_store_idx %arg13[%broadcast_in_dim3A_279, %add3A_291, %broadcast_in_dim3A], %add3A_298 : memref<4x32x512xf32, #tpu.memory_space<vmem>>[vector<16xi32>, vector<16xi32>, vector<16xi32>], vector<16xf32>,
            }
            %while3A_273 = arith.constant 1 : i32
            scf.for %while3A_274 = %while3A_271 to %while3A_267 step %while3A_273  : i32 {
              %get3A_275 = arith.index_cast %while3A_274 : i32 to index
              %get3A_276 = tpu.vector_load %arg11[%get3A_275] {strides = array<i32>} : memref<32xi32, #tpu.memory_space<vmem>>, vector<16xi32>,
              %slice3A_277 = vector.extract_strided_slice %get3A_276 {offsets = [0], sizes = [1], strides = [1]} : vector<16xi32> to vector<1xi32>
              %squeeze3A_278 = vector.extract %slice3A_277[0] : i32 from vector<1xi32>
              %broadcast_in_dim3A = vector.broadcast %squeeze3A_278 : i32 to vector<16xi32>
              %broadcast_in_dim3A_279 = vector.broadcast %and3A_156 : i32 to vector<16xi32>
              %gather3A = tpu.vector_load_idx %arg13[%broadcast_in_dim3A_279, %iota3A, %broadcast_in_dim3A] : memref<4x32x512xf32, #tpu.memory_space<vmem>>[vector<16xi32>, vector<16xi32>, vector<16xi32>], vector<16xf32>,
              %add3A_280 = arith.constant 16 : i32
              %add3A_281 = vector.broadcast %add3A_280 : i32 to vector<16xi32>
              %add3A_282 = arith.addi %iota3A, %add3A_281 : vector<16xi32>
              %gather3A_283 = tpu.vector_load_idx %arg13[%broadcast_in_dim3A_279, %add3A_282, %broadcast_in_dim3A] : memref<4x32x512xf32, #tpu.memory_space<vmem>>[vector<16xi32>, vector<16xi32>, vector<16xi32>], vector<16xf32>,
              %mul3A_284 = arith.constant 32 : i32
              %mul3A_285 = arith.muli %while3A_274, %mul3A_284 : i32
              %get3A_286 = arith.index_cast %mul3A_285 : i32 to index
              %get3A_287 = tpu.vector_load %arg14[%get3A_286] {strides = array<i32>} : memref<512xf32, #tpu.memory_space<vmem>>, vector<16xf32>,
              %add3A_288 = arith.addf %gather3A, %get3A_287 : vector<16xf32>
              tpu.vector_store_idx %arg13[%broadcast_in_dim3A_279, %iota3A, %broadcast_in_dim3A], %add3A_288 : memref<4x32x512xf32, #tpu.memory_space<vmem>>[vector<16xi32>, vector<16xi32>, vector<16xi32>], vector<16xf32>,
              %add3A_289 = arith.constant 16 : i32
              %add3A_290 = vector.broadcast %add3A_289 : i32 to vector<16xi32>
              %add3A_291 = arith.addi %iota3A, %add3A_290 : vector<16xi32>
              %mul3A_292 = arith.constant 32 : i32
              %mul3A_293 = arith.muli %while3A_274, %mul3A_292 : i32
              %add3A_294 = arith.constant 16 : i32
              %add3A_295 = arith.addi %mul3A_293, %add3A_294 : i32
              %get3A_296 = arith.index_cast %add3A_295 : i32 to index
              %get3A_297 = tpu.vector_load %arg14[%get3A_296] {strides = array<i32>} : memref<512xf32, #tpu.memory_space<vmem>>, vector<16xf32>,
              %add3A_298 = arith.addf %gather3A_283, %get3A_297 : vector<16xf32>
              tpu.vector_store_idx %arg13[%broadcast_in_dim3A_279, %add3A_291, %broadcast_in_dim3A], %add3A_298 : memref<4x32x512xf32, #tpu.memory_space<vmem>>[vector<16xi32>, vector<16xi32>, vector<16xi32>], vector<16xf32>,
            }
          } else {
          }
          %while3A_236 = arith.constant 0 : i32
          scf.yield %while3A_236 : i32
        }
        %while3A_217 = arith.constant 1 : i32
        %while3A_218 = scf.for %while3A_219 = %while3A_214 to %while3A_210 step %while3A_217 iter_args(%while3A_220 = %while3A_216) -> (i32)  : i32 {
          %mul3A_221 = arith.constant 16 : i32
          %mul3A_222 = arith.muli %while3A_219, %mul3A_221 : i32
          %get3A = arith.index_cast %mul3A_222 : i32 to index
          %get3A_223 = tpu.vector_load %arg8[%get3A] {strides = array<i32>} : memref<16400xi32, #tpu.memory_space<vmem>>, vector<16xi32>,
          %shift_right_logical3A = arith.constant 9 : i32
          %shift_right_logical3A_224 = vector.broadcast %shift_right_logical3A : i32 to vector<16xi32>
          %shift_right_logical3A_225 = arith.shrui %get3A_223, %shift_right_logical3A_224 : vector<16xi32>
          %eq3A_226 = vector.broadcast %add3A_159 : i32 to vector<16xi32>
          %eq3A_227 = arith.cmpi eq, %shift_right_logical3A_225, %eq3A_226 : vector<16xi32>
          %and3A_228 = arith.constant 511 : i32
          %and3A_229 = vector.broadcast %and3A_228 : i32 to vector<16xi32>
          %and3A_230 = arith.andi %get3A_223, %and3A_229 : vector<16xi32>
          %all_reduce_population_count3A = tpu.all_reduce %eq3A_227 {dim = 0 : i64, kind = #tpu.reduction_kind<sum>} : vector<16xi1> -> vector<16xi32>
          %slice3A = vector.extract_strided_slice %all_reduce_population_count3A {offsets = [0], sizes = [1], strides = [1]} : vector<16xi32> to vector<1xi32>
          %squeeze3A = vector.extract %slice3A[0] : i32 from vector<1xi32>
          %gt3A_231 = arith.constant 0 : i32
          %gt3A_232 = arith.cmpi sgt, %squeeze3A, %gt3A_231 : i32
          %convert_element_type3A_233 = arith.extui %gt3A_232 : i1 to i32
          %cond3A_234 = arith.constant 0 : i32
          %cond3A_235 = arith.cmpi ne, %convert_element_type3A_233, %cond3A_234 : i32
          scf.if %cond3A_235 {
            %swap3A = arith.constant 0 : index
            %swap3A_237 = tpu.vector_load %arg11[%swap3A] masked %eq3A_227 {strides = array<i32>} : memref<32xi32, #tpu.memory_space<vmem>>, vector<16xi32>, vector<16xi1>
            tpu.vector_store %arg11[%swap3A], %and3A_230 masked %eq3A_227 {strides = array<i32>} : memref<32xi32, #tpu.memory_space<vmem>>, vector<16xi32>, vector<16xi1>
            %mul3A_238 = arith.constant 16 : i32
            %mul3A_239 = arith.muli %while3A_219, %mul3A_238 : i32
            %get3A_240 = arith.index_cast %mul3A_239 : i32 to index
            %get3A_241 = tpu.vector_load %arg9[%get3A_240] {strides = array<i32>} : memref<4112xi32, #tpu.memory_space<vmem>>, vector<16xi32>,
            %swap3A_242 = arith.constant 0 : index
            %swap3A_243 = tpu.vector_load %arg10[%swap3A_242] masked %eq3A_227 {strides = array<i32>} : memref<32xi32, #tpu.memory_space<vmem>>, vector<16xi32>, vector<16xi1>
            tpu.vector_store %arg10[%swap3A_242], %get3A_241 masked %eq3A_227 {strides = array<i32>} : memref<32xi32, #tpu.memory_space<vmem>>, vector<16xi32>, vector<16xi1>
            %while3A_244 = arith.constant 0 : i32
            %while3A_245 = arith.constant 0 : i32
            %while3A_246 = arith.subi %squeeze3A, %while3A_245 : i32
            %while3A_247 = arith.addi %while3A_245, %while3A_246 : i32
            %while3A_248 = arith.constant 1 : i32
            %while3A_249 = arith.divsi %while3A_246, %while3A_248 : i32
            %while3A_250 = arith.muli %while3A_249, %while3A_248 : i32
            %while3A_251 = arith.addi %while3A_245, %while3A_250 : i32
            %while3A_252 = arith.constant 1 : i32
            scf.for %while3A_274 = %while3A_245 to %while3A_251 step %while3A_252  : i32 {
              %get3A_275 = arith.index_cast %while3A_274 : i32 to index
              %get3A_276 = tpu.vector_load %arg10[%get3A_275] {strides = array<i32>} : memref<32xi32, #tpu.memory_space<vmem>>, vector<16xi32>,
              %slice3A_277 = vector.extract_strided_slice %get3A_276 {offsets = [0], sizes = [1], strides = [1]} : vector<16xi32> to vector<1xi32>
              %squeeze3A_278 = vector.extract %slice3A_277[0] : i32 from vector<1xi32>
              %mul3A_279 = arith.constant 32 : i32
              %mul3A_280 = arith.muli %squeeze3A_278, %mul3A_279 : i32
              %mul3A_281 = arith.constant 32 : i32
              %mul3A_282 = arith.muli %while3A_274, %mul3A_281 : i32
              %dma_start3A_283 = tpu.memref_slice %arg14[%mul3A_282] : memref<512xf32, #tpu.memory_space<vmem>> -> memref<32xf32, #tpu.memory_space<vmem>>
              %dma_start3A_284 = tpu.memref_slice %arg15[%mul3A_280] : memref<524288xf32, #tpu.memory_space<vmem_shared>> -> memref<32xf32, #tpu.memory_space<vmem_shared>>
              %dma_start3A_285 = tpu.memref_slice %arg14[%mul3A_282] : memref<512xf32, #tpu.memory_space<vmem>> -> memref<32xf32, #tpu.memory_space<vmem>>
              %dma_start3A_286 = tpu.memref_slice %arg15[%mul3A_280] : memref<524288xf32, #tpu.memory_space<vmem_shared>> -> memref<32xf32, #tpu.memory_space<vmem_shared>>
              tpu.enqueue_dma source(%dma_start3A_286 : memref<32xf32, #tpu.memory_space<vmem_shared>>) target(%dma_start3A_285 : memref<32xf32, #tpu.memory_space<vmem>>) target_semaphore(%arg18 : memref<!tpu.dma_semaphore, #tpu.memory_space<semaphore_mem>>)
            }
            %while3A_253 = arith.constant 1 : i32
            scf.for %while3A_274 = %while3A_251 to %while3A_247 step %while3A_253  : i32 {
              %get3A_275 = arith.index_cast %while3A_274 : i32 to index
              %get3A_276 = tpu.vector_load %arg10[%get3A_275] {strides = array<i32>} : memref<32xi32, #tpu.memory_space<vmem>>, vector<16xi32>,
              %slice3A_277 = vector.extract_strided_slice %get3A_276 {offsets = [0], sizes = [1], strides = [1]} : vector<16xi32> to vector<1xi32>
              %squeeze3A_278 = vector.extract %slice3A_277[0] : i32 from vector<1xi32>
              %mul3A_279 = arith.constant 32 : i32
              %mul3A_280 = arith.muli %squeeze3A_278, %mul3A_279 : i32
              %mul3A_281 = arith.constant 32 : i32
              %mul3A_282 = arith.muli %while3A_274, %mul3A_281 : i32
              %dma_start3A_283 = tpu.memref_slice %arg14[%mul3A_282] : memref<512xf32, #tpu.memory_space<vmem>> -> memref<32xf32, #tpu.memory_space<vmem>>
              %dma_start3A_284 = tpu.memref_slice %arg15[%mul3A_280] : memref<524288xf32, #tpu.memory_space<vmem_shared>> -> memref<32xf32, #tpu.memory_space<vmem_shared>>
              %dma_start3A_285 = tpu.memref_slice %arg14[%mul3A_282] : memref<512xf32, #tpu.memory_space<vmem>> -> memref<32xf32, #tpu.memory_space<vmem>>
              %dma_start3A_286 = tpu.memref_slice %arg15[%mul3A_280] : memref<524288xf32, #tpu.memory_space<vmem_shared>> -> memref<32xf32, #tpu.memory_space<vmem_shared>>
              tpu.enqueue_dma source(%dma_start3A_286 : memref<32xf32, #tpu.memory_space<vmem_shared>>) target(%dma_start3A_285 : memref<32xf32, #tpu.memory_space<vmem>>) target_semaphore(%arg18 : memref<!tpu.dma_semaphore, #tpu.memory_space<semaphore_mem>>)
            }
            %while3A_254 = arith.constant 0 : i32
            %while3A_255 = arith.constant 0 : i32
            %while3A_256 = arith.subi %squeeze3A, %while3A_255 : i32
            %while3A_257 = arith.addi %while3A_255, %while3A_256 : i32
            %while3A_258 = arith.constant 1 : i32
            %while3A_259 = arith.divsi %while3A_256, %while3A_258 : i32
            %while3A_260 = arith.muli %while3A_259, %while3A_258 : i32
            %while3A_261 = arith.addi %while3A_255, %while3A_260 : i32
            %while3A_262 = arith.constant 1 : i32
            scf.for %while3A_274 = %while3A_255 to %while3A_261 step %while3A_262  : i32 {
              %dma_wait3A_275 = arith.constant 0 : i32
              %dma_wait3A_276 = tpu.memref_slice %arg14[%dma_wait3A_275] : memref<512xf32, #tpu.memory_space<vmem>> -> memref<32xf32, #tpu.memory_space<vmem>>
              %dma_wait3A_277 = arith.constant 0 : i32
              %dma_wait3A_278 = tpu.memref_slice %arg15[%dma_wait3A_277] : memref<524288xf32, #tpu.memory_space<vmem_shared>> -> memref<32xf32, #tpu.memory_space<vmem_shared>>
              %dma_wait3A_279 = arith.constant 0 : i32
              %dma_wait3A_280 = tpu.memref_slice %arg14[%dma_wait3A_279] : memref<512xf32, #tpu.memory_space<vmem>> -> memref<32xf32, #tpu.memory_space<vmem>>
              %dma_wait3A_281 = arith.constant 0 : i32
              %dma_wait3A_282 = tpu.memref_slice %arg15[%dma_wait3A_281] : memref<524288xf32, #tpu.memory_space<vmem_shared>> -> memref<32xf32, #tpu.memory_space<vmem_shared>>
              tpu.wait_dma2 semaphore(%arg18 : memref<!tpu.dma_semaphore, #tpu.memory_space<semaphore_mem>>) src(%dma_wait3A_282 : memref<32xf32, #tpu.memory_space<vmem_shared>>) dst(%dma_wait3A_280 : memref<32xf32, #tpu.memory_space<vmem>>)
            }
            %while3A_263 = arith.constant 1 : i32
            scf.for %while3A_274 = %while3A_261 to %while3A_257 step %while3A_263  : i32 {
              %dma_wait3A_275 = arith.constant 0 : i32
              %dma_wait3A_276 = tpu.memref_slice %arg14[%dma_wait3A_275] : memref<512xf32, #tpu.memory_space<vmem>> -> memref<32xf32, #tpu.memory_space<vmem>>
              %dma_wait3A_277 = arith.constant 0 : i32
              %dma_wait3A_278 = tpu.memref_slice %arg15[%dma_wait3A_277] : memref<524288xf32, #tpu.memory_space<vmem_shared>> -> memref<32xf32, #tpu.memory_space<vmem_shared>>
              %dma_wait3A_279 = arith.constant 0 : i32
              %dma_wait3A_280 = tpu.memref_slice %arg14[%dma_wait3A_279] : memref<512xf32, #tpu.memory_space<vmem>> -> memref<32xf32, #tpu.memory_space<vmem>>
              %dma_wait3A_281 = arith.constant 0 : i32
              %dma_wait3A_282 = tpu.memref_slice %arg15[%dma_wait3A_281] : memref<524288xf32, #tpu.memory_space<vmem_shared>> -> memref<32xf32, #tpu.memory_space<vmem_shared>>
              tpu.wait_dma2 semaphore(%arg18 : memref<!tpu.dma_semaphore, #tpu.memory_space<semaphore_mem>>) src(%dma_wait3A_282 : memref<32xf32, #tpu.memory_space<vmem_shared>>) dst(%dma_wait3A_280 : memref<32xf32, #tpu.memory_space<vmem>>)
            }
            %while3A_264 = arith.constant 0 : i32
            %while3A_265 = arith.constant 0 : i32
            %while3A_266 = arith.subi %squeeze3A, %while3A_265 : i32
            %while3A_267 = arith.addi %while3A_265, %while3A_266 : i32
            %while3A_268 = arith.constant 1 : i32
            %while3A_269 = arith.divsi %while3A_266, %while3A_268 : i32
            %while3A_270 = arith.muli %while3A_269, %while3A_268 : i32
            %while3A_271 = arith.addi %while3A_265, %while3A_270 : i32
            %while3A_272 = arith.constant 1 : i32
            scf.for %while3A_274 = %while3A_265 to %while3A_271 step %while3A_272  : i32 {
              %get3A_275 = arith.index_cast %while3A_274 : i32 to index
              %get3A_276 = tpu.vector_load %arg11[%get3A_275] {strides = array<i32>} : memref<32xi32, #tpu.memory_space<vmem>>, vector<16xi32>,
              %slice3A_277 = vector.extract_strided_slice %get3A_276 {offsets = [0], sizes = [1], strides = [1]} : vector<16xi32> to vector<1xi32>
              %squeeze3A_278 = vector.extract %slice3A_277[0] : i32 from vector<1xi32>
              %broadcast_in_dim3A = vector.broadcast %squeeze3A_278 : i32 to vector<16xi32>
              %broadcast_in_dim3A_279 = vector.broadcast %and3A_156 : i32 to vector<16xi32>
              %gather3A = tpu.vector_load_idx %arg13[%broadcast_in_dim3A_279, %iota3A, %broadcast_in_dim3A] : memref<4x32x512xf32, #tpu.memory_space<vmem>>[vector<16xi32>, vector<16xi32>, vector<16xi32>], vector<16xf32>,
              %add3A_280 = arith.constant 16 : i32
              %add3A_281 = vector.broadcast %add3A_280 : i32 to vector<16xi32>
              %add3A_282 = arith.addi %iota3A, %add3A_281 : vector<16xi32>
              %gather3A_283 = tpu.vector_load_idx %arg13[%broadcast_in_dim3A_279, %add3A_282, %broadcast_in_dim3A] : memref<4x32x512xf32, #tpu.memory_space<vmem>>[vector<16xi32>, vector<16xi32>, vector<16xi32>], vector<16xf32>,
              %mul3A_284 = arith.constant 32 : i32
              %mul3A_285 = arith.muli %while3A_274, %mul3A_284 : i32
              %get3A_286 = arith.index_cast %mul3A_285 : i32 to index
              %get3A_287 = tpu.vector_load %arg14[%get3A_286] {strides = array<i32>} : memref<512xf32, #tpu.memory_space<vmem>>, vector<16xf32>,
              %add3A_288 = arith.addf %gather3A, %get3A_287 : vector<16xf32>
              tpu.vector_store_idx %arg13[%broadcast_in_dim3A_279, %iota3A, %broadcast_in_dim3A], %add3A_288 : memref<4x32x512xf32, #tpu.memory_space<vmem>>[vector<16xi32>, vector<16xi32>, vector<16xi32>], vector<16xf32>,
              %add3A_289 = arith.constant 16 : i32
              %add3A_290 = vector.broadcast %add3A_289 : i32 to vector<16xi32>
              %add3A_291 = arith.addi %iota3A, %add3A_290 : vector<16xi32>
              %mul3A_292 = arith.constant 32 : i32
              %mul3A_293 = arith.muli %while3A_274, %mul3A_292 : i32
              %add3A_294 = arith.constant 16 : i32
              %add3A_295 = arith.addi %mul3A_293, %add3A_294 : i32
              %get3A_296 = arith.index_cast %add3A_295 : i32 to index
              %get3A_297 = tpu.vector_load %arg14[%get3A_296] {strides = array<i32>} : memref<512xf32, #tpu.memory_space<vmem>>, vector<16xf32>,
              %add3A_298 = arith.addf %gather3A_283, %get3A_297 : vector<16xf32>
              tpu.vector_store_idx %arg13[%broadcast_in_dim3A_279, %add3A_291, %broadcast_in_dim3A], %add3A_298 : memref<4x32x512xf32, #tpu.memory_space<vmem>>[vector<16xi32>, vector<16xi32>, vector<16xi32>], vector<16xf32>,
            }
            %while3A_273 = arith.constant 1 : i32
            scf.for %while3A_274 = %while3A_271 to %while3A_267 step %while3A_273  : i32 {
              %get3A_275 = arith.index_cast %while3A_274 : i32 to index
              %get3A_276 = tpu.vector_load %arg11[%get3A_275] {strides = array<i32>} : memref<32xi32, #tpu.memory_space<vmem>>, vector<16xi32>,
              %slice3A_277 = vector.extract_strided_slice %get3A_276 {offsets = [0], sizes = [1], strides = [1]} : vector<16xi32> to vector<1xi32>
              %squeeze3A_278 = vector.extract %slice3A_277[0] : i32 from vector<1xi32>
              %broadcast_in_dim3A = vector.broadcast %squeeze3A_278 : i32 to vector<16xi32>
              %broadcast_in_dim3A_279 = vector.broadcast %and3A_156 : i32 to vector<16xi32>
              %gather3A = tpu.vector_load_idx %arg13[%broadcast_in_dim3A_279, %iota3A, %broadcast_in_dim3A] : memref<4x32x512xf32, #tpu.memory_space<vmem>>[vector<16xi32>, vector<16xi32>, vector<16xi32>], vector<16xf32>,
              %add3A_280 = arith.constant 16 : i32
              %add3A_281 = vector.broadcast %add3A_280 : i32 to vector<16xi32>
              %add3A_282 = arith.addi %iota3A, %add3A_281 : vector<16xi32>
              %gather3A_283 = tpu.vector_load_idx %arg13[%broadcast_in_dim3A_279, %add3A_282, %broadcast_in_dim3A] : memref<4x32x512xf32, #tpu.memory_space<vmem>>[vector<16xi32>, vector<16xi32>, vector<16xi32>], vector<16xf32>,
              %mul3A_284 = arith.constant 32 : i32
              %mul3A_285 = arith.muli %while3A_274, %mul3A_284 : i32
              %get3A_286 = arith.index_cast %mul3A_285 : i32 to index
              %get3A_287 = tpu.vector_load %arg14[%get3A_286] {strides = array<i32>} : memref<512xf32, #tpu.memory_space<vmem>>, vector<16xf32>,
              %add3A_288 = arith.addf %gather3A, %get3A_287 : vector<16xf32>
              tpu.vector_store_idx %arg13[%broadcast_in_dim3A_279, %iota3A, %broadcast_in_dim3A], %add3A_288 : memref<4x32x512xf32, #tpu.memory_space<vmem>>[vector<16xi32>, vector<16xi32>, vector<16xi32>], vector<16xf32>,
              %add3A_289 = arith.constant 16 : i32
              %add3A_290 = vector.broadcast %add3A_289 : i32 to vector<16xi32>
              %add3A_291 = arith.addi %iota3A, %add3A_290 : vector<16xi32>
              %mul3A_292 = arith.constant 32 : i32
              %mul3A_293 = arith.muli %while3A_274, %mul3A_292 : i32
              %add3A_294 = arith.constant 16 : i32
              %add3A_295 = arith.addi %mul3A_293, %add3A_294 : i32
              %get3A_296 = arith.index_cast %add3A_295 : i32 to index
              %get3A_297 = tpu.vector_load %arg14[%get3A_296] {strides = array<i32>} : memref<512xf32, #tpu.memory_space<vmem>>, vector<16xf32>,
              %add3A_298 = arith.addf %gather3A_283, %get3A_297 : vector<16xf32>
              tpu.vector_store_idx %arg13[%broadcast_in_dim3A_279, %add3A_291, %broadcast_in_dim3A], %add3A_298 : memref<4x32x512xf32, #tpu.memory_space<vmem>>[vector<16xi32>, vector<16xi32>, vector<16xi32>], vector<16xf32>,
            }
          } else {
          }
          %while3A_236 = arith.constant 0 : i32
          scf.yield %while3A_236 : i32
        }
      } else {
      }
      %convert_element_type3A_188 = arith.extui %gt3A_50 : i1 to i32
      %cond3A_189 = arith.constant 0 : i32
      %cond3A_190 = arith.cmpi ne, %convert_element_type3A_188, %cond3A_189 : i32
      scf.if %cond3A_190 {
        %scan3A_208 = arith.constant 0 : i32
        %scan3A_209 = arith.constant 0 : i32
        %scan3A_210 = arith.constant 1024 : i32
        %scan3A_211 = arith.addi %scan3A_209, %scan3A_210 : i32
        %scan3A_212 = arith.constant 1 : i32
        %scan3A_213 = scf.for %scan3A_215 = %scan3A_209 to %scan3A_211 step %scan3A_212 iter_args(%scan3A_216 = %scan3A_208) -> (i32)  : i32 {
          %mul3A_217 = arith.constant 16 : i32
          %mul3A_218 = arith.muli %scan3A_215, %mul3A_217 : i32
          %get3A = arith.index_cast %mul3A_218 : i32 to index
          %get3A_219 = tpu.vector_load %arg8[%get3A] {strides = array<i32>} : memref<16400xi32, #tpu.memory_space<vmem>>, vector<16xi32>,
          %shift_right_logical3A = arith.constant 9 : i32
          %shift_right_logical3A_220 = vector.broadcast %shift_right_logical3A : i32 to vector<16xi32>
          %shift_right_logical3A_221 = arith.shrui %get3A_219, %shift_right_logical3A_220 : vector<16xi32>
          %eq3A_222 = vector.broadcast %add3A_159 : i32 to vector<16xi32>
          %eq3A_223 = arith.cmpi eq, %shift_right_logical3A_221, %eq3A_222 : vector<16xi32>
          %and3A_224 = arith.constant 511 : i32
          %and3A_225 = vector.broadcast %and3A_224 : i32 to vector<16xi32>
          %and3A_226 = arith.andi %get3A_219, %and3A_225 : vector<16xi32>
          %all_reduce_population_count3A = tpu.all_reduce %eq3A_223 {dim = 0 : i64, kind = #tpu.reduction_kind<sum>} : vector<16xi1> -> vector<16xi32>
          %slice3A = vector.extract_strided_slice %all_reduce_population_count3A {offsets = [0], sizes = [1], strides = [1]} : vector<16xi32> to vector<1xi32>
          %squeeze3A = vector.extract %slice3A[0] : i32 from vector<1xi32>
          %gt3A_227 = arith.constant 0 : i32
          %gt3A_228 = arith.cmpi sgt, %squeeze3A, %gt3A_227 : i32
          %convert_element_type3A_229 = arith.extui %gt3A_228 : i1 to i32
          %cond3A_230 = arith.constant 0 : i32
          %cond3A_231 = arith.cmpi ne, %convert_element_type3A_229, %cond3A_230 : i32
          scf.if %cond3A_231 {
            %swap3A = arith.constant 0 : index
            %swap3A_233 = tpu.vector_load %arg11[%swap3A] masked %eq3A_223 {strides = array<i32>} : memref<32xi32, #tpu.memory_space<vmem>>, vector<16xi32>, vector<16xi1>
            tpu.vector_store %arg11[%swap3A], %and3A_226 masked %eq3A_223 {strides = array<i32>} : memref<32xi32, #tpu.memory_space<vmem>>, vector<16xi32>, vector<16xi1>
            %mul3A_234 = arith.constant 16 : i32
            %mul3A_235 = arith.muli %scan3A_215, %mul3A_234 : i32
            %add3A_236 = vector.broadcast %mul3A_235 : i32 to vector<16xi32>
            %add3A_237 = arith.addi %iota3A, %add3A_236 : vector<16xi32>
            %swap3A_238 = arith.constant 0 : index
            %swap3A_239 = tpu.vector_load %arg10[%swap3A_238] masked %eq3A_223 {strides = array<i32>} : memref<32xi32, #tpu.memory_space<vmem>>, vector<16xi32>, vector<16xi1>
            tpu.vector_store %arg10[%swap3A_238], %add3A_237 masked %eq3A_223 {strides = array<i32>} : memref<32xi32, #tpu.memory_space<vmem>>, vector<16xi32>, vector<16xi1>
            %while3A = arith.constant 0 : i32
            %while3A_240 = arith.constant 0 : i32
            %while3A_241 = arith.subi %squeeze3A, %while3A_240 : i32
            %while3A_242 = arith.addi %while3A_240, %while3A_241 : i32
            %while3A_243 = arith.constant 1 : i32
            %while3A_244 = arith.divsi %while3A_241, %while3A_243 : i32
            %while3A_245 = arith.muli %while3A_244, %while3A_243 : i32
            %while3A_246 = arith.addi %while3A_240, %while3A_245 : i32
            %while3A_247 = arith.constant 1 : i32
            scf.for %while3A_269 = %while3A_240 to %while3A_246 step %while3A_247  : i32 {
              %get3A_270 = arith.index_cast %while3A_269 : i32 to index
              %get3A_271 = tpu.vector_load %arg10[%get3A_270] {strides = array<i32>} : memref<32xi32, #tpu.memory_space<vmem>>, vector<16xi32>,
              %slice3A_272 = vector.extract_strided_slice %get3A_271 {offsets = [0], sizes = [1], strides = [1]} : vector<16xi32> to vector<1xi32>
              %squeeze3A_273 = vector.extract %slice3A_272[0] : i32 from vector<1xi32>
              %mul3A_274 = arith.constant 32 : i32
              %mul3A_275 = arith.muli %squeeze3A_273, %mul3A_274 : i32
              %mul3A_276 = arith.constant 32 : i32
              %mul3A_277 = arith.muli %while3A_269, %mul3A_276 : i32
              %dma_start3A_278 = tpu.memref_slice %arg14[%mul3A_277] : memref<512xf32, #tpu.memory_space<vmem>> -> memref<32xf32, #tpu.memory_space<vmem>>
              %dma_start3A_279 = tpu.memref_slice %arg15[%mul3A_275] : memref<524288xf32, #tpu.memory_space<vmem_shared>> -> memref<32xf32, #tpu.memory_space<vmem_shared>>
              %dma_start3A_280 = tpu.memref_slice %arg14[%mul3A_277] : memref<512xf32, #tpu.memory_space<vmem>> -> memref<32xf32, #tpu.memory_space<vmem>>
              %dma_start3A_281 = tpu.memref_slice %arg15[%mul3A_275] : memref<524288xf32, #tpu.memory_space<vmem_shared>> -> memref<32xf32, #tpu.memory_space<vmem_shared>>
              tpu.enqueue_dma source(%dma_start3A_281 : memref<32xf32, #tpu.memory_space<vmem_shared>>) target(%dma_start3A_280 : memref<32xf32, #tpu.memory_space<vmem>>) target_semaphore(%arg18 : memref<!tpu.dma_semaphore, #tpu.memory_space<semaphore_mem>>)
            }
            %while3A_248 = arith.constant 1 : i32
            scf.for %while3A_269 = %while3A_246 to %while3A_242 step %while3A_248  : i32 {
              %get3A_270 = arith.index_cast %while3A_269 : i32 to index
              %get3A_271 = tpu.vector_load %arg10[%get3A_270] {strides = array<i32>} : memref<32xi32, #tpu.memory_space<vmem>>, vector<16xi32>,
              %slice3A_272 = vector.extract_strided_slice %get3A_271 {offsets = [0], sizes = [1], strides = [1]} : vector<16xi32> to vector<1xi32>
              %squeeze3A_273 = vector.extract %slice3A_272[0] : i32 from vector<1xi32>
              %mul3A_274 = arith.constant 32 : i32
              %mul3A_275 = arith.muli %squeeze3A_273, %mul3A_274 : i32
              %mul3A_276 = arith.constant 32 : i32
              %mul3A_277 = arith.muli %while3A_269, %mul3A_276 : i32
              %dma_start3A_278 = tpu.memref_slice %arg14[%mul3A_277] : memref<512xf32, #tpu.memory_space<vmem>> -> memref<32xf32, #tpu.memory_space<vmem>>
              %dma_start3A_279 = tpu.memref_slice %arg15[%mul3A_275] : memref<524288xf32, #tpu.memory_space<vmem_shared>> -> memref<32xf32, #tpu.memory_space<vmem_shared>>
              %dma_start3A_280 = tpu.memref_slice %arg14[%mul3A_277] : memref<512xf32, #tpu.memory_space<vmem>> -> memref<32xf32, #tpu.memory_space<vmem>>
              %dma_start3A_281 = tpu.memref_slice %arg15[%mul3A_275] : memref<524288xf32, #tpu.memory_space<vmem_shared>> -> memref<32xf32, #tpu.memory_space<vmem_shared>>
              tpu.enqueue_dma source(%dma_start3A_281 : memref<32xf32, #tpu.memory_space<vmem_shared>>) target(%dma_start3A_280 : memref<32xf32, #tpu.memory_space<vmem>>) target_semaphore(%arg18 : memref<!tpu.dma_semaphore, #tpu.memory_space<semaphore_mem>>)
            }
            %while3A_249 = arith.constant 0 : i32
            %while3A_250 = arith.constant 0 : i32
            %while3A_251 = arith.subi %squeeze3A, %while3A_250 : i32
            %while3A_252 = arith.addi %while3A_250, %while3A_251 : i32
            %while3A_253 = arith.constant 1 : i32
            %while3A_254 = arith.divsi %while3A_251, %while3A_253 : i32
            %while3A_255 = arith.muli %while3A_254, %while3A_253 : i32
            %while3A_256 = arith.addi %while3A_250, %while3A_255 : i32
            %while3A_257 = arith.constant 1 : i32
            scf.for %while3A_269 = %while3A_250 to %while3A_256 step %while3A_257  : i32 {
              %dma_wait3A_270 = arith.constant 0 : i32
              %dma_wait3A_271 = tpu.memref_slice %arg14[%dma_wait3A_270] : memref<512xf32, #tpu.memory_space<vmem>> -> memref<32xf32, #tpu.memory_space<vmem>>
              %dma_wait3A_272 = arith.constant 0 : i32
              %dma_wait3A_273 = tpu.memref_slice %arg15[%dma_wait3A_272] : memref<524288xf32, #tpu.memory_space<vmem_shared>> -> memref<32xf32, #tpu.memory_space<vmem_shared>>
              %dma_wait3A_274 = arith.constant 0 : i32
              %dma_wait3A_275 = tpu.memref_slice %arg14[%dma_wait3A_274] : memref<512xf32, #tpu.memory_space<vmem>> -> memref<32xf32, #tpu.memory_space<vmem>>
              %dma_wait3A_276 = arith.constant 0 : i32
              %dma_wait3A_277 = tpu.memref_slice %arg15[%dma_wait3A_276] : memref<524288xf32, #tpu.memory_space<vmem_shared>> -> memref<32xf32, #tpu.memory_space<vmem_shared>>
              tpu.wait_dma2 semaphore(%arg18 : memref<!tpu.dma_semaphore, #tpu.memory_space<semaphore_mem>>) src(%dma_wait3A_277 : memref<32xf32, #tpu.memory_space<vmem_shared>>) dst(%dma_wait3A_275 : memref<32xf32, #tpu.memory_space<vmem>>)
            }
            %while3A_258 = arith.constant 1 : i32
            scf.for %while3A_269 = %while3A_256 to %while3A_252 step %while3A_258  : i32 {
              %dma_wait3A_270 = arith.constant 0 : i32
              %dma_wait3A_271 = tpu.memref_slice %arg14[%dma_wait3A_270] : memref<512xf32, #tpu.memory_space<vmem>> -> memref<32xf32, #tpu.memory_space<vmem>>
              %dma_wait3A_272 = arith.constant 0 : i32
              %dma_wait3A_273 = tpu.memref_slice %arg15[%dma_wait3A_272] : memref<524288xf32, #tpu.memory_space<vmem_shared>> -> memref<32xf32, #tpu.memory_space<vmem_shared>>
              %dma_wait3A_274 = arith.constant 0 : i32
              %dma_wait3A_275 = tpu.memref_slice %arg14[%dma_wait3A_274] : memref<512xf32, #tpu.memory_space<vmem>> -> memref<32xf32, #tpu.memory_space<vmem>>
              %dma_wait3A_276 = arith.constant 0 : i32
              %dma_wait3A_277 = tpu.memref_slice %arg15[%dma_wait3A_276] : memref<524288xf32, #tpu.memory_space<vmem_shared>> -> memref<32xf32, #tpu.memory_space<vmem_shared>>
              tpu.wait_dma2 semaphore(%arg18 : memref<!tpu.dma_semaphore, #tpu.memory_space<semaphore_mem>>) src(%dma_wait3A_277 : memref<32xf32, #tpu.memory_space<vmem_shared>>) dst(%dma_wait3A_275 : memref<32xf32, #tpu.memory_space<vmem>>)
            }
            %while3A_259 = arith.constant 0 : i32
            %while3A_260 = arith.constant 0 : i32
            %while3A_261 = arith.subi %squeeze3A, %while3A_260 : i32
            %while3A_262 = arith.addi %while3A_260, %while3A_261 : i32
            %while3A_263 = arith.constant 1 : i32
            %while3A_264 = arith.divsi %while3A_261, %while3A_263 : i32
            %while3A_265 = arith.muli %while3A_264, %while3A_263 : i32
            %while3A_266 = arith.addi %while3A_260, %while3A_265 : i32
            %while3A_267 = arith.constant 1 : i32
            scf.for %while3A_269 = %while3A_260 to %while3A_266 step %while3A_267  : i32 {
              %get3A_270 = arith.index_cast %while3A_269 : i32 to index
              %get3A_271 = tpu.vector_load %arg11[%get3A_270] {strides = array<i32>} : memref<32xi32, #tpu.memory_space<vmem>>, vector<16xi32>,
              %slice3A_272 = vector.extract_strided_slice %get3A_271 {offsets = [0], sizes = [1], strides = [1]} : vector<16xi32> to vector<1xi32>
              %squeeze3A_273 = vector.extract %slice3A_272[0] : i32 from vector<1xi32>
              %broadcast_in_dim3A = vector.broadcast %squeeze3A_273 : i32 to vector<16xi32>
              %broadcast_in_dim3A_274 = vector.broadcast %and3A_156 : i32 to vector<16xi32>
              %gather3A = tpu.vector_load_idx %arg13[%broadcast_in_dim3A_274, %iota3A, %broadcast_in_dim3A] : memref<4x32x512xf32, #tpu.memory_space<vmem>>[vector<16xi32>, vector<16xi32>, vector<16xi32>], vector<16xf32>,
              %add3A_275 = arith.constant 16 : i32
              %add3A_276 = vector.broadcast %add3A_275 : i32 to vector<16xi32>
              %add3A_277 = arith.addi %iota3A, %add3A_276 : vector<16xi32>
              %gather3A_278 = tpu.vector_load_idx %arg13[%broadcast_in_dim3A_274, %add3A_277, %broadcast_in_dim3A] : memref<4x32x512xf32, #tpu.memory_space<vmem>>[vector<16xi32>, vector<16xi32>, vector<16xi32>], vector<16xf32>,
              %mul3A_279 = arith.constant 32 : i32
              %mul3A_280 = arith.muli %while3A_269, %mul3A_279 : i32
              %get3A_281 = arith.index_cast %mul3A_280 : i32 to index
              %get3A_282 = tpu.vector_load %arg14[%get3A_281] {strides = array<i32>} : memref<512xf32, #tpu.memory_space<vmem>>, vector<16xf32>,
              %add3A_283 = arith.addf %gather3A, %get3A_282 : vector<16xf32>
              tpu.vector_store_idx %arg13[%broadcast_in_dim3A_274, %iota3A, %broadcast_in_dim3A], %add3A_283 : memref<4x32x512xf32, #tpu.memory_space<vmem>>[vector<16xi32>, vector<16xi32>, vector<16xi32>], vector<16xf32>,
              %add3A_284 = arith.constant 16 : i32
              %add3A_285 = vector.broadcast %add3A_284 : i32 to vector<16xi32>
              %add3A_286 = arith.addi %iota3A, %add3A_285 : vector<16xi32>
              %mul3A_287 = arith.constant 32 : i32
              %mul3A_288 = arith.muli %while3A_269, %mul3A_287 : i32
              %add3A_289 = arith.constant 16 : i32
              %add3A_290 = arith.addi %mul3A_288, %add3A_289 : i32
              %get3A_291 = arith.index_cast %add3A_290 : i32 to index
              %get3A_292 = tpu.vector_load %arg14[%get3A_291] {strides = array<i32>} : memref<512xf32, #tpu.memory_space<vmem>>, vector<16xf32>,
              %add3A_293 = arith.addf %gather3A_278, %get3A_292 : vector<16xf32>
              tpu.vector_store_idx %arg13[%broadcast_in_dim3A_274, %add3A_286, %broadcast_in_dim3A], %add3A_293 : memref<4x32x512xf32, #tpu.memory_space<vmem>>[vector<16xi32>, vector<16xi32>, vector<16xi32>], vector<16xf32>,
            }
            %while3A_268 = arith.constant 1 : i32
            scf.for %while3A_269 = %while3A_266 to %while3A_262 step %while3A_268  : i32 {
              %get3A_270 = arith.index_cast %while3A_269 : i32 to index
              %get3A_271 = tpu.vector_load %arg11[%get3A_270] {strides = array<i32>} : memref<32xi32, #tpu.memory_space<vmem>>, vector<16xi32>,
              %slice3A_272 = vector.extract_strided_slice %get3A_271 {offsets = [0], sizes = [1], strides = [1]} : vector<16xi32> to vector<1xi32>
              %squeeze3A_273 = vector.extract %slice3A_272[0] : i32 from vector<1xi32>
              %broadcast_in_dim3A = vector.broadcast %squeeze3A_273 : i32 to vector<16xi32>
              %broadcast_in_dim3A_274 = vector.broadcast %and3A_156 : i32 to vector<16xi32>
              %gather3A = tpu.vector_load_idx %arg13[%broadcast_in_dim3A_274, %iota3A, %broadcast_in_dim3A] : memref<4x32x512xf32, #tpu.memory_space<vmem>>[vector<16xi32>, vector<16xi32>, vector<16xi32>], vector<16xf32>,
              %add3A_275 = arith.constant 16 : i32
              %add3A_276 = vector.broadcast %add3A_275 : i32 to vector<16xi32>
              %add3A_277 = arith.addi %iota3A, %add3A_276 : vector<16xi32>
              %gather3A_278 = tpu.vector_load_idx %arg13[%broadcast_in_dim3A_274, %add3A_277, %broadcast_in_dim3A] : memref<4x32x512xf32, #tpu.memory_space<vmem>>[vector<16xi32>, vector<16xi32>, vector<16xi32>], vector<16xf32>,
              %mul3A_279 = arith.constant 32 : i32
              %mul3A_280 = arith.muli %while3A_269, %mul3A_279 : i32
              %get3A_281 = arith.index_cast %mul3A_280 : i32 to index
              %get3A_282 = tpu.vector_load %arg14[%get3A_281] {strides = array<i32>} : memref<512xf32, #tpu.memory_space<vmem>>, vector<16xf32>,
              %add3A_283 = arith.addf %gather3A, %get3A_282 : vector<16xf32>
              tpu.vector_store_idx %arg13[%broadcast_in_dim3A_274, %iota3A, %broadcast_in_dim3A], %add3A_283 : memref<4x32x512xf32, #tpu.memory_space<vmem>>[vector<16xi32>, vector<16xi32>, vector<16xi32>], vector<16xf32>,
              %add3A_284 = arith.constant 16 : i32
              %add3A_285 = vector.broadcast %add3A_284 : i32 to vector<16xi32>
              %add3A_286 = arith.addi %iota3A, %add3A_285 : vector<16xi32>
              %mul3A_287 = arith.constant 32 : i32
              %mul3A_288 = arith.muli %while3A_269, %mul3A_287 : i32
              %add3A_289 = arith.constant 16 : i32
              %add3A_290 = arith.addi %mul3A_288, %add3A_289 : i32
              %get3A_291 = arith.index_cast %add3A_290 : i32 to index
              %get3A_292 = tpu.vector_load %arg14[%get3A_291] {strides = array<i32>} : memref<512xf32, #tpu.memory_space<vmem>>, vector<16xf32>,
              %add3A_293 = arith.addf %gather3A_278, %get3A_292 : vector<16xf32>
              tpu.vector_store_idx %arg13[%broadcast_in_dim3A_274, %add3A_286, %broadcast_in_dim3A], %add3A_293 : memref<4x32x512xf32, #tpu.memory_space<vmem>>[vector<16xi32>, vector<16xi32>, vector<16xi32>], vector<16xf32>,
            }
          } else {
          }
          %scan3A_232 = arith.constant 0 : i32
          scf.yield %scan3A_232 : i32
        }
        %scan3A_214 = arith.constant 1024 : i32
      } else {
      }
      %mul3A_191 = arith.constant 512 : i32
      %mul3A_192 = arith.muli %add3A_159, %mul3A_191 : i32
      %dma_start3A_193 = arith.constant 0 : i32
      %dma_start3A_194 = arith.constant 0 : i32
      %dma_start3A_195 = tpu.memref_slice %arg13[%and3A_156, %dma_start3A_193, %dma_start3A_194] : memref<4x32x512xf32, #tpu.memory_space<vmem>> -> memref<1x32x512xf32, #tpu.memory_space<vmem>>
      %dma_start3A_196 = tpu.memref_squeeze %dma_start3A_195 : memref<1x32x512xf32, #tpu.memory_space<vmem>> -> memref<32x512xf32, #tpu.memory_space<vmem>>
      %dma_start3A_197 = arith.constant 0 : i32
      %dma_start3A_198 = tpu.memref_slice %arg6[%dma_start3A_197, %mul3A_192] : memref<32x1000000xf32, #tpu.memory_space<hbm>> -> memref<32x512xf32, #tpu.memory_space<hbm>>
      %dma_start3A_199 = tpu.memref_slice %arg17[%and3A_156] : memref<4x!tpu.dma_semaphore, #tpu.memory_space<semaphore_mem>> -> memref<1x!tpu.dma_semaphore, #tpu.memory_space<semaphore_mem>>
      %dma_start3A_200 = tpu.memref_squeeze %dma_start3A_199 : memref<1x!tpu.dma_semaphore, #tpu.memory_space<semaphore_mem>> -> memref<!tpu.dma_semaphore, #tpu.memory_space<semaphore_mem>>
      %dma_start3A_201 = arith.constant 0 : i32
      %dma_start3A_202 = tpu.memref_slice %arg6[%dma_start3A_201, %mul3A_192] : memref<32x1000000xf32, #tpu.memory_space<hbm>> -> memref<32x512xf32, #tpu.memory_space<hbm>>
      %dma_start3A_203 = arith.constant 0 : i32
      %dma_start3A_204 = arith.constant 0 : i32
      %dma_start3A_205 = tpu.memref_slice %arg13[%and3A_156, %dma_start3A_203, %dma_start3A_204] : memref<4x32x512xf32, #tpu.memory_space<vmem>> -> memref<1x32x512xf32, #tpu.memory_space<vmem>>
      %dma_start3A_206 = tpu.memref_squeeze %dma_start3A_205 : memref<1x32x512xf32, #tpu.memory_space<vmem>> -> memref<32x512xf32, #tpu.memory_space<vmem>>
      tpu.enqueue_dma source(%dma_start3A_206 : memref<32x512xf32, #tpu.memory_space<vmem>>) target(%dma_start3A_202 : memref<32x512xf32, #tpu.memory_space<hbm>>) target_semaphore(%dma_start3A_200 : memref<!tpu.dma_semaphore, #tpu.memory_space<semaphore_mem>>)
      %scan3A_207 = arith.constant 0 : i32
      scf.yield %scan3A_207 : i32
    }
    %scan3A_66 = arith.constant 61 : i32
    %add3A_67 = arith.constant 1824 : i32
    %add3A_68 = arith.addi %add3A, %add3A_67 : i32
    %mul3A_69 = arith.constant 512 : i32
    %mul3A_70 = arith.muli %add3A_68, %mul3A_69 : i32
    %dma_wait3A = arith.constant 1 : i32
    %dma_wait3A_71 = arith.constant 1 : i32
    %dma_wait3A_72 = arith.constant 0 : i32
    %dma_wait3A_73 = arith.constant 0 : i32
    %dma_wait3A_74 = tpu.memref_slice %arg13[%dma_wait3A, %dma_wait3A_72, %dma_wait3A_73] : memref<4x32x512xf32, #tpu.memory_space<vmem>> -> memref<1x32x512xf32, #tpu.memory_space<vmem>>
    %dma_wait3A_75 = tpu.memref_squeeze %dma_wait3A_74 : memref<1x32x512xf32, #tpu.memory_space<vmem>> -> memref<32x512xf32, #tpu.memory_space<vmem>>
    %dma_wait3A_76 = arith.constant 0 : i32
    %dma_wait3A_77 = tpu.memref_slice %arg6[%dma_wait3A_76, %mul3A_70] : memref<32x1000000xf32, #tpu.memory_space<hbm>> -> memref<32x512xf32, #tpu.memory_space<hbm>>
    %dma_wait3A_78 = tpu.memref_slice %arg17[%dma_wait3A_71] : memref<4x!tpu.dma_semaphore, #tpu.memory_space<semaphore_mem>> -> memref<1x!tpu.dma_semaphore, #tpu.memory_space<semaphore_mem>>
    %dma_wait3A_79 = tpu.memref_squeeze %dma_wait3A_78 : memref<1x!tpu.dma_semaphore, #tpu.memory_space<semaphore_mem>> -> memref<!tpu.dma_semaphore, #tpu.memory_space<semaphore_mem>>
    %dma_wait3A_80 = arith.constant 0 : i32
    %dma_wait3A_81 = tpu.memref_slice %arg6[%dma_wait3A_80, %mul3A_70] : memref<32x1000000xf32, #tpu.memory_space<hbm>> -> memref<32x512xf32, #tpu.memory_space<hbm>>
    %dma_wait3A_82 = arith.constant 0 : i32
    %dma_wait3A_83 = arith.constant 0 : i32
    %dma_wait3A_84 = tpu.memref_slice %arg13[%dma_wait3A, %dma_wait3A_82, %dma_wait3A_83] : memref<4x32x512xf32, #tpu.memory_space<vmem>> -> memref<1x32x512xf32, #tpu.memory_space<vmem>>
    %dma_wait3A_85 = tpu.memref_squeeze %dma_wait3A_84 : memref<1x32x512xf32, #tpu.memory_space<vmem>> -> memref<32x512xf32, #tpu.memory_space<vmem>>
    tpu.wait_dma2 semaphore(%dma_wait3A_79 : memref<!tpu.dma_semaphore, #tpu.memory_space<semaphore_mem>>) src(%dma_wait3A_85 : memref<32x512xf32, #tpu.memory_space<vmem>>) dst(%dma_wait3A_81 : memref<32x512xf32, #tpu.memory_space<hbm>>)
    %add3A_86 = arith.constant 1856 : i32
    %add3A_87 = arith.addi %add3A, %add3A_86 : i32
    %mul3A_88 = arith.constant 512 : i32
    %mul3A_89 = arith.muli %add3A_87, %mul3A_88 : i32
    %dma_wait3A_90 = arith.constant 2 : i32
    %dma_wait3A_91 = arith.constant 2 : i32
    %dma_wait3A_92 = arith.constant 0 : i32
    %dma_wait3A_93 = arith.constant 0 : i32
    %dma_wait3A_94 = tpu.memref_slice %arg13[%dma_wait3A_90, %dma_wait3A_92, %dma_wait3A_93] : memref<4x32x512xf32, #tpu.memory_space<vmem>> -> memref<1x32x512xf32, #tpu.memory_space<vmem>>
    %dma_wait3A_95 = tpu.memref_squeeze %dma_wait3A_94 : memref<1x32x512xf32, #tpu.memory_space<vmem>> -> memref<32x512xf32, #tpu.memory_space<vmem>>
    %dma_wait3A_96 = arith.constant 0 : i32
    %dma_wait3A_97 = tpu.memref_slice %arg6[%dma_wait3A_96, %mul3A_89] : memref<32x1000000xf32, #tpu.memory_space<hbm>> -> memref<32x512xf32, #tpu.memory_space<hbm>>
    %dma_wait3A_98 = tpu.memref_slice %arg17[%dma_wait3A_91] : memref<4x!tpu.dma_semaphore, #tpu.memory_space<semaphore_mem>> -> memref<1x!tpu.dma_semaphore, #tpu.memory_space<semaphore_mem>>
    %dma_wait3A_99 = tpu.memref_squeeze %dma_wait3A_98 : memref<1x!tpu.dma_semaphore, #tpu.memory_space<semaphore_mem>> -> memref<!tpu.dma_semaphore, #tpu.memory_space<semaphore_mem>>
    %dma_wait3A_100 = arith.constant 0 : i32
    %dma_wait3A_101 = tpu.memref_slice %arg6[%dma_wait3A_100, %mul3A_89] : memref<32x1000000xf32, #tpu.memory_space<hbm>> -> memref<32x512xf32, #tpu.memory_space<hbm>>
    %dma_wait3A_102 = arith.constant 0 : i32
    %dma_wait3A_103 = arith.constant 0 : i32
    %dma_wait3A_104 = tpu.memref_slice %arg13[%dma_wait3A_90, %dma_wait3A_102, %dma_wait3A_103] : memref<4x32x512xf32, #tpu.memory_space<vmem>> -> memref<1x32x512xf32, #tpu.memory_space<vmem>>
    %dma_wait3A_105 = tpu.memref_squeeze %dma_wait3A_104 : memref<1x32x512xf32, #tpu.memory_space<vmem>> -> memref<32x512xf32, #tpu.memory_space<vmem>>
    tpu.wait_dma2 semaphore(%dma_wait3A_99 : memref<!tpu.dma_semaphore, #tpu.memory_space<semaphore_mem>>) src(%dma_wait3A_105 : memref<32x512xf32, #tpu.memory_space<vmem>>) dst(%dma_wait3A_101 : memref<32x512xf32, #tpu.memory_space<hbm>>)
    %add3A_106 = arith.constant 1888 : i32
    %add3A_107 = arith.addi %add3A, %add3A_106 : i32
    %mul3A_108 = arith.constant 512 : i32
    %mul3A_109 = arith.muli %add3A_107, %mul3A_108 : i32
    %dma_wait3A_110 = arith.constant 3 : i32
    %dma_wait3A_111 = arith.constant 3 : i32
    %dma_wait3A_112 = arith.constant 0 : i32
    %dma_wait3A_113 = arith.constant 0 : i32
    %dma_wait3A_114 = tpu.memref_slice %arg13[%dma_wait3A_110, %dma_wait3A_112, %dma_wait3A_113] : memref<4x32x512xf32, #tpu.memory_space<vmem>> -> memref<1x32x512xf32, #tpu.memory_space<vmem>>
    %dma_wait3A_115 = tpu.memref_squeeze %dma_wait3A_114 : memref<1x32x512xf32, #tpu.memory_space<vmem>> -> memref<32x512xf32, #tpu.memory_space<vmem>>
    %dma_wait3A_116 = arith.constant 0 : i32
    %dma_wait3A_117 = tpu.memref_slice %arg6[%dma_wait3A_116, %mul3A_109] : memref<32x1000000xf32, #tpu.memory_space<hbm>> -> memref<32x512xf32, #tpu.memory_space<hbm>>
    %dma_wait3A_118 = tpu.memref_slice %arg17[%dma_wait3A_111] : memref<4x!tpu.dma_semaphore, #tpu.memory_space<semaphore_mem>> -> memref<1x!tpu.dma_semaphore, #tpu.memory_space<semaphore_mem>>
    %dma_wait3A_119 = tpu.memref_squeeze %dma_wait3A_118 : memref<1x!tpu.dma_semaphore, #tpu.memory_space<semaphore_mem>> -> memref<!tpu.dma_semaphore, #tpu.memory_space<semaphore_mem>>
    %dma_wait3A_120 = arith.constant 0 : i32
    %dma_wait3A_121 = tpu.memref_slice %arg6[%dma_wait3A_120, %mul3A_109] : memref<32x1000000xf32, #tpu.memory_space<hbm>> -> memref<32x512xf32, #tpu.memory_space<hbm>>
    %dma_wait3A_122 = arith.constant 0 : i32
    %dma_wait3A_123 = arith.constant 0 : i32
    %dma_wait3A_124 = tpu.memref_slice %arg13[%dma_wait3A_110, %dma_wait3A_122, %dma_wait3A_123] : memref<4x32x512xf32, #tpu.memory_space<vmem>> -> memref<1x32x512xf32, #tpu.memory_space<vmem>>
    %dma_wait3A_125 = tpu.memref_squeeze %dma_wait3A_124 : memref<1x32x512xf32, #tpu.memory_space<vmem>> -> memref<32x512xf32, #tpu.memory_space<vmem>>
    tpu.wait_dma2 semaphore(%dma_wait3A_119 : memref<!tpu.dma_semaphore, #tpu.memory_space<semaphore_mem>>) src(%dma_wait3A_125 : memref<32x512xf32, #tpu.memory_space<vmem>>) dst(%dma_wait3A_121 : memref<32x512xf32, #tpu.memory_space<hbm>>)
    %add3A_126 = arith.constant 1920 : i32
    %add3A_127 = arith.addi %add3A, %add3A_126 : i32
    %mul3A_128 = arith.constant 512 : i32
    %mul3A_129 = arith.muli %add3A_127, %mul3A_128 : i32
    %dma_wait3A_130 = arith.constant 0 : i32
    %dma_wait3A_131 = arith.constant 0 : i32
    %dma_wait3A_132 = arith.constant 0 : i32
    %dma_wait3A_133 = arith.constant 0 : i32
    %dma_wait3A_134 = tpu.memref_slice %arg13[%dma_wait3A_130, %dma_wait3A_132, %dma_wait3A_133] : memref<4x32x512xf32, #tpu.memory_space<vmem>> -> memref<1x32x512xf32, #tpu.memory_space<vmem>>
    %dma_wait3A_135 = tpu.memref_squeeze %dma_wait3A_134 : memref<1x32x512xf32, #tpu.memory_space<vmem>> -> memref<32x512xf32, #tpu.memory_space<vmem>>
    %dma_wait3A_136 = arith.constant 0 : i32
    %dma_wait3A_137 = tpu.memref_slice %arg6[%dma_wait3A_136, %mul3A_129] : memref<32x1000000xf32, #tpu.memory_space<hbm>> -> memref<32x512xf32, #tpu.memory_space<hbm>>
    %dma_wait3A_138 = tpu.memref_slice %arg17[%dma_wait3A_131] : memref<4x!tpu.dma_semaphore, #tpu.memory_space<semaphore_mem>> -> memref<1x!tpu.dma_semaphore, #tpu.memory_space<semaphore_mem>>
    %dma_wait3A_139 = tpu.memref_squeeze %dma_wait3A_138 : memref<1x!tpu.dma_semaphore, #tpu.memory_space<semaphore_mem>> -> memref<!tpu.dma_semaphore, #tpu.memory_space<semaphore_mem>>
    %dma_wait3A_140 = arith.constant 0 : i32
    %dma_wait3A_141 = tpu.memref_slice %arg6[%dma_wait3A_140, %mul3A_129] : memref<32x1000000xf32, #tpu.memory_space<hbm>> -> memref<32x512xf32, #tpu.memory_space<hbm>>
    %dma_wait3A_142 = arith.constant 0 : i32
    %dma_wait3A_143 = arith.constant 0 : i32
    %dma_wait3A_144 = tpu.memref_slice %arg13[%dma_wait3A_130, %dma_wait3A_142, %dma_wait3A_143] : memref<4x32x512xf32, #tpu.memory_space<vmem>> -> memref<1x32x512xf32, #tpu.memory_space<vmem>>
    %dma_wait3A_145 = tpu.memref_squeeze %dma_wait3A_144 : memref<1x32x512xf32, #tpu.memory_space<vmem>> -> memref<32x512xf32, #tpu.memory_space<vmem>>
    tpu.wait_dma2 semaphore(%dma_wait3A_139 : memref<!tpu.dma_semaphore, #tpu.memory_space<semaphore_mem>>) src(%dma_wait3A_145 : memref<32x512xf32, #tpu.memory_space<vmem>>) dst(%dma_wait3A_141 : memref<32x512xf32, #tpu.memory_space<hbm>>)
    %lt3A = arith.constant 1 : i32
    %lt3A_146 = arith.cmpi slt, %add3A, %lt3A : i32
    %convert_element_type3A_147 = arith.extui %lt3A_146 : i1 to i32
    %cond3A_148 = arith.constant 0 : i32
    %cond3A_149 = arith.cmpi ne, %convert_element_type3A_147, %cond3A_148 : i32
    scf.if %cond3A_149 {
      %add3A_154 = arith.constant 1952 : i32
      %add3A_155 = arith.addi %add3A_154, %add3A : i32
      %mul3A_156 = arith.constant 512 : i32
      %mul3A_157 = arith.muli %add3A_155, %mul3A_156 : i32
      %run_scoped3A = arith.constant 0 : i32
      "tpu.region"() ({
        %run_scoped3A_169 = tpu.sem_alloc : memref<!tpu.dma_semaphore, #tpu.memory_space<semaphore_mem>>
        %dma_start3A_170 = arith.constant 0 : i32
        %dma_start3A_171 = arith.constant 0 : i32
        %dma_start3A_172 = tpu.memref_slice %arg13[%run_scoped3A, %dma_start3A_170, %dma_start3A_171] : memref<4x32x512xf32, #tpu.memory_space<vmem>> -> memref<1x32x512xf32, #tpu.memory_space<vmem>>
        %dma_start3A_173 = tpu.memref_squeeze %dma_start3A_172 : memref<1x32x512xf32, #tpu.memory_space<vmem>> -> memref<32x512xf32, #tpu.memory_space<vmem>>
        %dma_start3A_174 = arith.constant 0 : i32
        %dma_start3A_175 = tpu.memref_slice %arg2[%dma_start3A_174, %mul3A_157] : memref<32x1000000xf32, #tpu.memory_space<hbm>> -> memref<32x512xf32, #tpu.memory_space<hbm>>
        %dma_start3A_176 = arith.constant 0 : i32
        %dma_start3A_177 = arith.constant 0 : i32
        %dma_start3A_178 = tpu.memref_slice %arg13[%run_scoped3A, %dma_start3A_176, %dma_start3A_177] : memref<4x32x512xf32, #tpu.memory_space<vmem>> -> memref<1x32x512xf32, #tpu.memory_space<vmem>>
        %dma_start3A_179 = tpu.memref_squeeze %dma_start3A_178 : memref<1x32x512xf32, #tpu.memory_space<vmem>> -> memref<32x512xf32, #tpu.memory_space<vmem>>
        %dma_start3A_180 = arith.constant 0 : i32
        %dma_start3A_181 = tpu.memref_slice %arg2[%dma_start3A_180, %mul3A_157] : memref<32x1000000xf32, #tpu.memory_space<hbm>> -> memref<32x512xf32, #tpu.memory_space<hbm>>
        tpu.enqueue_dma source(%dma_start3A_181 : memref<32x512xf32, #tpu.memory_space<hbm>>) target(%dma_start3A_179 : memref<32x512xf32, #tpu.memory_space<vmem>>) target_semaphore(%run_scoped3A_169 : memref<!tpu.dma_semaphore, #tpu.memory_space<semaphore_mem>>)
        %dma_wait3A_182 = arith.constant 0 : i32
        %dma_wait3A_183 = arith.constant 0 : i32
        %dma_wait3A_184 = tpu.memref_slice %arg13[%run_scoped3A, %dma_wait3A_182, %dma_wait3A_183] : memref<4x32x512xf32, #tpu.memory_space<vmem>> -> memref<1x32x512xf32, #tpu.memory_space<vmem>>
        %dma_wait3A_185 = tpu.memref_squeeze %dma_wait3A_184 : memref<1x32x512xf32, #tpu.memory_space<vmem>> -> memref<32x512xf32, #tpu.memory_space<vmem>>
        %dma_wait3A_186 = arith.constant 0 : i32
        %dma_wait3A_187 = tpu.memref_slice %arg2[%dma_wait3A_186, %mul3A_157] : memref<32x1000000xf32, #tpu.memory_space<hbm>> -> memref<32x512xf32, #tpu.memory_space<hbm>>
        %dma_wait3A_188 = arith.constant 0 : i32
        %dma_wait3A_189 = arith.constant 0 : i32
        %dma_wait3A_190 = tpu.memref_slice %arg13[%run_scoped3A, %dma_wait3A_188, %dma_wait3A_189] : memref<4x32x512xf32, #tpu.memory_space<vmem>> -> memref<1x32x512xf32, #tpu.memory_space<vmem>>
        %dma_wait3A_191 = tpu.memref_squeeze %dma_wait3A_190 : memref<1x32x512xf32, #tpu.memory_space<vmem>> -> memref<32x512xf32, #tpu.memory_space<vmem>>
        %dma_wait3A_192 = arith.constant 0 : i32
        %dma_wait3A_193 = tpu.memref_slice %arg2[%dma_wait3A_192, %mul3A_157] : memref<32x1000000xf32, #tpu.memory_space<hbm>> -> memref<32x512xf32, #tpu.memory_space<hbm>>
        tpu.wait_dma2 semaphore(%run_scoped3A_169 : memref<!tpu.dma_semaphore, #tpu.memory_space<semaphore_mem>>) src(%dma_wait3A_193 : memref<32x512xf32, #tpu.memory_space<hbm>>) dst(%dma_wait3A_191 : memref<32x512xf32, #tpu.memory_space<vmem>>)
        tpu.yield
      }) : () -> ()
      %not3A_158 = arith.constant true
      %not3A_159 = arith.xori %gt3A_50, %not3A_158 : i1
      %convert_element_type3A_160 = arith.extui %not3A_159 : i1 to i32
      %cond3A_161 = arith.constant 0 : i32
      %cond3A_162 = arith.cmpi ne, %convert_element_type3A_160, %cond3A_161 : i32
      scf.if %cond3A_162 {
        %while3A = arith.constant 0 : i32
        %while3A_169 = arith.constant 0 : i32
        %while3A_170 = arith.subi %div3A_59, %while3A : i32
        %while3A_171 = arith.addi %while3A, %while3A_170 : i32
        %while3A_172 = arith.constant 1 : i32
        %while3A_173 = arith.divsi %while3A_170, %while3A_172 : i32
        %while3A_174 = arith.muli %while3A_173, %while3A_172 : i32
        %while3A_175 = arith.addi %while3A, %while3A_174 : i32
        %while3A_176 = arith.constant 1 : i32
        %while3A_177 = scf.for %while3A_180 = %while3A to %while3A_175 step %while3A_176 iter_args(%while3A_181 = %while3A_169) -> (i32)  : i32 {
          %mul3A_182 = arith.constant 16 : i32
          %mul3A_183 = arith.muli %while3A_180, %mul3A_182 : i32
          %get3A = arith.index_cast %mul3A_183 : i32 to index
          %get3A_184 = tpu.vector_load %arg8[%get3A] {strides = array<i32>} : memref<16400xi32, #tpu.memory_space<vmem>>, vector<16xi32>,
          %shift_right_logical3A = arith.constant 9 : i32
          %shift_right_logical3A_185 = vector.broadcast %shift_right_logical3A : i32 to vector<16xi32>
          %shift_right_logical3A_186 = arith.shrui %get3A_184, %shift_right_logical3A_185 : vector<16xi32>
          %eq3A_187 = vector.broadcast %add3A_155 : i32 to vector<16xi32>
          %eq3A_188 = arith.cmpi eq, %shift_right_logical3A_186, %eq3A_187 : vector<16xi32>
          %and3A = arith.constant 511 : i32
          %and3A_189 = vector.broadcast %and3A : i32 to vector<16xi32>
          %and3A_190 = arith.andi %get3A_184, %and3A_189 : vector<16xi32>
          %all_reduce_population_count3A = tpu.all_reduce %eq3A_188 {dim = 0 : i64, kind = #tpu.reduction_kind<sum>} : vector<16xi1> -> vector<16xi32>
          %slice3A = vector.extract_strided_slice %all_reduce_population_count3A {offsets = [0], sizes = [1], strides = [1]} : vector<16xi32> to vector<1xi32>
          %squeeze3A = vector.extract %slice3A[0] : i32 from vector<1xi32>
          %gt3A_191 = arith.constant 0 : i32
          %gt3A_192 = arith.cmpi sgt, %squeeze3A, %gt3A_191 : i32
          %convert_element_type3A_193 = arith.extui %gt3A_192 : i1 to i32
          %cond3A_194 = arith.constant 0 : i32
          %cond3A_195 = arith.cmpi ne, %convert_element_type3A_193, %cond3A_194 : i32
          scf.if %cond3A_195 {
            %swap3A = arith.constant 0 : index
            %swap3A_197 = tpu.vector_load %arg11[%swap3A] masked %eq3A_188 {strides = array<i32>} : memref<32xi32, #tpu.memory_space<vmem>>, vector<16xi32>, vector<16xi1>
            tpu.vector_store %arg11[%swap3A], %and3A_190 masked %eq3A_188 {strides = array<i32>} : memref<32xi32, #tpu.memory_space<vmem>>, vector<16xi32>, vector<16xi1>
            %mul3A_198 = arith.constant 16 : i32
            %mul3A_199 = arith.muli %while3A_180, %mul3A_198 : i32
            %get3A_200 = arith.index_cast %mul3A_199 : i32 to index
            %get3A_201 = tpu.vector_load %arg9[%get3A_200] {strides = array<i32>} : memref<4112xi32, #tpu.memory_space<vmem>>, vector<16xi32>,
            %swap3A_202 = arith.constant 0 : index
            %swap3A_203 = tpu.vector_load %arg10[%swap3A_202] masked %eq3A_188 {strides = array<i32>} : memref<32xi32, #tpu.memory_space<vmem>>, vector<16xi32>, vector<16xi1>
            tpu.vector_store %arg10[%swap3A_202], %get3A_201 masked %eq3A_188 {strides = array<i32>} : memref<32xi32, #tpu.memory_space<vmem>>, vector<16xi32>, vector<16xi1>
            %while3A_204 = arith.constant 0 : i32
            %while3A_205 = arith.constant 0 : i32
            %while3A_206 = arith.subi %squeeze3A, %while3A_205 : i32
            %while3A_207 = arith.addi %while3A_205, %while3A_206 : i32
            %while3A_208 = arith.constant 1 : i32
            %while3A_209 = arith.divsi %while3A_206, %while3A_208 : i32
            %while3A_210 = arith.muli %while3A_209, %while3A_208 : i32
            %while3A_211 = arith.addi %while3A_205, %while3A_210 : i32
            %while3A_212 = arith.constant 1 : i32
            scf.for %while3A_234 = %while3A_205 to %while3A_211 step %while3A_212  : i32 {
              %get3A_235 = arith.index_cast %while3A_234 : i32 to index
              %get3A_236 = tpu.vector_load %arg10[%get3A_235] {strides = array<i32>} : memref<32xi32, #tpu.memory_space<vmem>>, vector<16xi32>,
              %slice3A_237 = vector.extract_strided_slice %get3A_236 {offsets = [0], sizes = [1], strides = [1]} : vector<16xi32> to vector<1xi32>
              %squeeze3A_238 = vector.extract %slice3A_237[0] : i32 from vector<1xi32>
              %mul3A_239 = arith.constant 32 : i32
              %mul3A_240 = arith.muli %squeeze3A_238, %mul3A_239 : i32
              %mul3A_241 = arith.constant 32 : i32
              %mul3A_242 = arith.muli %while3A_234, %mul3A_241 : i32
              %dma_start3A_243 = tpu.memref_slice %arg14[%mul3A_242] : memref<512xf32, #tpu.memory_space<vmem>> -> memref<32xf32, #tpu.memory_space<vmem>>
              %dma_start3A_244 = tpu.memref_slice %arg15[%mul3A_240] : memref<524288xf32, #tpu.memory_space<vmem_shared>> -> memref<32xf32, #tpu.memory_space<vmem_shared>>
              %dma_start3A_245 = tpu.memref_slice %arg14[%mul3A_242] : memref<512xf32, #tpu.memory_space<vmem>> -> memref<32xf32, #tpu.memory_space<vmem>>
              %dma_start3A_246 = tpu.memref_slice %arg15[%mul3A_240] : memref<524288xf32, #tpu.memory_space<vmem_shared>> -> memref<32xf32, #tpu.memory_space<vmem_shared>>
              tpu.enqueue_dma source(%dma_start3A_246 : memref<32xf32, #tpu.memory_space<vmem_shared>>) target(%dma_start3A_245 : memref<32xf32, #tpu.memory_space<vmem>>) target_semaphore(%arg18 : memref<!tpu.dma_semaphore, #tpu.memory_space<semaphore_mem>>)
            }
            %while3A_213 = arith.constant 1 : i32
            scf.for %while3A_234 = %while3A_211 to %while3A_207 step %while3A_213  : i32 {
              %get3A_235 = arith.index_cast %while3A_234 : i32 to index
              %get3A_236 = tpu.vector_load %arg10[%get3A_235] {strides = array<i32>} : memref<32xi32, #tpu.memory_space<vmem>>, vector<16xi32>,
              %slice3A_237 = vector.extract_strided_slice %get3A_236 {offsets = [0], sizes = [1], strides = [1]} : vector<16xi32> to vector<1xi32>
              %squeeze3A_238 = vector.extract %slice3A_237[0] : i32 from vector<1xi32>
              %mul3A_239 = arith.constant 32 : i32
              %mul3A_240 = arith.muli %squeeze3A_238, %mul3A_239 : i32
              %mul3A_241 = arith.constant 32 : i32
              %mul3A_242 = arith.muli %while3A_234, %mul3A_241 : i32
              %dma_start3A_243 = tpu.memref_slice %arg14[%mul3A_242] : memref<512xf32, #tpu.memory_space<vmem>> -> memref<32xf32, #tpu.memory_space<vmem>>
              %dma_start3A_244 = tpu.memref_slice %arg15[%mul3A_240] : memref<524288xf32, #tpu.memory_space<vmem_shared>> -> memref<32xf32, #tpu.memory_space<vmem_shared>>
              %dma_start3A_245 = tpu.memref_slice %arg14[%mul3A_242] : memref<512xf32, #tpu.memory_space<vmem>> -> memref<32xf32, #tpu.memory_space<vmem>>
              %dma_start3A_246 = tpu.memref_slice %arg15[%mul3A_240] : memref<524288xf32, #tpu.memory_space<vmem_shared>> -> memref<32xf32, #tpu.memory_space<vmem_shared>>
              tpu.enqueue_dma source(%dma_start3A_246 : memref<32xf32, #tpu.memory_space<vmem_shared>>) target(%dma_start3A_245 : memref<32xf32, #tpu.memory_space<vmem>>) target_semaphore(%arg18 : memref<!tpu.dma_semaphore, #tpu.memory_space<semaphore_mem>>)
            }
            %while3A_214 = arith.constant 0 : i32
            %while3A_215 = arith.constant 0 : i32
            %while3A_216 = arith.subi %squeeze3A, %while3A_215 : i32
            %while3A_217 = arith.addi %while3A_215, %while3A_216 : i32
            %while3A_218 = arith.constant 1 : i32
            %while3A_219 = arith.divsi %while3A_216, %while3A_218 : i32
            %while3A_220 = arith.muli %while3A_219, %while3A_218 : i32
            %while3A_221 = arith.addi %while3A_215, %while3A_220 : i32
            %while3A_222 = arith.constant 1 : i32
            scf.for %while3A_234 = %while3A_215 to %while3A_221 step %while3A_222  : i32 {
              %dma_wait3A_235 = arith.constant 0 : i32
              %dma_wait3A_236 = tpu.memref_slice %arg14[%dma_wait3A_235] : memref<512xf32, #tpu.memory_space<vmem>> -> memref<32xf32, #tpu.memory_space<vmem>>
              %dma_wait3A_237 = arith.constant 0 : i32
              %dma_wait3A_238 = tpu.memref_slice %arg15[%dma_wait3A_237] : memref<524288xf32, #tpu.memory_space<vmem_shared>> -> memref<32xf32, #tpu.memory_space<vmem_shared>>
              %dma_wait3A_239 = arith.constant 0 : i32
              %dma_wait3A_240 = tpu.memref_slice %arg14[%dma_wait3A_239] : memref<512xf32, #tpu.memory_space<vmem>> -> memref<32xf32, #tpu.memory_space<vmem>>
              %dma_wait3A_241 = arith.constant 0 : i32
              %dma_wait3A_242 = tpu.memref_slice %arg15[%dma_wait3A_241] : memref<524288xf32, #tpu.memory_space<vmem_shared>> -> memref<32xf32, #tpu.memory_space<vmem_shared>>
              tpu.wait_dma2 semaphore(%arg18 : memref<!tpu.dma_semaphore, #tpu.memory_space<semaphore_mem>>) src(%dma_wait3A_242 : memref<32xf32, #tpu.memory_space<vmem_shared>>) dst(%dma_wait3A_240 : memref<32xf32, #tpu.memory_space<vmem>>)
            }
            %while3A_223 = arith.constant 1 : i32
            scf.for %while3A_234 = %while3A_221 to %while3A_217 step %while3A_223  : i32 {
              %dma_wait3A_235 = arith.constant 0 : i32
              %dma_wait3A_236 = tpu.memref_slice %arg14[%dma_wait3A_235] : memref<512xf32, #tpu.memory_space<vmem>> -> memref<32xf32, #tpu.memory_space<vmem>>
              %dma_wait3A_237 = arith.constant 0 : i32
              %dma_wait3A_238 = tpu.memref_slice %arg15[%dma_wait3A_237] : memref<524288xf32, #tpu.memory_space<vmem_shared>> -> memref<32xf32, #tpu.memory_space<vmem_shared>>
              %dma_wait3A_239 = arith.constant 0 : i32
              %dma_wait3A_240 = tpu.memref_slice %arg14[%dma_wait3A_239] : memref<512xf32, #tpu.memory_space<vmem>> -> memref<32xf32, #tpu.memory_space<vmem>>
              %dma_wait3A_241 = arith.constant 0 : i32
              %dma_wait3A_242 = tpu.memref_slice %arg15[%dma_wait3A_241] : memref<524288xf32, #tpu.memory_space<vmem_shared>> -> memref<32xf32, #tpu.memory_space<vmem_shared>>
              tpu.wait_dma2 semaphore(%arg18 : memref<!tpu.dma_semaphore, #tpu.memory_space<semaphore_mem>>) src(%dma_wait3A_242 : memref<32xf32, #tpu.memory_space<vmem_shared>>) dst(%dma_wait3A_240 : memref<32xf32, #tpu.memory_space<vmem>>)
            }
            %while3A_224 = arith.constant 0 : i32
            %while3A_225 = arith.constant 0 : i32
            %while3A_226 = arith.subi %squeeze3A, %while3A_225 : i32
            %while3A_227 = arith.addi %while3A_225, %while3A_226 : i32
            %while3A_228 = arith.constant 1 : i32
            %while3A_229 = arith.divsi %while3A_226, %while3A_228 : i32
            %while3A_230 = arith.muli %while3A_229, %while3A_228 : i32
            %while3A_231 = arith.addi %while3A_225, %while3A_230 : i32
            %while3A_232 = arith.constant 1 : i32
            scf.for %while3A_234 = %while3A_225 to %while3A_231 step %while3A_232  : i32 {
              %get3A_235 = arith.index_cast %while3A_234 : i32 to index
              %get3A_236 = tpu.vector_load %arg11[%get3A_235] {strides = array<i32>} : memref<32xi32, #tpu.memory_space<vmem>>, vector<16xi32>,
              %slice3A_237 = vector.extract_strided_slice %get3A_236 {offsets = [0], sizes = [1], strides = [1]} : vector<16xi32> to vector<1xi32>
              %squeeze3A_238 = vector.extract %slice3A_237[0] : i32 from vector<1xi32>
              %broadcast_in_dim3A = vector.broadcast %squeeze3A_238 : i32 to vector<16xi32>
              %broadcast_in_dim3A_239 = arith.constant 0 : i32
              %broadcast_in_dim3A_240 = vector.broadcast %broadcast_in_dim3A_239 : i32 to vector<16xi32>
              %gather3A = tpu.vector_load_idx %arg13[%broadcast_in_dim3A_240, %iota3A, %broadcast_in_dim3A] : memref<4x32x512xf32, #tpu.memory_space<vmem>>[vector<16xi32>, vector<16xi32>, vector<16xi32>], vector<16xf32>,
              %add3A_241 = arith.constant 16 : i32
              %add3A_242 = vector.broadcast %add3A_241 : i32 to vector<16xi32>
              %add3A_243 = arith.addi %iota3A, %add3A_242 : vector<16xi32>
              %gather3A_244 = tpu.vector_load_idx %arg13[%broadcast_in_dim3A_240, %add3A_243, %broadcast_in_dim3A] : memref<4x32x512xf32, #tpu.memory_space<vmem>>[vector<16xi32>, vector<16xi32>, vector<16xi32>], vector<16xf32>,
              %mul3A_245 = arith.constant 32 : i32
              %mul3A_246 = arith.muli %while3A_234, %mul3A_245 : i32
              %get3A_247 = arith.index_cast %mul3A_246 : i32 to index
              %get3A_248 = tpu.vector_load %arg14[%get3A_247] {strides = array<i32>} : memref<512xf32, #tpu.memory_space<vmem>>, vector<16xf32>,
              %add3A_249 = arith.addf %gather3A, %get3A_248 : vector<16xf32>
              tpu.vector_store_idx %arg13[%broadcast_in_dim3A_240, %iota3A, %broadcast_in_dim3A], %add3A_249 : memref<4x32x512xf32, #tpu.memory_space<vmem>>[vector<16xi32>, vector<16xi32>, vector<16xi32>], vector<16xf32>,
              %add3A_250 = arith.constant 16 : i32
              %add3A_251 = vector.broadcast %add3A_250 : i32 to vector<16xi32>
              %add3A_252 = arith.addi %iota3A, %add3A_251 : vector<16xi32>
              %mul3A_253 = arith.constant 32 : i32
              %mul3A_254 = arith.muli %while3A_234, %mul3A_253 : i32
              %add3A_255 = arith.constant 16 : i32
              %add3A_256 = arith.addi %mul3A_254, %add3A_255 : i32
              %get3A_257 = arith.index_cast %add3A_256 : i32 to index
              %get3A_258 = tpu.vector_load %arg14[%get3A_257] {strides = array<i32>} : memref<512xf32, #tpu.memory_space<vmem>>, vector<16xf32>,
              %add3A_259 = arith.addf %gather3A_244, %get3A_258 : vector<16xf32>
              tpu.vector_store_idx %arg13[%broadcast_in_dim3A_240, %add3A_252, %broadcast_in_dim3A], %add3A_259 : memref<4x32x512xf32, #tpu.memory_space<vmem>>[vector<16xi32>, vector<16xi32>, vector<16xi32>], vector<16xf32>,
            }
            %while3A_233 = arith.constant 1 : i32
            scf.for %while3A_234 = %while3A_231 to %while3A_227 step %while3A_233  : i32 {
              %get3A_235 = arith.index_cast %while3A_234 : i32 to index
              %get3A_236 = tpu.vector_load %arg11[%get3A_235] {strides = array<i32>} : memref<32xi32, #tpu.memory_space<vmem>>, vector<16xi32>,
              %slice3A_237 = vector.extract_strided_slice %get3A_236 {offsets = [0], sizes = [1], strides = [1]} : vector<16xi32> to vector<1xi32>
              %squeeze3A_238 = vector.extract %slice3A_237[0] : i32 from vector<1xi32>
              %broadcast_in_dim3A = vector.broadcast %squeeze3A_238 : i32 to vector<16xi32>
              %broadcast_in_dim3A_239 = arith.constant 0 : i32
              %broadcast_in_dim3A_240 = vector.broadcast %broadcast_in_dim3A_239 : i32 to vector<16xi32>
              %gather3A = tpu.vector_load_idx %arg13[%broadcast_in_dim3A_240, %iota3A, %broadcast_in_dim3A] : memref<4x32x512xf32, #tpu.memory_space<vmem>>[vector<16xi32>, vector<16xi32>, vector<16xi32>], vector<16xf32>,
              %add3A_241 = arith.constant 16 : i32
              %add3A_242 = vector.broadcast %add3A_241 : i32 to vector<16xi32>
              %add3A_243 = arith.addi %iota3A, %add3A_242 : vector<16xi32>
              %gather3A_244 = tpu.vector_load_idx %arg13[%broadcast_in_dim3A_240, %add3A_243, %broadcast_in_dim3A] : memref<4x32x512xf32, #tpu.memory_space<vmem>>[vector<16xi32>, vector<16xi32>, vector<16xi32>], vector<16xf32>,
              %mul3A_245 = arith.constant 32 : i32
              %mul3A_246 = arith.muli %while3A_234, %mul3A_245 : i32
              %get3A_247 = arith.index_cast %mul3A_246 : i32 to index
              %get3A_248 = tpu.vector_load %arg14[%get3A_247] {strides = array<i32>} : memref<512xf32, #tpu.memory_space<vmem>>, vector<16xf32>,
              %add3A_249 = arith.addf %gather3A, %get3A_248 : vector<16xf32>
              tpu.vector_store_idx %arg13[%broadcast_in_dim3A_240, %iota3A, %broadcast_in_dim3A], %add3A_249 : memref<4x32x512xf32, #tpu.memory_space<vmem>>[vector<16xi32>, vector<16xi32>, vector<16xi32>], vector<16xf32>,
              %add3A_250 = arith.constant 16 : i32
              %add3A_251 = vector.broadcast %add3A_250 : i32 to vector<16xi32>
              %add3A_252 = arith.addi %iota3A, %add3A_251 : vector<16xi32>
              %mul3A_253 = arith.constant 32 : i32
              %mul3A_254 = arith.muli %while3A_234, %mul3A_253 : i32
              %add3A_255 = arith.constant 16 : i32
              %add3A_256 = arith.addi %mul3A_254, %add3A_255 : i32
              %get3A_257 = arith.index_cast %add3A_256 : i32 to index
              %get3A_258 = tpu.vector_load %arg14[%get3A_257] {strides = array<i32>} : memref<512xf32, #tpu.memory_space<vmem>>, vector<16xf32>,
              %add3A_259 = arith.addf %gather3A_244, %get3A_258 : vector<16xf32>
              tpu.vector_store_idx %arg13[%broadcast_in_dim3A_240, %add3A_252, %broadcast_in_dim3A], %add3A_259 : memref<4x32x512xf32, #tpu.memory_space<vmem>>[vector<16xi32>, vector<16xi32>, vector<16xi32>], vector<16xf32>,
            }
          } else {
          }
          %while3A_196 = arith.constant 0 : i32
          scf.yield %while3A_196 : i32
        }
        %while3A_178 = arith.constant 1 : i32
        %while3A_179 = scf.for %while3A_180 = %while3A_175 to %while3A_171 step %while3A_178 iter_args(%while3A_181 = %while3A_177) -> (i32)  : i32 {
          %mul3A_182 = arith.constant 16 : i32
          %mul3A_183 = arith.muli %while3A_180, %mul3A_182 : i32
          %get3A = arith.index_cast %mul3A_183 : i32 to index
          %get3A_184 = tpu.vector_load %arg8[%get3A] {strides = array<i32>} : memref<16400xi32, #tpu.memory_space<vmem>>, vector<16xi32>,
          %shift_right_logical3A = arith.constant 9 : i32
          %shift_right_logical3A_185 = vector.broadcast %shift_right_logical3A : i32 to vector<16xi32>
          %shift_right_logical3A_186 = arith.shrui %get3A_184, %shift_right_logical3A_185 : vector<16xi32>
          %eq3A_187 = vector.broadcast %add3A_155 : i32 to vector<16xi32>
          %eq3A_188 = arith.cmpi eq, %shift_right_logical3A_186, %eq3A_187 : vector<16xi32>
          %and3A = arith.constant 511 : i32
          %and3A_189 = vector.broadcast %and3A : i32 to vector<16xi32>
          %and3A_190 = arith.andi %get3A_184, %and3A_189 : vector<16xi32>
          %all_reduce_population_count3A = tpu.all_reduce %eq3A_188 {dim = 0 : i64, kind = #tpu.reduction_kind<sum>} : vector<16xi1> -> vector<16xi32>
          %slice3A = vector.extract_strided_slice %all_reduce_population_count3A {offsets = [0], sizes = [1], strides = [1]} : vector<16xi32> to vector<1xi32>
          %squeeze3A = vector.extract %slice3A[0] : i32 from vector<1xi32>
          %gt3A_191 = arith.constant 0 : i32
          %gt3A_192 = arith.cmpi sgt, %squeeze3A, %gt3A_191 : i32
          %convert_element_type3A_193 = arith.extui %gt3A_192 : i1 to i32
          %cond3A_194 = arith.constant 0 : i32
          %cond3A_195 = arith.cmpi ne, %convert_element_type3A_193, %cond3A_194 : i32
          scf.if %cond3A_195 {
            %swap3A = arith.constant 0 : index
            %swap3A_197 = tpu.vector_load %arg11[%swap3A] masked %eq3A_188 {strides = array<i32>} : memref<32xi32, #tpu.memory_space<vmem>>, vector<16xi32>, vector<16xi1>
            tpu.vector_store %arg11[%swap3A], %and3A_190 masked %eq3A_188 {strides = array<i32>} : memref<32xi32, #tpu.memory_space<vmem>>, vector<16xi32>, vector<16xi1>
            %mul3A_198 = arith.constant 16 : i32
            %mul3A_199 = arith.muli %while3A_180, %mul3A_198 : i32
            %get3A_200 = arith.index_cast %mul3A_199 : i32 to index
            %get3A_201 = tpu.vector_load %arg9[%get3A_200] {strides = array<i32>} : memref<4112xi32, #tpu.memory_space<vmem>>, vector<16xi32>,
            %swap3A_202 = arith.constant 0 : index
            %swap3A_203 = tpu.vector_load %arg10[%swap3A_202] masked %eq3A_188 {strides = array<i32>} : memref<32xi32, #tpu.memory_space<vmem>>, vector<16xi32>, vector<16xi1>
            tpu.vector_store %arg10[%swap3A_202], %get3A_201 masked %eq3A_188 {strides = array<i32>} : memref<32xi32, #tpu.memory_space<vmem>>, vector<16xi32>, vector<16xi1>
            %while3A_204 = arith.constant 0 : i32
            %while3A_205 = arith.constant 0 : i32
            %while3A_206 = arith.subi %squeeze3A, %while3A_205 : i32
            %while3A_207 = arith.addi %while3A_205, %while3A_206 : i32
            %while3A_208 = arith.constant 1 : i32
            %while3A_209 = arith.divsi %while3A_206, %while3A_208 : i32
            %while3A_210 = arith.muli %while3A_209, %while3A_208 : i32
            %while3A_211 = arith.addi %while3A_205, %while3A_210 : i32
            %while3A_212 = arith.constant 1 : i32
            scf.for %while3A_234 = %while3A_205 to %while3A_211 step %while3A_212  : i32 {
              %get3A_235 = arith.index_cast %while3A_234 : i32 to index
              %get3A_236 = tpu.vector_load %arg10[%get3A_235] {strides = array<i32>} : memref<32xi32, #tpu.memory_space<vmem>>, vector<16xi32>,
              %slice3A_237 = vector.extract_strided_slice %get3A_236 {offsets = [0], sizes = [1], strides = [1]} : vector<16xi32> to vector<1xi32>
              %squeeze3A_238 = vector.extract %slice3A_237[0] : i32 from vector<1xi32>
              %mul3A_239 = arith.constant 32 : i32
              %mul3A_240 = arith.muli %squeeze3A_238, %mul3A_239 : i32
              %mul3A_241 = arith.constant 32 : i32
              %mul3A_242 = arith.muli %while3A_234, %mul3A_241 : i32
              %dma_start3A_243 = tpu.memref_slice %arg14[%mul3A_242] : memref<512xf32, #tpu.memory_space<vmem>> -> memref<32xf32, #tpu.memory_space<vmem>>
              %dma_start3A_244 = tpu.memref_slice %arg15[%mul3A_240] : memref<524288xf32, #tpu.memory_space<vmem_shared>> -> memref<32xf32, #tpu.memory_space<vmem_shared>>
              %dma_start3A_245 = tpu.memref_slice %arg14[%mul3A_242] : memref<512xf32, #tpu.memory_space<vmem>> -> memref<32xf32, #tpu.memory_space<vmem>>
              %dma_start3A_246 = tpu.memref_slice %arg15[%mul3A_240] : memref<524288xf32, #tpu.memory_space<vmem_shared>> -> memref<32xf32, #tpu.memory_space<vmem_shared>>
              tpu.enqueue_dma source(%dma_start3A_246 : memref<32xf32, #tpu.memory_space<vmem_shared>>) target(%dma_start3A_245 : memref<32xf32, #tpu.memory_space<vmem>>) target_semaphore(%arg18 : memref<!tpu.dma_semaphore, #tpu.memory_space<semaphore_mem>>)
            }
            %while3A_213 = arith.constant 1 : i32
            scf.for %while3A_234 = %while3A_211 to %while3A_207 step %while3A_213  : i32 {
              %get3A_235 = arith.index_cast %while3A_234 : i32 to index
              %get3A_236 = tpu.vector_load %arg10[%get3A_235] {strides = array<i32>} : memref<32xi32, #tpu.memory_space<vmem>>, vector<16xi32>,
              %slice3A_237 = vector.extract_strided_slice %get3A_236 {offsets = [0], sizes = [1], strides = [1]} : vector<16xi32> to vector<1xi32>
              %squeeze3A_238 = vector.extract %slice3A_237[0] : i32 from vector<1xi32>
              %mul3A_239 = arith.constant 32 : i32
              %mul3A_240 = arith.muli %squeeze3A_238, %mul3A_239 : i32
              %mul3A_241 = arith.constant 32 : i32
              %mul3A_242 = arith.muli %while3A_234, %mul3A_241 : i32
              %dma_start3A_243 = tpu.memref_slice %arg14[%mul3A_242] : memref<512xf32, #tpu.memory_space<vmem>> -> memref<32xf32, #tpu.memory_space<vmem>>
              %dma_start3A_244 = tpu.memref_slice %arg15[%mul3A_240] : memref<524288xf32, #tpu.memory_space<vmem_shared>> -> memref<32xf32, #tpu.memory_space<vmem_shared>>
              %dma_start3A_245 = tpu.memref_slice %arg14[%mul3A_242] : memref<512xf32, #tpu.memory_space<vmem>> -> memref<32xf32, #tpu.memory_space<vmem>>
              %dma_start3A_246 = tpu.memref_slice %arg15[%mul3A_240] : memref<524288xf32, #tpu.memory_space<vmem_shared>> -> memref<32xf32, #tpu.memory_space<vmem_shared>>
              tpu.enqueue_dma source(%dma_start3A_246 : memref<32xf32, #tpu.memory_space<vmem_shared>>) target(%dma_start3A_245 : memref<32xf32, #tpu.memory_space<vmem>>) target_semaphore(%arg18 : memref<!tpu.dma_semaphore, #tpu.memory_space<semaphore_mem>>)
            }
            %while3A_214 = arith.constant 0 : i32
            %while3A_215 = arith.constant 0 : i32
            %while3A_216 = arith.subi %squeeze3A, %while3A_215 : i32
            %while3A_217 = arith.addi %while3A_215, %while3A_216 : i32
            %while3A_218 = arith.constant 1 : i32
            %while3A_219 = arith.divsi %while3A_216, %while3A_218 : i32
            %while3A_220 = arith.muli %while3A_219, %while3A_218 : i32
            %while3A_221 = arith.addi %while3A_215, %while3A_220 : i32
            %while3A_222 = arith.constant 1 : i32
            scf.for %while3A_234 = %while3A_215 to %while3A_221 step %while3A_222  : i32 {
              %dma_wait3A_235 = arith.constant 0 : i32
              %dma_wait3A_236 = tpu.memref_slice %arg14[%dma_wait3A_235] : memref<512xf32, #tpu.memory_space<vmem>> -> memref<32xf32, #tpu.memory_space<vmem>>
              %dma_wait3A_237 = arith.constant 0 : i32
              %dma_wait3A_238 = tpu.memref_slice %arg15[%dma_wait3A_237] : memref<524288xf32, #tpu.memory_space<vmem_shared>> -> memref<32xf32, #tpu.memory_space<vmem_shared>>
              %dma_wait3A_239 = arith.constant 0 : i32
              %dma_wait3A_240 = tpu.memref_slice %arg14[%dma_wait3A_239] : memref<512xf32, #tpu.memory_space<vmem>> -> memref<32xf32, #tpu.memory_space<vmem>>
              %dma_wait3A_241 = arith.constant 0 : i32
              %dma_wait3A_242 = tpu.memref_slice %arg15[%dma_wait3A_241] : memref<524288xf32, #tpu.memory_space<vmem_shared>> -> memref<32xf32, #tpu.memory_space<vmem_shared>>
              tpu.wait_dma2 semaphore(%arg18 : memref<!tpu.dma_semaphore, #tpu.memory_space<semaphore_mem>>) src(%dma_wait3A_242 : memref<32xf32, #tpu.memory_space<vmem_shared>>) dst(%dma_wait3A_240 : memref<32xf32, #tpu.memory_space<vmem>>)
            }
            %while3A_223 = arith.constant 1 : i32
            scf.for %while3A_234 = %while3A_221 to %while3A_217 step %while3A_223  : i32 {
              %dma_wait3A_235 = arith.constant 0 : i32
              %dma_wait3A_236 = tpu.memref_slice %arg14[%dma_wait3A_235] : memref<512xf32, #tpu.memory_space<vmem>> -> memref<32xf32, #tpu.memory_space<vmem>>
              %dma_wait3A_237 = arith.constant 0 : i32
              %dma_wait3A_238 = tpu.memref_slice %arg15[%dma_wait3A_237] : memref<524288xf32, #tpu.memory_space<vmem_shared>> -> memref<32xf32, #tpu.memory_space<vmem_shared>>
              %dma_wait3A_239 = arith.constant 0 : i32
              %dma_wait3A_240 = tpu.memref_slice %arg14[%dma_wait3A_239] : memref<512xf32, #tpu.memory_space<vmem>> -> memref<32xf32, #tpu.memory_space<vmem>>
              %dma_wait3A_241 = arith.constant 0 : i32
              %dma_wait3A_242 = tpu.memref_slice %arg15[%dma_wait3A_241] : memref<524288xf32, #tpu.memory_space<vmem_shared>> -> memref<32xf32, #tpu.memory_space<vmem_shared>>
              tpu.wait_dma2 semaphore(%arg18 : memref<!tpu.dma_semaphore, #tpu.memory_space<semaphore_mem>>) src(%dma_wait3A_242 : memref<32xf32, #tpu.memory_space<vmem_shared>>) dst(%dma_wait3A_240 : memref<32xf32, #tpu.memory_space<vmem>>)
            }
            %while3A_224 = arith.constant 0 : i32
            %while3A_225 = arith.constant 0 : i32
            %while3A_226 = arith.subi %squeeze3A, %while3A_225 : i32
            %while3A_227 = arith.addi %while3A_225, %while3A_226 : i32
            %while3A_228 = arith.constant 1 : i32
            %while3A_229 = arith.divsi %while3A_226, %while3A_228 : i32
            %while3A_230 = arith.muli %while3A_229, %while3A_228 : i32
            %while3A_231 = arith.addi %while3A_225, %while3A_230 : i32
            %while3A_232 = arith.constant 1 : i32
            scf.for %while3A_234 = %while3A_225 to %while3A_231 step %while3A_232  : i32 {
              %get3A_235 = arith.index_cast %while3A_234 : i32 to index
              %get3A_236 = tpu.vector_load %arg11[%get3A_235] {strides = array<i32>} : memref<32xi32, #tpu.memory_space<vmem>>, vector<16xi32>,
              %slice3A_237 = vector.extract_strided_slice %get3A_236 {offsets = [0], sizes = [1], strides = [1]} : vector<16xi32> to vector<1xi32>
              %squeeze3A_238 = vector.extract %slice3A_237[0] : i32 from vector<1xi32>
              %broadcast_in_dim3A = vector.broadcast %squeeze3A_238 : i32 to vector<16xi32>
              %broadcast_in_dim3A_239 = arith.constant 0 : i32
              %broadcast_in_dim3A_240 = vector.broadcast %broadcast_in_dim3A_239 : i32 to vector<16xi32>
              %gather3A = tpu.vector_load_idx %arg13[%broadcast_in_dim3A_240, %iota3A, %broadcast_in_dim3A] : memref<4x32x512xf32, #tpu.memory_space<vmem>>[vector<16xi32>, vector<16xi32>, vector<16xi32>], vector<16xf32>,
              %add3A_241 = arith.constant 16 : i32
              %add3A_242 = vector.broadcast %add3A_241 : i32 to vector<16xi32>
              %add3A_243 = arith.addi %iota3A, %add3A_242 : vector<16xi32>
              %gather3A_244 = tpu.vector_load_idx %arg13[%broadcast_in_dim3A_240, %add3A_243, %broadcast_in_dim3A] : memref<4x32x512xf32, #tpu.memory_space<vmem>>[vector<16xi32>, vector<16xi32>, vector<16xi32>], vector<16xf32>,
              %mul3A_245 = arith.constant 32 : i32
              %mul3A_246 = arith.muli %while3A_234, %mul3A_245 : i32
              %get3A_247 = arith.index_cast %mul3A_246 : i32 to index
              %get3A_248 = tpu.vector_load %arg14[%get3A_247] {strides = array<i32>} : memref<512xf32, #tpu.memory_space<vmem>>, vector<16xf32>,
              %add3A_249 = arith.addf %gather3A, %get3A_248 : vector<16xf32>
              tpu.vector_store_idx %arg13[%broadcast_in_dim3A_240, %iota3A, %broadcast_in_dim3A], %add3A_249 : memref<4x32x512xf32, #tpu.memory_space<vmem>>[vector<16xi32>, vector<16xi32>, vector<16xi32>], vector<16xf32>,
              %add3A_250 = arith.constant 16 : i32
              %add3A_251 = vector.broadcast %add3A_250 : i32 to vector<16xi32>
              %add3A_252 = arith.addi %iota3A, %add3A_251 : vector<16xi32>
              %mul3A_253 = arith.constant 32 : i32
              %mul3A_254 = arith.muli %while3A_234, %mul3A_253 : i32
              %add3A_255 = arith.constant 16 : i32
              %add3A_256 = arith.addi %mul3A_254, %add3A_255 : i32
              %get3A_257 = arith.index_cast %add3A_256 : i32 to index
              %get3A_258 = tpu.vector_load %arg14[%get3A_257] {strides = array<i32>} : memref<512xf32, #tpu.memory_space<vmem>>, vector<16xf32>,
              %add3A_259 = arith.addf %gather3A_244, %get3A_258 : vector<16xf32>
              tpu.vector_store_idx %arg13[%broadcast_in_dim3A_240, %add3A_252, %broadcast_in_dim3A], %add3A_259 : memref<4x32x512xf32, #tpu.memory_space<vmem>>[vector<16xi32>, vector<16xi32>, vector<16xi32>], vector<16xf32>,
            }
            %while3A_233 = arith.constant 1 : i32
            scf.for %while3A_234 = %while3A_231 to %while3A_227 step %while3A_233  : i32 {
              %get3A_235 = arith.index_cast %while3A_234 : i32 to index
              %get3A_236 = tpu.vector_load %arg11[%get3A_235] {strides = array<i32>} : memref<32xi32, #tpu.memory_space<vmem>>, vector<16xi32>,
              %slice3A_237 = vector.extract_strided_slice %get3A_236 {offsets = [0], sizes = [1], strides = [1]} : vector<16xi32> to vector<1xi32>
              %squeeze3A_238 = vector.extract %slice3A_237[0] : i32 from vector<1xi32>
              %broadcast_in_dim3A = vector.broadcast %squeeze3A_238 : i32 to vector<16xi32>
              %broadcast_in_dim3A_239 = arith.constant 0 : i32
              %broadcast_in_dim3A_240 = vector.broadcast %broadcast_in_dim3A_239 : i32 to vector<16xi32>
              %gather3A = tpu.vector_load_idx %arg13[%broadcast_in_dim3A_240, %iota3A, %broadcast_in_dim3A] : memref<4x32x512xf32, #tpu.memory_space<vmem>>[vector<16xi32>, vector<16xi32>, vector<16xi32>], vector<16xf32>,
              %add3A_241 = arith.constant 16 : i32
              %add3A_242 = vector.broadcast %add3A_241 : i32 to vector<16xi32>
              %add3A_243 = arith.addi %iota3A, %add3A_242 : vector<16xi32>
              %gather3A_244 = tpu.vector_load_idx %arg13[%broadcast_in_dim3A_240, %add3A_243, %broadcast_in_dim3A] : memref<4x32x512xf32, #tpu.memory_space<vmem>>[vector<16xi32>, vector<16xi32>, vector<16xi32>], vector<16xf32>,
              %mul3A_245 = arith.constant 32 : i32
              %mul3A_246 = arith.muli %while3A_234, %mul3A_245 : i32
              %get3A_247 = arith.index_cast %mul3A_246 : i32 to index
              %get3A_248 = tpu.vector_load %arg14[%get3A_247] {strides = array<i32>} : memref<512xf32, #tpu.memory_space<vmem>>, vector<16xf32>,
              %add3A_249 = arith.addf %gather3A, %get3A_248 : vector<16xf32>
              tpu.vector_store_idx %arg13[%broadcast_in_dim3A_240, %iota3A, %broadcast_in_dim3A], %add3A_249 : memref<4x32x512xf32, #tpu.memory_space<vmem>>[vector<16xi32>, vector<16xi32>, vector<16xi32>], vector<16xf32>,
              %add3A_250 = arith.constant 16 : i32
              %add3A_251 = vector.broadcast %add3A_250 : i32 to vector<16xi32>
              %add3A_252 = arith.addi %iota3A, %add3A_251 : vector<16xi32>
              %mul3A_253 = arith.constant 32 : i32
              %mul3A_254 = arith.muli %while3A_234, %mul3A_253 : i32
              %add3A_255 = arith.constant 16 : i32
              %add3A_256 = arith.addi %mul3A_254, %add3A_255 : i32
              %get3A_257 = arith.index_cast %add3A_256 : i32 to index
              %get3A_258 = tpu.vector_load %arg14[%get3A_257] {strides = array<i32>} : memref<512xf32, #tpu.memory_space<vmem>>, vector<16xf32>,
              %add3A_259 = arith.addf %gather3A_244, %get3A_258 : vector<16xf32>
              tpu.vector_store_idx %arg13[%broadcast_in_dim3A_240, %add3A_252, %broadcast_in_dim3A], %add3A_259 : memref<4x32x512xf32, #tpu.memory_space<vmem>>[vector<16xi32>, vector<16xi32>, vector<16xi32>], vector<16xf32>,
            }
          } else {
          }
          %while3A_196 = arith.constant 0 : i32
          scf.yield %while3A_196 : i32
        }
      } else {
      }
      %convert_element_type3A_163 = arith.extui %gt3A_50 : i1 to i32
      %cond3A_164 = arith.constant 0 : i32
      %cond3A_165 = arith.cmpi ne, %convert_element_type3A_163, %cond3A_164 : i32
      scf.if %cond3A_165 {
        %scan3A_169 = arith.constant 0 : i32
        %scan3A_170 = arith.constant 0 : i32
        %scan3A_171 = arith.constant 1024 : i32
        %scan3A_172 = arith.addi %scan3A_170, %scan3A_171 : i32
        %scan3A_173 = arith.constant 1 : i32
        %scan3A_174 = scf.for %scan3A_176 = %scan3A_170 to %scan3A_172 step %scan3A_173 iter_args(%scan3A_177 = %scan3A_169) -> (i32)  : i32 {
          %mul3A_178 = arith.constant 16 : i32
          %mul3A_179 = arith.muli %scan3A_176, %mul3A_178 : i32
          %get3A = arith.index_cast %mul3A_179 : i32 to index
          %get3A_180 = tpu.vector_load %arg8[%get3A] {strides = array<i32>} : memref<16400xi32, #tpu.memory_space<vmem>>, vector<16xi32>,
          %shift_right_logical3A = arith.constant 9 : i32
          %shift_right_logical3A_181 = vector.broadcast %shift_right_logical3A : i32 to vector<16xi32>
          %shift_right_logical3A_182 = arith.shrui %get3A_180, %shift_right_logical3A_181 : vector<16xi32>
          %eq3A_183 = vector.broadcast %add3A_155 : i32 to vector<16xi32>
          %eq3A_184 = arith.cmpi eq, %shift_right_logical3A_182, %eq3A_183 : vector<16xi32>
          %and3A = arith.constant 511 : i32
          %and3A_185 = vector.broadcast %and3A : i32 to vector<16xi32>
          %and3A_186 = arith.andi %get3A_180, %and3A_185 : vector<16xi32>
          %all_reduce_population_count3A = tpu.all_reduce %eq3A_184 {dim = 0 : i64, kind = #tpu.reduction_kind<sum>} : vector<16xi1> -> vector<16xi32>
          %slice3A = vector.extract_strided_slice %all_reduce_population_count3A {offsets = [0], sizes = [1], strides = [1]} : vector<16xi32> to vector<1xi32>
          %squeeze3A = vector.extract %slice3A[0] : i32 from vector<1xi32>
          %gt3A_187 = arith.constant 0 : i32
          %gt3A_188 = arith.cmpi sgt, %squeeze3A, %gt3A_187 : i32
          %convert_element_type3A_189 = arith.extui %gt3A_188 : i1 to i32
          %cond3A_190 = arith.constant 0 : i32
          %cond3A_191 = arith.cmpi ne, %convert_element_type3A_189, %cond3A_190 : i32
          scf.if %cond3A_191 {
            %swap3A = arith.constant 0 : index
            %swap3A_193 = tpu.vector_load %arg11[%swap3A] masked %eq3A_184 {strides = array<i32>} : memref<32xi32, #tpu.memory_space<vmem>>, vector<16xi32>, vector<16xi1>
            tpu.vector_store %arg11[%swap3A], %and3A_186 masked %eq3A_184 {strides = array<i32>} : memref<32xi32, #tpu.memory_space<vmem>>, vector<16xi32>, vector<16xi1>
            %mul3A_194 = arith.constant 16 : i32
            %mul3A_195 = arith.muli %scan3A_176, %mul3A_194 : i32
            %add3A_196 = vector.broadcast %mul3A_195 : i32 to vector<16xi32>
            %add3A_197 = arith.addi %iota3A, %add3A_196 : vector<16xi32>
            %swap3A_198 = arith.constant 0 : index
            %swap3A_199 = tpu.vector_load %arg10[%swap3A_198] masked %eq3A_184 {strides = array<i32>} : memref<32xi32, #tpu.memory_space<vmem>>, vector<16xi32>, vector<16xi1>
            tpu.vector_store %arg10[%swap3A_198], %add3A_197 masked %eq3A_184 {strides = array<i32>} : memref<32xi32, #tpu.memory_space<vmem>>, vector<16xi32>, vector<16xi1>
            %while3A = arith.constant 0 : i32
            %while3A_200 = arith.constant 0 : i32
            %while3A_201 = arith.subi %squeeze3A, %while3A_200 : i32
            %while3A_202 = arith.addi %while3A_200, %while3A_201 : i32
            %while3A_203 = arith.constant 1 : i32
            %while3A_204 = arith.divsi %while3A_201, %while3A_203 : i32
            %while3A_205 = arith.muli %while3A_204, %while3A_203 : i32
            %while3A_206 = arith.addi %while3A_200, %while3A_205 : i32
            %while3A_207 = arith.constant 1 : i32
            scf.for %while3A_229 = %while3A_200 to %while3A_206 step %while3A_207  : i32 {
              %get3A_230 = arith.index_cast %while3A_229 : i32 to index
              %get3A_231 = tpu.vector_load %arg10[%get3A_230] {strides = array<i32>} : memref<32xi32, #tpu.memory_space<vmem>>, vector<16xi32>,
              %slice3A_232 = vector.extract_strided_slice %get3A_231 {offsets = [0], sizes = [1], strides = [1]} : vector<16xi32> to vector<1xi32>
              %squeeze3A_233 = vector.extract %slice3A_232[0] : i32 from vector<1xi32>
              %mul3A_234 = arith.constant 32 : i32
              %mul3A_235 = arith.muli %squeeze3A_233, %mul3A_234 : i32
              %mul3A_236 = arith.constant 32 : i32
              %mul3A_237 = arith.muli %while3A_229, %mul3A_236 : i32
              %dma_start3A_238 = tpu.memref_slice %arg14[%mul3A_237] : memref<512xf32, #tpu.memory_space<vmem>> -> memref<32xf32, #tpu.memory_space<vmem>>
              %dma_start3A_239 = tpu.memref_slice %arg15[%mul3A_235] : memref<524288xf32, #tpu.memory_space<vmem_shared>> -> memref<32xf32, #tpu.memory_space<vmem_shared>>
              %dma_start3A_240 = tpu.memref_slice %arg14[%mul3A_237] : memref<512xf32, #tpu.memory_space<vmem>> -> memref<32xf32, #tpu.memory_space<vmem>>
              %dma_start3A_241 = tpu.memref_slice %arg15[%mul3A_235] : memref<524288xf32, #tpu.memory_space<vmem_shared>> -> memref<32xf32, #tpu.memory_space<vmem_shared>>
              tpu.enqueue_dma source(%dma_start3A_241 : memref<32xf32, #tpu.memory_space<vmem_shared>>) target(%dma_start3A_240 : memref<32xf32, #tpu.memory_space<vmem>>) target_semaphore(%arg18 : memref<!tpu.dma_semaphore, #tpu.memory_space<semaphore_mem>>)
            }
            %while3A_208 = arith.constant 1 : i32
            scf.for %while3A_229 = %while3A_206 to %while3A_202 step %while3A_208  : i32 {
              %get3A_230 = arith.index_cast %while3A_229 : i32 to index
              %get3A_231 = tpu.vector_load %arg10[%get3A_230] {strides = array<i32>} : memref<32xi32, #tpu.memory_space<vmem>>, vector<16xi32>,
              %slice3A_232 = vector.extract_strided_slice %get3A_231 {offsets = [0], sizes = [1], strides = [1]} : vector<16xi32> to vector<1xi32>
              %squeeze3A_233 = vector.extract %slice3A_232[0] : i32 from vector<1xi32>
              %mul3A_234 = arith.constant 32 : i32
              %mul3A_235 = arith.muli %squeeze3A_233, %mul3A_234 : i32
              %mul3A_236 = arith.constant 32 : i32
              %mul3A_237 = arith.muli %while3A_229, %mul3A_236 : i32
              %dma_start3A_238 = tpu.memref_slice %arg14[%mul3A_237] : memref<512xf32, #tpu.memory_space<vmem>> -> memref<32xf32, #tpu.memory_space<vmem>>
              %dma_start3A_239 = tpu.memref_slice %arg15[%mul3A_235] : memref<524288xf32, #tpu.memory_space<vmem_shared>> -> memref<32xf32, #tpu.memory_space<vmem_shared>>
              %dma_start3A_240 = tpu.memref_slice %arg14[%mul3A_237] : memref<512xf32, #tpu.memory_space<vmem>> -> memref<32xf32, #tpu.memory_space<vmem>>
              %dma_start3A_241 = tpu.memref_slice %arg15[%mul3A_235] : memref<524288xf32, #tpu.memory_space<vmem_shared>> -> memref<32xf32, #tpu.memory_space<vmem_shared>>
              tpu.enqueue_dma source(%dma_start3A_241 : memref<32xf32, #tpu.memory_space<vmem_shared>>) target(%dma_start3A_240 : memref<32xf32, #tpu.memory_space<vmem>>) target_semaphore(%arg18 : memref<!tpu.dma_semaphore, #tpu.memory_space<semaphore_mem>>)
            }
            %while3A_209 = arith.constant 0 : i32
            %while3A_210 = arith.constant 0 : i32
            %while3A_211 = arith.subi %squeeze3A, %while3A_210 : i32
            %while3A_212 = arith.addi %while3A_210, %while3A_211 : i32
            %while3A_213 = arith.constant 1 : i32
            %while3A_214 = arith.divsi %while3A_211, %while3A_213 : i32
            %while3A_215 = arith.muli %while3A_214, %while3A_213 : i32
            %while3A_216 = arith.addi %while3A_210, %while3A_215 : i32
            %while3A_217 = arith.constant 1 : i32
            scf.for %while3A_229 = %while3A_210 to %while3A_216 step %while3A_217  : i32 {
              %dma_wait3A_230 = arith.constant 0 : i32
              %dma_wait3A_231 = tpu.memref_slice %arg14[%dma_wait3A_230] : memref<512xf32, #tpu.memory_space<vmem>> -> memref<32xf32, #tpu.memory_space<vmem>>
              %dma_wait3A_232 = arith.constant 0 : i32
              %dma_wait3A_233 = tpu.memref_slice %arg15[%dma_wait3A_232] : memref<524288xf32, #tpu.memory_space<vmem_shared>> -> memref<32xf32, #tpu.memory_space<vmem_shared>>
              %dma_wait3A_234 = arith.constant 0 : i32
              %dma_wait3A_235 = tpu.memref_slice %arg14[%dma_wait3A_234] : memref<512xf32, #tpu.memory_space<vmem>> -> memref<32xf32, #tpu.memory_space<vmem>>
              %dma_wait3A_236 = arith.constant 0 : i32
              %dma_wait3A_237 = tpu.memref_slice %arg15[%dma_wait3A_236] : memref<524288xf32, #tpu.memory_space<vmem_shared>> -> memref<32xf32, #tpu.memory_space<vmem_shared>>
              tpu.wait_dma2 semaphore(%arg18 : memref<!tpu.dma_semaphore, #tpu.memory_space<semaphore_mem>>) src(%dma_wait3A_237 : memref<32xf32, #tpu.memory_space<vmem_shared>>) dst(%dma_wait3A_235 : memref<32xf32, #tpu.memory_space<vmem>>)
            }
            %while3A_218 = arith.constant 1 : i32
            scf.for %while3A_229 = %while3A_216 to %while3A_212 step %while3A_218  : i32 {
              %dma_wait3A_230 = arith.constant 0 : i32
              %dma_wait3A_231 = tpu.memref_slice %arg14[%dma_wait3A_230] : memref<512xf32, #tpu.memory_space<vmem>> -> memref<32xf32, #tpu.memory_space<vmem>>
              %dma_wait3A_232 = arith.constant 0 : i32
              %dma_wait3A_233 = tpu.memref_slice %arg15[%dma_wait3A_232] : memref<524288xf32, #tpu.memory_space<vmem_shared>> -> memref<32xf32, #tpu.memory_space<vmem_shared>>
              %dma_wait3A_234 = arith.constant 0 : i32
              %dma_wait3A_235 = tpu.memref_slice %arg14[%dma_wait3A_234] : memref<512xf32, #tpu.memory_space<vmem>> -> memref<32xf32, #tpu.memory_space<vmem>>
              %dma_wait3A_236 = arith.constant 0 : i32
              %dma_wait3A_237 = tpu.memref_slice %arg15[%dma_wait3A_236] : memref<524288xf32, #tpu.memory_space<vmem_shared>> -> memref<32xf32, #tpu.memory_space<vmem_shared>>
              tpu.wait_dma2 semaphore(%arg18 : memref<!tpu.dma_semaphore, #tpu.memory_space<semaphore_mem>>) src(%dma_wait3A_237 : memref<32xf32, #tpu.memory_space<vmem_shared>>) dst(%dma_wait3A_235 : memref<32xf32, #tpu.memory_space<vmem>>)
            }
            %while3A_219 = arith.constant 0 : i32
            %while3A_220 = arith.constant 0 : i32
            %while3A_221 = arith.subi %squeeze3A, %while3A_220 : i32
            %while3A_222 = arith.addi %while3A_220, %while3A_221 : i32
            %while3A_223 = arith.constant 1 : i32
            %while3A_224 = arith.divsi %while3A_221, %while3A_223 : i32
            %while3A_225 = arith.muli %while3A_224, %while3A_223 : i32
            %while3A_226 = arith.addi %while3A_220, %while3A_225 : i32
            %while3A_227 = arith.constant 1 : i32
            scf.for %while3A_229 = %while3A_220 to %while3A_226 step %while3A_227  : i32 {
              %get3A_230 = arith.index_cast %while3A_229 : i32 to index
              %get3A_231 = tpu.vector_load %arg11[%get3A_230] {strides = array<i32>} : memref<32xi32, #tpu.memory_space<vmem>>, vector<16xi32>,
              %slice3A_232 = vector.extract_strided_slice %get3A_231 {offsets = [0], sizes = [1], strides = [1]} : vector<16xi32> to vector<1xi32>
              %squeeze3A_233 = vector.extract %slice3A_232[0] : i32 from vector<1xi32>
              %broadcast_in_dim3A = vector.broadcast %squeeze3A_233 : i32 to vector<16xi32>
              %broadcast_in_dim3A_234 = arith.constant 0 : i32
              %broadcast_in_dim3A_235 = vector.broadcast %broadcast_in_dim3A_234 : i32 to vector<16xi32>
              %gather3A = tpu.vector_load_idx %arg13[%broadcast_in_dim3A_235, %iota3A, %broadcast_in_dim3A] : memref<4x32x512xf32, #tpu.memory_space<vmem>>[vector<16xi32>, vector<16xi32>, vector<16xi32>], vector<16xf32>,
              %add3A_236 = arith.constant 16 : i32
              %add3A_237 = vector.broadcast %add3A_236 : i32 to vector<16xi32>
              %add3A_238 = arith.addi %iota3A, %add3A_237 : vector<16xi32>
              %gather3A_239 = tpu.vector_load_idx %arg13[%broadcast_in_dim3A_235, %add3A_238, %broadcast_in_dim3A] : memref<4x32x512xf32, #tpu.memory_space<vmem>>[vector<16xi32>, vector<16xi32>, vector<16xi32>], vector<16xf32>,
              %mul3A_240 = arith.constant 32 : i32
              %mul3A_241 = arith.muli %while3A_229, %mul3A_240 : i32
              %get3A_242 = arith.index_cast %mul3A_241 : i32 to index
              %get3A_243 = tpu.vector_load %arg14[%get3A_242] {strides = array<i32>} : memref<512xf32, #tpu.memory_space<vmem>>, vector<16xf32>,
              %add3A_244 = arith.addf %gather3A, %get3A_243 : vector<16xf32>
              tpu.vector_store_idx %arg13[%broadcast_in_dim3A_235, %iota3A, %broadcast_in_dim3A], %add3A_244 : memref<4x32x512xf32, #tpu.memory_space<vmem>>[vector<16xi32>, vector<16xi32>, vector<16xi32>], vector<16xf32>,
              %add3A_245 = arith.constant 16 : i32
              %add3A_246 = vector.broadcast %add3A_245 : i32 to vector<16xi32>
              %add3A_247 = arith.addi %iota3A, %add3A_246 : vector<16xi32>
              %mul3A_248 = arith.constant 32 : i32
              %mul3A_249 = arith.muli %while3A_229, %mul3A_248 : i32
              %add3A_250 = arith.constant 16 : i32
              %add3A_251 = arith.addi %mul3A_249, %add3A_250 : i32
              %get3A_252 = arith.index_cast %add3A_251 : i32 to index
              %get3A_253 = tpu.vector_load %arg14[%get3A_252] {strides = array<i32>} : memref<512xf32, #tpu.memory_space<vmem>>, vector<16xf32>,
              %add3A_254 = arith.addf %gather3A_239, %get3A_253 : vector<16xf32>
              tpu.vector_store_idx %arg13[%broadcast_in_dim3A_235, %add3A_247, %broadcast_in_dim3A], %add3A_254 : memref<4x32x512xf32, #tpu.memory_space<vmem>>[vector<16xi32>, vector<16xi32>, vector<16xi32>], vector<16xf32>,
            }
            %while3A_228 = arith.constant 1 : i32
            scf.for %while3A_229 = %while3A_226 to %while3A_222 step %while3A_228  : i32 {
              %get3A_230 = arith.index_cast %while3A_229 : i32 to index
              %get3A_231 = tpu.vector_load %arg11[%get3A_230] {strides = array<i32>} : memref<32xi32, #tpu.memory_space<vmem>>, vector<16xi32>,
              %slice3A_232 = vector.extract_strided_slice %get3A_231 {offsets = [0], sizes = [1], strides = [1]} : vector<16xi32> to vector<1xi32>
              %squeeze3A_233 = vector.extract %slice3A_232[0] : i32 from vector<1xi32>
              %broadcast_in_dim3A = vector.broadcast %squeeze3A_233 : i32 to vector<16xi32>
              %broadcast_in_dim3A_234 = arith.constant 0 : i32
              %broadcast_in_dim3A_235 = vector.broadcast %broadcast_in_dim3A_234 : i32 to vector<16xi32>
              %gather3A = tpu.vector_load_idx %arg13[%broadcast_in_dim3A_235, %iota3A, %broadcast_in_dim3A] : memref<4x32x512xf32, #tpu.memory_space<vmem>>[vector<16xi32>, vector<16xi32>, vector<16xi32>], vector<16xf32>,
              %add3A_236 = arith.constant 16 : i32
              %add3A_237 = vector.broadcast %add3A_236 : i32 to vector<16xi32>
              %add3A_238 = arith.addi %iota3A, %add3A_237 : vector<16xi32>
              %gather3A_239 = tpu.vector_load_idx %arg13[%broadcast_in_dim3A_235, %add3A_238, %broadcast_in_dim3A] : memref<4x32x512xf32, #tpu.memory_space<vmem>>[vector<16xi32>, vector<16xi32>, vector<16xi32>], vector<16xf32>,
              %mul3A_240 = arith.constant 32 : i32
              %mul3A_241 = arith.muli %while3A_229, %mul3A_240 : i32
              %get3A_242 = arith.index_cast %mul3A_241 : i32 to index
              %get3A_243 = tpu.vector_load %arg14[%get3A_242] {strides = array<i32>} : memref<512xf32, #tpu.memory_space<vmem>>, vector<16xf32>,
              %add3A_244 = arith.addf %gather3A, %get3A_243 : vector<16xf32>
              tpu.vector_store_idx %arg13[%broadcast_in_dim3A_235, %iota3A, %broadcast_in_dim3A], %add3A_244 : memref<4x32x512xf32, #tpu.memory_space<vmem>>[vector<16xi32>, vector<16xi32>, vector<16xi32>], vector<16xf32>,
              %add3A_245 = arith.constant 16 : i32
              %add3A_246 = vector.broadcast %add3A_245 : i32 to vector<16xi32>
              %add3A_247 = arith.addi %iota3A, %add3A_246 : vector<16xi32>
              %mul3A_248 = arith.constant 32 : i32
              %mul3A_249 = arith.muli %while3A_229, %mul3A_248 : i32
              %add3A_250 = arith.constant 16 : i32
              %add3A_251 = arith.addi %mul3A_249, %add3A_250 : i32
              %get3A_252 = arith.index_cast %add3A_251 : i32 to index
              %get3A_253 = tpu.vector_load %arg14[%get3A_252] {strides = array<i32>} : memref<512xf32, #tpu.memory_space<vmem>>, vector<16xf32>,
              %add3A_254 = arith.addf %gather3A_239, %get3A_253 : vector<16xf32>
              tpu.vector_store_idx %arg13[%broadcast_in_dim3A_235, %add3A_247, %broadcast_in_dim3A], %add3A_254 : memref<4x32x512xf32, #tpu.memory_space<vmem>>[vector<16xi32>, vector<16xi32>, vector<16xi32>], vector<16xf32>,
            }
          } else {
          }
          %scan3A_192 = arith.constant 0 : i32
          scf.yield %scan3A_192 : i32
        }
        %scan3A_175 = arith.constant 1024 : i32
      } else {
      }
      %mul3A_166 = arith.constant 512 : i32
      %mul3A_167 = arith.muli %add3A_155, %mul3A_166 : i32
      %run_scoped3A_168 = arith.constant 0 : i32
      "tpu.region"() ({
        %run_scoped3A_169 = tpu.sem_alloc : memref<!tpu.dma_semaphore, #tpu.memory_space<semaphore_mem>>
        %dma_start3A_170 = arith.constant 0 : i32
        %dma_start3A_171 = arith.constant 0 : i32
        %dma_start3A_172 = tpu.memref_slice %arg13[%run_scoped3A_168, %dma_start3A_170, %dma_start3A_171] : memref<4x32x512xf32, #tpu.memory_space<vmem>> -> memref<1x32x512xf32, #tpu.memory_space<vmem>>
        %dma_start3A_173 = tpu.memref_squeeze %dma_start3A_172 : memref<1x32x512xf32, #tpu.memory_space<vmem>> -> memref<32x512xf32, #tpu.memory_space<vmem>>
        %dma_start3A_174 = arith.constant 0 : i32
        %dma_start3A_175 = tpu.memref_slice %arg6[%dma_start3A_174, %mul3A_167] : memref<32x1000000xf32, #tpu.memory_space<hbm>> -> memref<32x512xf32, #tpu.memory_space<hbm>>
        %dma_start3A_176 = arith.constant 0 : i32
        %dma_start3A_177 = tpu.memref_slice %arg6[%dma_start3A_176, %mul3A_167] : memref<32x1000000xf32, #tpu.memory_space<hbm>> -> memref<32x512xf32, #tpu.memory_space<hbm>>
        %dma_start3A_178 = arith.constant 0 : i32
        %dma_start3A_179 = arith.constant 0 : i32
        %dma_start3A_180 = tpu.memref_slice %arg13[%run_scoped3A_168, %dma_start3A_178, %dma_start3A_179] : memref<4x32x512xf32, #tpu.memory_space<vmem>> -> memref<1x32x512xf32, #tpu.memory_space<vmem>>
        %dma_start3A_181 = tpu.memref_squeeze %dma_start3A_180 : memref<1x32x512xf32, #tpu.memory_space<vmem>> -> memref<32x512xf32, #tpu.memory_space<vmem>>
        tpu.enqueue_dma source(%dma_start3A_181 : memref<32x512xf32, #tpu.memory_space<vmem>>) target(%dma_start3A_177 : memref<32x512xf32, #tpu.memory_space<hbm>>) target_semaphore(%run_scoped3A_169 : memref<!tpu.dma_semaphore, #tpu.memory_space<semaphore_mem>>)
        %dma_wait3A_182 = arith.constant 0 : i32
        %dma_wait3A_183 = arith.constant 0 : i32
        %dma_wait3A_184 = tpu.memref_slice %arg13[%run_scoped3A_168, %dma_wait3A_182, %dma_wait3A_183] : memref<4x32x512xf32, #tpu.memory_space<vmem>> -> memref<1x32x512xf32, #tpu.memory_space<vmem>>
        %dma_wait3A_185 = tpu.memref_squeeze %dma_wait3A_184 : memref<1x32x512xf32, #tpu.memory_space<vmem>> -> memref<32x512xf32, #tpu.memory_space<vmem>>
        %dma_wait3A_186 = arith.constant 0 : i32
        %dma_wait3A_187 = tpu.memref_slice %arg6[%dma_wait3A_186, %mul3A_167] : memref<32x1000000xf32, #tpu.memory_space<hbm>> -> memref<32x512xf32, #tpu.memory_space<hbm>>
        %dma_wait3A_188 = arith.constant 0 : i32
        %dma_wait3A_189 = tpu.memref_slice %arg6[%dma_wait3A_188, %mul3A_167] : memref<32x1000000xf32, #tpu.memory_space<hbm>> -> memref<32x512xf32, #tpu.memory_space<hbm>>
        %dma_wait3A_190 = arith.constant 0 : i32
        %dma_wait3A_191 = arith.constant 0 : i32
        %dma_wait3A_192 = tpu.memref_slice %arg13[%run_scoped3A_168, %dma_wait3A_190, %dma_wait3A_191] : memref<4x32x512xf32, #tpu.memory_space<vmem>> -> memref<1x32x512xf32, #tpu.memory_space<vmem>>
        %dma_wait3A_193 = tpu.memref_squeeze %dma_wait3A_192 : memref<1x32x512xf32, #tpu.memory_space<vmem>> -> memref<32x512xf32, #tpu.memory_space<vmem>>
        tpu.wait_dma2 semaphore(%run_scoped3A_169 : memref<!tpu.dma_semaphore, #tpu.memory_space<semaphore_mem>>) src(%dma_wait3A_193 : memref<32x512xf32, #tpu.memory_space<vmem>>) dst(%dma_wait3A_189 : memref<32x512xf32, #tpu.memory_space<hbm>>)
        tpu.yield
      }) : () -> ()
    } else {
    }
    %eq3A = arith.constant 1 : i32
    %eq3A_150 = arith.cmpi eq, %add3A, %eq3A : i32
    %convert_element_type3A_151 = arith.extui %eq3A_150 : i1 to i32
    %cond3A_152 = arith.constant 0 : i32
    %cond3A_153 = arith.cmpi ne, %convert_element_type3A_151, %cond3A_152 : i32
    scf.if %cond3A_153 {
      "tpu.region"() ({
        %run_scoped3A = tpu.sem_alloc : memref<!tpu.dma_semaphore, #tpu.memory_space<semaphore_mem>>
        tpu.enqueue_dma source(%arg3 : memref<64x32xf32, #tpu.memory_space<hbm>>) target(%arg12 : memref<64x32xf32, #tpu.memory_space<vmem>>) target_semaphore(%run_scoped3A : memref<!tpu.dma_semaphore, #tpu.memory_space<semaphore_mem>>)
        tpu.wait_dma2 semaphore(%run_scoped3A : memref<!tpu.dma_semaphore, #tpu.memory_space<semaphore_mem>>) src(%arg3 : memref<64x32xf32, #tpu.memory_space<hbm>>) dst(%arg12 : memref<64x32xf32, #tpu.memory_space<vmem>>)
        tpu.yield
      }) : () -> ()
      %not3A_154 = arith.constant true
      %not3A_155 = arith.xori %gt3A_50, %not3A_154 : i1
      %convert_element_type3A_156 = arith.extui %not3A_155 : i1 to i32
      %cond3A_157 = arith.constant 0 : i32
      %cond3A_158 = arith.cmpi ne, %convert_element_type3A_156, %cond3A_157 : i32
      scf.if %cond3A_158 {
        %while3A = arith.constant 0 : i32
        %while3A_162 = arith.constant 0 : i32
        %while3A_163 = arith.subi %div3A_59, %while3A : i32
        %while3A_164 = arith.addi %while3A, %while3A_163 : i32
        %while3A_165 = arith.constant 1 : i32
        %while3A_166 = arith.divsi %while3A_163, %while3A_165 : i32
        %while3A_167 = arith.muli %while3A_166, %while3A_165 : i32
        %while3A_168 = arith.addi %while3A, %while3A_167 : i32
        %while3A_169 = arith.constant 1 : i32
        %while3A_170 = scf.for %while3A_173 = %while3A to %while3A_168 step %while3A_169 iter_args(%while3A_174 = %while3A_162) -> (i32)  : i32 {
          %mul3A_175 = arith.constant 16 : i32
          %mul3A_176 = arith.muli %while3A_173, %mul3A_175 : i32
          %get3A = arith.index_cast %mul3A_176 : i32 to index
          %get3A_177 = tpu.vector_load %arg8[%get3A] {strides = array<i32>} : memref<16400xi32, #tpu.memory_space<vmem>>, vector<16xi32>,
          %shift_right_logical3A = arith.constant 9 : i32
          %shift_right_logical3A_178 = vector.broadcast %shift_right_logical3A : i32 to vector<16xi32>
          %shift_right_logical3A_179 = arith.shrui %get3A_177, %shift_right_logical3A_178 : vector<16xi32>
          %eq3A_180 = arith.constant 1953 : i32
          %eq3A_181 = vector.broadcast %eq3A_180 : i32 to vector<16xi32>
          %eq3A_182 = arith.cmpi eq, %shift_right_logical3A_179, %eq3A_181 : vector<16xi32>
          %and3A = arith.constant 511 : i32
          %and3A_183 = vector.broadcast %and3A : i32 to vector<16xi32>
          %and3A_184 = arith.andi %get3A_177, %and3A_183 : vector<16xi32>
          %sub3A_185 = arith.constant 0 : i32
          %sub3A_186 = vector.broadcast %sub3A_185 : i32 to vector<16xi32>
          %sub3A_187 = arith.subi %and3A_184, %sub3A_186 : vector<16xi32>
          %ge3A_188 = arith.constant 0 : i32
          %ge3A_189 = vector.broadcast %ge3A_188 : i32 to vector<16xi32>
          %ge3A_190 = arith.cmpi sge, %sub3A_187, %ge3A_189 : vector<16xi32>
          %and3A_191 = arith.andi %eq3A_182, %ge3A_190 : vector<16xi1>
          %all_reduce_population_count3A = tpu.all_reduce %and3A_191 {dim = 0 : i64, kind = #tpu.reduction_kind<sum>} : vector<16xi1> -> vector<16xi32>
          %slice3A = vector.extract_strided_slice %all_reduce_population_count3A {offsets = [0], sizes = [1], strides = [1]} : vector<16xi32> to vector<1xi32>
          %squeeze3A = vector.extract %slice3A[0] : i32 from vector<1xi32>
          %gt3A_192 = arith.constant 0 : i32
          %gt3A_193 = arith.cmpi sgt, %squeeze3A, %gt3A_192 : i32
          %convert_element_type3A_194 = arith.extui %gt3A_193 : i1 to i32
          %cond3A_195 = arith.constant 0 : i32
          %cond3A_196 = arith.cmpi ne, %convert_element_type3A_194, %cond3A_195 : i32
          scf.if %cond3A_196 {
            %swap3A = arith.constant 0 : index
            %swap3A_198 = tpu.vector_load %arg11[%swap3A] masked %and3A_191 {strides = array<i32>} : memref<32xi32, #tpu.memory_space<vmem>>, vector<16xi32>, vector<16xi1>
            tpu.vector_store %arg11[%swap3A], %sub3A_187 masked %and3A_191 {strides = array<i32>} : memref<32xi32, #tpu.memory_space<vmem>>, vector<16xi32>, vector<16xi1>
            %mul3A_199 = arith.constant 16 : i32
            %mul3A_200 = arith.muli %while3A_173, %mul3A_199 : i32
            %get3A_201 = arith.index_cast %mul3A_200 : i32 to index
            %get3A_202 = tpu.vector_load %arg9[%get3A_201] {strides = array<i32>} : memref<4112xi32, #tpu.memory_space<vmem>>, vector<16xi32>,
            %swap3A_203 = arith.constant 0 : index
            %swap3A_204 = tpu.vector_load %arg10[%swap3A_203] masked %and3A_191 {strides = array<i32>} : memref<32xi32, #tpu.memory_space<vmem>>, vector<16xi32>, vector<16xi1>
            tpu.vector_store %arg10[%swap3A_203], %get3A_202 masked %and3A_191 {strides = array<i32>} : memref<32xi32, #tpu.memory_space<vmem>>, vector<16xi32>, vector<16xi1>
            %while3A_205 = arith.constant 0 : i32
            %while3A_206 = arith.constant 0 : i32
            %while3A_207 = arith.subi %squeeze3A, %while3A_206 : i32
            %while3A_208 = arith.addi %while3A_206, %while3A_207 : i32
            %while3A_209 = arith.constant 1 : i32
            %while3A_210 = arith.divsi %while3A_207, %while3A_209 : i32
            %while3A_211 = arith.muli %while3A_210, %while3A_209 : i32
            %while3A_212 = arith.addi %while3A_206, %while3A_211 : i32
            %while3A_213 = arith.constant 1 : i32
            scf.for %while3A_235 = %while3A_206 to %while3A_212 step %while3A_213  : i32 {
              %get3A_236 = arith.index_cast %while3A_235 : i32 to index
              %get3A_237 = tpu.vector_load %arg10[%get3A_236] {strides = array<i32>} : memref<32xi32, #tpu.memory_space<vmem>>, vector<16xi32>,
              %slice3A_238 = vector.extract_strided_slice %get3A_237 {offsets = [0], sizes = [1], strides = [1]} : vector<16xi32> to vector<1xi32>
              %squeeze3A_239 = vector.extract %slice3A_238[0] : i32 from vector<1xi32>
              %mul3A_240 = arith.constant 32 : i32
              %mul3A_241 = arith.muli %squeeze3A_239, %mul3A_240 : i32
              %mul3A_242 = arith.constant 32 : i32
              %mul3A_243 = arith.muli %while3A_235, %mul3A_242 : i32
              %dma_start3A_244 = tpu.memref_slice %arg14[%mul3A_243] : memref<512xf32, #tpu.memory_space<vmem>> -> memref<32xf32, #tpu.memory_space<vmem>>
              %dma_start3A_245 = tpu.memref_slice %arg15[%mul3A_241] : memref<524288xf32, #tpu.memory_space<vmem_shared>> -> memref<32xf32, #tpu.memory_space<vmem_shared>>
              %dma_start3A_246 = tpu.memref_slice %arg14[%mul3A_243] : memref<512xf32, #tpu.memory_space<vmem>> -> memref<32xf32, #tpu.memory_space<vmem>>
              %dma_start3A_247 = tpu.memref_slice %arg15[%mul3A_241] : memref<524288xf32, #tpu.memory_space<vmem_shared>> -> memref<32xf32, #tpu.memory_space<vmem_shared>>
              tpu.enqueue_dma source(%dma_start3A_247 : memref<32xf32, #tpu.memory_space<vmem_shared>>) target(%dma_start3A_246 : memref<32xf32, #tpu.memory_space<vmem>>) target_semaphore(%arg18 : memref<!tpu.dma_semaphore, #tpu.memory_space<semaphore_mem>>)
            }
            %while3A_214 = arith.constant 1 : i32
            scf.for %while3A_235 = %while3A_212 to %while3A_208 step %while3A_214  : i32 {
              %get3A_236 = arith.index_cast %while3A_235 : i32 to index
              %get3A_237 = tpu.vector_load %arg10[%get3A_236] {strides = array<i32>} : memref<32xi32, #tpu.memory_space<vmem>>, vector<16xi32>,
              %slice3A_238 = vector.extract_strided_slice %get3A_237 {offsets = [0], sizes = [1], strides = [1]} : vector<16xi32> to vector<1xi32>
              %squeeze3A_239 = vector.extract %slice3A_238[0] : i32 from vector<1xi32>
              %mul3A_240 = arith.constant 32 : i32
              %mul3A_241 = arith.muli %squeeze3A_239, %mul3A_240 : i32
              %mul3A_242 = arith.constant 32 : i32
              %mul3A_243 = arith.muli %while3A_235, %mul3A_242 : i32
              %dma_start3A_244 = tpu.memref_slice %arg14[%mul3A_243] : memref<512xf32, #tpu.memory_space<vmem>> -> memref<32xf32, #tpu.memory_space<vmem>>
              %dma_start3A_245 = tpu.memref_slice %arg15[%mul3A_241] : memref<524288xf32, #tpu.memory_space<vmem_shared>> -> memref<32xf32, #tpu.memory_space<vmem_shared>>
              %dma_start3A_246 = tpu.memref_slice %arg14[%mul3A_243] : memref<512xf32, #tpu.memory_space<vmem>> -> memref<32xf32, #tpu.memory_space<vmem>>
              %dma_start3A_247 = tpu.memref_slice %arg15[%mul3A_241] : memref<524288xf32, #tpu.memory_space<vmem_shared>> -> memref<32xf32, #tpu.memory_space<vmem_shared>>
              tpu.enqueue_dma source(%dma_start3A_247 : memref<32xf32, #tpu.memory_space<vmem_shared>>) target(%dma_start3A_246 : memref<32xf32, #tpu.memory_space<vmem>>) target_semaphore(%arg18 : memref<!tpu.dma_semaphore, #tpu.memory_space<semaphore_mem>>)
            }
            %while3A_215 = arith.constant 0 : i32
            %while3A_216 = arith.constant 0 : i32
            %while3A_217 = arith.subi %squeeze3A, %while3A_216 : i32
            %while3A_218 = arith.addi %while3A_216, %while3A_217 : i32
            %while3A_219 = arith.constant 1 : i32
            %while3A_220 = arith.divsi %while3A_217, %while3A_219 : i32
            %while3A_221 = arith.muli %while3A_220, %while3A_219 : i32
            %while3A_222 = arith.addi %while3A_216, %while3A_221 : i32
            %while3A_223 = arith.constant 1 : i32
            scf.for %while3A_235 = %while3A_216 to %while3A_222 step %while3A_223  : i32 {
              %dma_wait3A_236 = arith.constant 0 : i32
              %dma_wait3A_237 = tpu.memref_slice %arg14[%dma_wait3A_236] : memref<512xf32, #tpu.memory_space<vmem>> -> memref<32xf32, #tpu.memory_space<vmem>>
              %dma_wait3A_238 = arith.constant 0 : i32
              %dma_wait3A_239 = tpu.memref_slice %arg15[%dma_wait3A_238] : memref<524288xf32, #tpu.memory_space<vmem_shared>> -> memref<32xf32, #tpu.memory_space<vmem_shared>>
              %dma_wait3A_240 = arith.constant 0 : i32
              %dma_wait3A_241 = tpu.memref_slice %arg14[%dma_wait3A_240] : memref<512xf32, #tpu.memory_space<vmem>> -> memref<32xf32, #tpu.memory_space<vmem>>
              %dma_wait3A_242 = arith.constant 0 : i32
              %dma_wait3A_243 = tpu.memref_slice %arg15[%dma_wait3A_242] : memref<524288xf32, #tpu.memory_space<vmem_shared>> -> memref<32xf32, #tpu.memory_space<vmem_shared>>
              tpu.wait_dma2 semaphore(%arg18 : memref<!tpu.dma_semaphore, #tpu.memory_space<semaphore_mem>>) src(%dma_wait3A_243 : memref<32xf32, #tpu.memory_space<vmem_shared>>) dst(%dma_wait3A_241 : memref<32xf32, #tpu.memory_space<vmem>>)
            }
            %while3A_224 = arith.constant 1 : i32
            scf.for %while3A_235 = %while3A_222 to %while3A_218 step %while3A_224  : i32 {
              %dma_wait3A_236 = arith.constant 0 : i32
              %dma_wait3A_237 = tpu.memref_slice %arg14[%dma_wait3A_236] : memref<512xf32, #tpu.memory_space<vmem>> -> memref<32xf32, #tpu.memory_space<vmem>>
              %dma_wait3A_238 = arith.constant 0 : i32
              %dma_wait3A_239 = tpu.memref_slice %arg15[%dma_wait3A_238] : memref<524288xf32, #tpu.memory_space<vmem_shared>> -> memref<32xf32, #tpu.memory_space<vmem_shared>>
              %dma_wait3A_240 = arith.constant 0 : i32
              %dma_wait3A_241 = tpu.memref_slice %arg14[%dma_wait3A_240] : memref<512xf32, #tpu.memory_space<vmem>> -> memref<32xf32, #tpu.memory_space<vmem>>
              %dma_wait3A_242 = arith.constant 0 : i32
              %dma_wait3A_243 = tpu.memref_slice %arg15[%dma_wait3A_242] : memref<524288xf32, #tpu.memory_space<vmem_shared>> -> memref<32xf32, #tpu.memory_space<vmem_shared>>
              tpu.wait_dma2 semaphore(%arg18 : memref<!tpu.dma_semaphore, #tpu.memory_space<semaphore_mem>>) src(%dma_wait3A_243 : memref<32xf32, #tpu.memory_space<vmem_shared>>) dst(%dma_wait3A_241 : memref<32xf32, #tpu.memory_space<vmem>>)
            }
            %while3A_225 = arith.constant 0 : i32
            %while3A_226 = arith.constant 0 : i32
            %while3A_227 = arith.subi %squeeze3A, %while3A_226 : i32
            %while3A_228 = arith.addi %while3A_226, %while3A_227 : i32
            %while3A_229 = arith.constant 1 : i32
            %while3A_230 = arith.divsi %while3A_227, %while3A_229 : i32
            %while3A_231 = arith.muli %while3A_230, %while3A_229 : i32
            %while3A_232 = arith.addi %while3A_226, %while3A_231 : i32
            %while3A_233 = arith.constant 1 : i32
            scf.for %while3A_235 = %while3A_226 to %while3A_232 step %while3A_233  : i32 {
              %get3A_236 = arith.index_cast %while3A_235 : i32 to index
              %get3A_237 = tpu.vector_load %arg11[%get3A_236] {strides = array<i32>} : memref<32xi32, #tpu.memory_space<vmem>>, vector<16xi32>,
              %slice3A_238 = vector.extract_strided_slice %get3A_237 {offsets = [0], sizes = [1], strides = [1]} : vector<16xi32> to vector<1xi32>
              %squeeze3A_239 = vector.extract %slice3A_238[0] : i32 from vector<1xi32>
              %get3A_240 = arith.index_cast %squeeze3A_239 : i32 to index
              %get3A_241 = arith.constant 0 : index
              %get3A_242 = tpu.vector_load %arg12[%get3A_240, %get3A_241] {strides = array<i32>} : memref<64x32xf32, #tpu.memory_space<vmem>>, vector<16xf32>,
              %mul3A_243 = arith.constant 32 : i32
              %mul3A_244 = arith.muli %while3A_235, %mul3A_243 : i32
              %add3A_245 = arith.constant 0 : i32
              %add3A_246 = arith.addi %mul3A_244, %add3A_245 : i32
              %get3A_247 = arith.index_cast %add3A_246 : i32 to index
              %get3A_248 = tpu.vector_load %arg14[%get3A_247] {strides = array<i32>} : memref<512xf32, #tpu.memory_space<vmem>>, vector<16xf32>,
              %add3A_249 = arith.addf %get3A_242, %get3A_248 : vector<16xf32>
              %swap3A_250 = arith.index_cast %squeeze3A_239 : i32 to index
              %swap3A_251 = arith.constant 0 : index
              %swap3A_252 = tpu.vector_load %arg12[%swap3A_250, %swap3A_251] {strides = array<i32>} : memref<64x32xf32, #tpu.memory_space<vmem>>, vector<16xf32>,
              tpu.vector_store %arg12[%swap3A_250, %swap3A_251], %add3A_249 {strides = array<i32>} : memref<64x32xf32, #tpu.memory_space<vmem>>, vector<16xf32>,
              %get3A_253 = arith.index_cast %squeeze3A_239 : i32 to index
              %get3A_254 = arith.constant 16 : index
              %get3A_255 = tpu.vector_load %arg12[%get3A_253, %get3A_254] {strides = array<i32>} : memref<64x32xf32, #tpu.memory_space<vmem>>, vector<16xf32>,
              %mul3A_256 = arith.constant 32 : i32
              %mul3A_257 = arith.muli %while3A_235, %mul3A_256 : i32
              %add3A_258 = arith.constant 16 : i32
              %add3A_259 = arith.addi %mul3A_257, %add3A_258 : i32
              %get3A_260 = arith.index_cast %add3A_259 : i32 to index
              %get3A_261 = tpu.vector_load %arg14[%get3A_260] {strides = array<i32>} : memref<512xf32, #tpu.memory_space<vmem>>, vector<16xf32>,
              %add3A_262 = arith.addf %get3A_255, %get3A_261 : vector<16xf32>
              %swap3A_263 = arith.index_cast %squeeze3A_239 : i32 to index
              %swap3A_264 = arith.constant 16 : index
              %swap3A_265 = tpu.vector_load %arg12[%swap3A_263, %swap3A_264] {strides = array<i32>} : memref<64x32xf32, #tpu.memory_space<vmem>>, vector<16xf32>,
              tpu.vector_store %arg12[%swap3A_263, %swap3A_264], %add3A_262 {strides = array<i32>} : memref<64x32xf32, #tpu.memory_space<vmem>>, vector<16xf32>,
            }
            %while3A_234 = arith.constant 1 : i32
            scf.for %while3A_235 = %while3A_232 to %while3A_228 step %while3A_234  : i32 {
              %get3A_236 = arith.index_cast %while3A_235 : i32 to index
              %get3A_237 = tpu.vector_load %arg11[%get3A_236] {strides = array<i32>} : memref<32xi32, #tpu.memory_space<vmem>>, vector<16xi32>,
              %slice3A_238 = vector.extract_strided_slice %get3A_237 {offsets = [0], sizes = [1], strides = [1]} : vector<16xi32> to vector<1xi32>
              %squeeze3A_239 = vector.extract %slice3A_238[0] : i32 from vector<1xi32>
              %get3A_240 = arith.index_cast %squeeze3A_239 : i32 to index
              %get3A_241 = arith.constant 0 : index
              %get3A_242 = tpu.vector_load %arg12[%get3A_240, %get3A_241] {strides = array<i32>} : memref<64x32xf32, #tpu.memory_space<vmem>>, vector<16xf32>,
              %mul3A_243 = arith.constant 32 : i32
              %mul3A_244 = arith.muli %while3A_235, %mul3A_243 : i32
              %add3A_245 = arith.constant 0 : i32
              %add3A_246 = arith.addi %mul3A_244, %add3A_245 : i32
              %get3A_247 = arith.index_cast %add3A_246 : i32 to index
              %get3A_248 = tpu.vector_load %arg14[%get3A_247] {strides = array<i32>} : memref<512xf32, #tpu.memory_space<vmem>>, vector<16xf32>,
              %add3A_249 = arith.addf %get3A_242, %get3A_248 : vector<16xf32>
              %swap3A_250 = arith.index_cast %squeeze3A_239 : i32 to index
              %swap3A_251 = arith.constant 0 : index
              %swap3A_252 = tpu.vector_load %arg12[%swap3A_250, %swap3A_251] {strides = array<i32>} : memref<64x32xf32, #tpu.memory_space<vmem>>, vector<16xf32>,
              tpu.vector_store %arg12[%swap3A_250, %swap3A_251], %add3A_249 {strides = array<i32>} : memref<64x32xf32, #tpu.memory_space<vmem>>, vector<16xf32>,
              %get3A_253 = arith.index_cast %squeeze3A_239 : i32 to index
              %get3A_254 = arith.constant 16 : index
              %get3A_255 = tpu.vector_load %arg12[%get3A_253, %get3A_254] {strides = array<i32>} : memref<64x32xf32, #tpu.memory_space<vmem>>, vector<16xf32>,
              %mul3A_256 = arith.constant 32 : i32
              %mul3A_257 = arith.muli %while3A_235, %mul3A_256 : i32
              %add3A_258 = arith.constant 16 : i32
              %add3A_259 = arith.addi %mul3A_257, %add3A_258 : i32
              %get3A_260 = arith.index_cast %add3A_259 : i32 to index
              %get3A_261 = tpu.vector_load %arg14[%get3A_260] {strides = array<i32>} : memref<512xf32, #tpu.memory_space<vmem>>, vector<16xf32>,
              %add3A_262 = arith.addf %get3A_255, %get3A_261 : vector<16xf32>
              %swap3A_263 = arith.index_cast %squeeze3A_239 : i32 to index
              %swap3A_264 = arith.constant 16 : index
              %swap3A_265 = tpu.vector_load %arg12[%swap3A_263, %swap3A_264] {strides = array<i32>} : memref<64x32xf32, #tpu.memory_space<vmem>>, vector<16xf32>,
              tpu.vector_store %arg12[%swap3A_263, %swap3A_264], %add3A_262 {strides = array<i32>} : memref<64x32xf32, #tpu.memory_space<vmem>>, vector<16xf32>,
            }
          } else {
          }
          %while3A_197 = arith.constant 0 : i32
          scf.yield %while3A_197 : i32
        }
        %while3A_171 = arith.constant 1 : i32
        %while3A_172 = scf.for %while3A_173 = %while3A_168 to %while3A_164 step %while3A_171 iter_args(%while3A_174 = %while3A_170) -> (i32)  : i32 {
          %mul3A_175 = arith.constant 16 : i32
          %mul3A_176 = arith.muli %while3A_173, %mul3A_175 : i32
          %get3A = arith.index_cast %mul3A_176 : i32 to index
          %get3A_177 = tpu.vector_load %arg8[%get3A] {strides = array<i32>} : memref<16400xi32, #tpu.memory_space<vmem>>, vector<16xi32>,
          %shift_right_logical3A = arith.constant 9 : i32
          %shift_right_logical3A_178 = vector.broadcast %shift_right_logical3A : i32 to vector<16xi32>
          %shift_right_logical3A_179 = arith.shrui %get3A_177, %shift_right_logical3A_178 : vector<16xi32>
          %eq3A_180 = arith.constant 1953 : i32
          %eq3A_181 = vector.broadcast %eq3A_180 : i32 to vector<16xi32>
          %eq3A_182 = arith.cmpi eq, %shift_right_logical3A_179, %eq3A_181 : vector<16xi32>
          %and3A = arith.constant 511 : i32
          %and3A_183 = vector.broadcast %and3A : i32 to vector<16xi32>
          %and3A_184 = arith.andi %get3A_177, %and3A_183 : vector<16xi32>
          %sub3A_185 = arith.constant 0 : i32
          %sub3A_186 = vector.broadcast %sub3A_185 : i32 to vector<16xi32>
          %sub3A_187 = arith.subi %and3A_184, %sub3A_186 : vector<16xi32>
          %ge3A_188 = arith.constant 0 : i32
          %ge3A_189 = vector.broadcast %ge3A_188 : i32 to vector<16xi32>
          %ge3A_190 = arith.cmpi sge, %sub3A_187, %ge3A_189 : vector<16xi32>
          %and3A_191 = arith.andi %eq3A_182, %ge3A_190 : vector<16xi1>
          %all_reduce_population_count3A = tpu.all_reduce %and3A_191 {dim = 0 : i64, kind = #tpu.reduction_kind<sum>} : vector<16xi1> -> vector<16xi32>
          %slice3A = vector.extract_strided_slice %all_reduce_population_count3A {offsets = [0], sizes = [1], strides = [1]} : vector<16xi32> to vector<1xi32>
          %squeeze3A = vector.extract %slice3A[0] : i32 from vector<1xi32>
          %gt3A_192 = arith.constant 0 : i32
          %gt3A_193 = arith.cmpi sgt, %squeeze3A, %gt3A_192 : i32
          %convert_element_type3A_194 = arith.extui %gt3A_193 : i1 to i32
          %cond3A_195 = arith.constant 0 : i32
          %cond3A_196 = arith.cmpi ne, %convert_element_type3A_194, %cond3A_195 : i32
          scf.if %cond3A_196 {
            %swap3A = arith.constant 0 : index
            %swap3A_198 = tpu.vector_load %arg11[%swap3A] masked %and3A_191 {strides = array<i32>} : memref<32xi32, #tpu.memory_space<vmem>>, vector<16xi32>, vector<16xi1>
            tpu.vector_store %arg11[%swap3A], %sub3A_187 masked %and3A_191 {strides = array<i32>} : memref<32xi32, #tpu.memory_space<vmem>>, vector<16xi32>, vector<16xi1>
            %mul3A_199 = arith.constant 16 : i32
            %mul3A_200 = arith.muli %while3A_173, %mul3A_199 : i32
            %get3A_201 = arith.index_cast %mul3A_200 : i32 to index
            %get3A_202 = tpu.vector_load %arg9[%get3A_201] {strides = array<i32>} : memref<4112xi32, #tpu.memory_space<vmem>>, vector<16xi32>,
            %swap3A_203 = arith.constant 0 : index
            %swap3A_204 = tpu.vector_load %arg10[%swap3A_203] masked %and3A_191 {strides = array<i32>} : memref<32xi32, #tpu.memory_space<vmem>>, vector<16xi32>, vector<16xi1>
            tpu.vector_store %arg10[%swap3A_203], %get3A_202 masked %and3A_191 {strides = array<i32>} : memref<32xi32, #tpu.memory_space<vmem>>, vector<16xi32>, vector<16xi1>
            %while3A_205 = arith.constant 0 : i32
            %while3A_206 = arith.constant 0 : i32
            %while3A_207 = arith.subi %squeeze3A, %while3A_206 : i32
            %while3A_208 = arith.addi %while3A_206, %while3A_207 : i32
            %while3A_209 = arith.constant 1 : i32
            %while3A_210 = arith.divsi %while3A_207, %while3A_209 : i32
            %while3A_211 = arith.muli %while3A_210, %while3A_209 : i32
            %while3A_212 = arith.addi %while3A_206, %while3A_211 : i32
            %while3A_213 = arith.constant 1 : i32
            scf.for %while3A_235 = %while3A_206 to %while3A_212 step %while3A_213  : i32 {
              %get3A_236 = arith.index_cast %while3A_235 : i32 to index
              %get3A_237 = tpu.vector_load %arg10[%get3A_236] {strides = array<i32>} : memref<32xi32, #tpu.memory_space<vmem>>, vector<16xi32>,
              %slice3A_238 = vector.extract_strided_slice %get3A_237 {offsets = [0], sizes = [1], strides = [1]} : vector<16xi32> to vector<1xi32>
              %squeeze3A_239 = vector.extract %slice3A_238[0] : i32 from vector<1xi32>
              %mul3A_240 = arith.constant 32 : i32
              %mul3A_241 = arith.muli %squeeze3A_239, %mul3A_240 : i32
              %mul3A_242 = arith.constant 32 : i32
              %mul3A_243 = arith.muli %while3A_235, %mul3A_242 : i32
              %dma_start3A_244 = tpu.memref_slice %arg14[%mul3A_243] : memref<512xf32, #tpu.memory_space<vmem>> -> memref<32xf32, #tpu.memory_space<vmem>>
              %dma_start3A_245 = tpu.memref_slice %arg15[%mul3A_241] : memref<524288xf32, #tpu.memory_space<vmem_shared>> -> memref<32xf32, #tpu.memory_space<vmem_shared>>
              %dma_start3A_246 = tpu.memref_slice %arg14[%mul3A_243] : memref<512xf32, #tpu.memory_space<vmem>> -> memref<32xf32, #tpu.memory_space<vmem>>
              %dma_start3A_247 = tpu.memref_slice %arg15[%mul3A_241] : memref<524288xf32, #tpu.memory_space<vmem_shared>> -> memref<32xf32, #tpu.memory_space<vmem_shared>>
              tpu.enqueue_dma source(%dma_start3A_247 : memref<32xf32, #tpu.memory_space<vmem_shared>>) target(%dma_start3A_246 : memref<32xf32, #tpu.memory_space<vmem>>) target_semaphore(%arg18 : memref<!tpu.dma_semaphore, #tpu.memory_space<semaphore_mem>>)
            }
            %while3A_214 = arith.constant 1 : i32
            scf.for %while3A_235 = %while3A_212 to %while3A_208 step %while3A_214  : i32 {
              %get3A_236 = arith.index_cast %while3A_235 : i32 to index
              %get3A_237 = tpu.vector_load %arg10[%get3A_236] {strides = array<i32>} : memref<32xi32, #tpu.memory_space<vmem>>, vector<16xi32>,
              %slice3A_238 = vector.extract_strided_slice %get3A_237 {offsets = [0], sizes = [1], strides = [1]} : vector<16xi32> to vector<1xi32>
              %squeeze3A_239 = vector.extract %slice3A_238[0] : i32 from vector<1xi32>
              %mul3A_240 = arith.constant 32 : i32
              %mul3A_241 = arith.muli %squeeze3A_239, %mul3A_240 : i32
              %mul3A_242 = arith.constant 32 : i32
              %mul3A_243 = arith.muli %while3A_235, %mul3A_242 : i32
              %dma_start3A_244 = tpu.memref_slice %arg14[%mul3A_243] : memref<512xf32, #tpu.memory_space<vmem>> -> memref<32xf32, #tpu.memory_space<vmem>>
              %dma_start3A_245 = tpu.memref_slice %arg15[%mul3A_241] : memref<524288xf32, #tpu.memory_space<vmem_shared>> -> memref<32xf32, #tpu.memory_space<vmem_shared>>
              %dma_start3A_246 = tpu.memref_slice %arg14[%mul3A_243] : memref<512xf32, #tpu.memory_space<vmem>> -> memref<32xf32, #tpu.memory_space<vmem>>
              %dma_start3A_247 = tpu.memref_slice %arg15[%mul3A_241] : memref<524288xf32, #tpu.memory_space<vmem_shared>> -> memref<32xf32, #tpu.memory_space<vmem_shared>>
              tpu.enqueue_dma source(%dma_start3A_247 : memref<32xf32, #tpu.memory_space<vmem_shared>>) target(%dma_start3A_246 : memref<32xf32, #tpu.memory_space<vmem>>) target_semaphore(%arg18 : memref<!tpu.dma_semaphore, #tpu.memory_space<semaphore_mem>>)
            }
            %while3A_215 = arith.constant 0 : i32
            %while3A_216 = arith.constant 0 : i32
            %while3A_217 = arith.subi %squeeze3A, %while3A_216 : i32
            %while3A_218 = arith.addi %while3A_216, %while3A_217 : i32
            %while3A_219 = arith.constant 1 : i32
            %while3A_220 = arith.divsi %while3A_217, %while3A_219 : i32
            %while3A_221 = arith.muli %while3A_220, %while3A_219 : i32
            %while3A_222 = arith.addi %while3A_216, %while3A_221 : i32
            %while3A_223 = arith.constant 1 : i32
            scf.for %while3A_235 = %while3A_216 to %while3A_222 step %while3A_223  : i32 {
              %dma_wait3A_236 = arith.constant 0 : i32
              %dma_wait3A_237 = tpu.memref_slice %arg14[%dma_wait3A_236] : memref<512xf32, #tpu.memory_space<vmem>> -> memref<32xf32, #tpu.memory_space<vmem>>
              %dma_wait3A_238 = arith.constant 0 : i32
              %dma_wait3A_239 = tpu.memref_slice %arg15[%dma_wait3A_238] : memref<524288xf32, #tpu.memory_space<vmem_shared>> -> memref<32xf32, #tpu.memory_space<vmem_shared>>
              %dma_wait3A_240 = arith.constant 0 : i32
              %dma_wait3A_241 = tpu.memref_slice %arg14[%dma_wait3A_240] : memref<512xf32, #tpu.memory_space<vmem>> -> memref<32xf32, #tpu.memory_space<vmem>>
              %dma_wait3A_242 = arith.constant 0 : i32
              %dma_wait3A_243 = tpu.memref_slice %arg15[%dma_wait3A_242] : memref<524288xf32, #tpu.memory_space<vmem_shared>> -> memref<32xf32, #tpu.memory_space<vmem_shared>>
              tpu.wait_dma2 semaphore(%arg18 : memref<!tpu.dma_semaphore, #tpu.memory_space<semaphore_mem>>) src(%dma_wait3A_243 : memref<32xf32, #tpu.memory_space<vmem_shared>>) dst(%dma_wait3A_241 : memref<32xf32, #tpu.memory_space<vmem>>)
            }
            %while3A_224 = arith.constant 1 : i32
            scf.for %while3A_235 = %while3A_222 to %while3A_218 step %while3A_224  : i32 {
              %dma_wait3A_236 = arith.constant 0 : i32
              %dma_wait3A_237 = tpu.memref_slice %arg14[%dma_wait3A_236] : memref<512xf32, #tpu.memory_space<vmem>> -> memref<32xf32, #tpu.memory_space<vmem>>
              %dma_wait3A_238 = arith.constant 0 : i32
              %dma_wait3A_239 = tpu.memref_slice %arg15[%dma_wait3A_238] : memref<524288xf32, #tpu.memory_space<vmem_shared>> -> memref<32xf32, #tpu.memory_space<vmem_shared>>
              %dma_wait3A_240 = arith.constant 0 : i32
              %dma_wait3A_241 = tpu.memref_slice %arg14[%dma_wait3A_240] : memref<512xf32, #tpu.memory_space<vmem>> -> memref<32xf32, #tpu.memory_space<vmem>>
              %dma_wait3A_242 = arith.constant 0 : i32
              %dma_wait3A_243 = tpu.memref_slice %arg15[%dma_wait3A_242] : memref<524288xf32, #tpu.memory_space<vmem_shared>> -> memref<32xf32, #tpu.memory_space<vmem_shared>>
              tpu.wait_dma2 semaphore(%arg18 : memref<!tpu.dma_semaphore, #tpu.memory_space<semaphore_mem>>) src(%dma_wait3A_243 : memref<32xf32, #tpu.memory_space<vmem_shared>>) dst(%dma_wait3A_241 : memref<32xf32, #tpu.memory_space<vmem>>)
            }
            %while3A_225 = arith.constant 0 : i32
            %while3A_226 = arith.constant 0 : i32
            %while3A_227 = arith.subi %squeeze3A, %while3A_226 : i32
            %while3A_228 = arith.addi %while3A_226, %while3A_227 : i32
            %while3A_229 = arith.constant 1 : i32
            %while3A_230 = arith.divsi %while3A_227, %while3A_229 : i32
            %while3A_231 = arith.muli %while3A_230, %while3A_229 : i32
            %while3A_232 = arith.addi %while3A_226, %while3A_231 : i32
            %while3A_233 = arith.constant 1 : i32
            scf.for %while3A_235 = %while3A_226 to %while3A_232 step %while3A_233  : i32 {
              %get3A_236 = arith.index_cast %while3A_235 : i32 to index
              %get3A_237 = tpu.vector_load %arg11[%get3A_236] {strides = array<i32>} : memref<32xi32, #tpu.memory_space<vmem>>, vector<16xi32>,
              %slice3A_238 = vector.extract_strided_slice %get3A_237 {offsets = [0], sizes = [1], strides = [1]} : vector<16xi32> to vector<1xi32>
              %squeeze3A_239 = vector.extract %slice3A_238[0] : i32 from vector<1xi32>
              %get3A_240 = arith.index_cast %squeeze3A_239 : i32 to index
              %get3A_241 = arith.constant 0 : index
              %get3A_242 = tpu.vector_load %arg12[%get3A_240, %get3A_241] {strides = array<i32>} : memref<64x32xf32, #tpu.memory_space<vmem>>, vector<16xf32>,
              %mul3A_243 = arith.constant 32 : i32
              %mul3A_244 = arith.muli %while3A_235, %mul3A_243 : i32
              %add3A_245 = arith.constant 0 : i32
              %add3A_246 = arith.addi %mul3A_244, %add3A_245 : i32
              %get3A_247 = arith.index_cast %add3A_246 : i32 to index
              %get3A_248 = tpu.vector_load %arg14[%get3A_247] {strides = array<i32>} : memref<512xf32, #tpu.memory_space<vmem>>, vector<16xf32>,
              %add3A_249 = arith.addf %get3A_242, %get3A_248 : vector<16xf32>
              %swap3A_250 = arith.index_cast %squeeze3A_239 : i32 to index
              %swap3A_251 = arith.constant 0 : index
              %swap3A_252 = tpu.vector_load %arg12[%swap3A_250, %swap3A_251] {strides = array<i32>} : memref<64x32xf32, #tpu.memory_space<vmem>>, vector<16xf32>,
              tpu.vector_store %arg12[%swap3A_250, %swap3A_251], %add3A_249 {strides = array<i32>} : memref<64x32xf32, #tpu.memory_space<vmem>>, vector<16xf32>,
              %get3A_253 = arith.index_cast %squeeze3A_239 : i32 to index
              %get3A_254 = arith.constant 16 : index
              %get3A_255 = tpu.vector_load %arg12[%get3A_253, %get3A_254] {strides = array<i32>} : memref<64x32xf32, #tpu.memory_space<vmem>>, vector<16xf32>,
              %mul3A_256 = arith.constant 32 : i32
              %mul3A_257 = arith.muli %while3A_235, %mul3A_256 : i32
              %add3A_258 = arith.constant 16 : i32
              %add3A_259 = arith.addi %mul3A_257, %add3A_258 : i32
              %get3A_260 = arith.index_cast %add3A_259 : i32 to index
              %get3A_261 = tpu.vector_load %arg14[%get3A_260] {strides = array<i32>} : memref<512xf32, #tpu.memory_space<vmem>>, vector<16xf32>,
              %add3A_262 = arith.addf %get3A_255, %get3A_261 : vector<16xf32>
              %swap3A_263 = arith.index_cast %squeeze3A_239 : i32 to index
              %swap3A_264 = arith.constant 16 : index
              %swap3A_265 = tpu.vector_load %arg12[%swap3A_263, %swap3A_264] {strides = array<i32>} : memref<64x32xf32, #tpu.memory_space<vmem>>, vector<16xf32>,
              tpu.vector_store %arg12[%swap3A_263, %swap3A_264], %add3A_262 {strides = array<i32>} : memref<64x32xf32, #tpu.memory_space<vmem>>, vector<16xf32>,
            }
            %while3A_234 = arith.constant 1 : i32
            scf.for %while3A_235 = %while3A_232 to %while3A_228 step %while3A_234  : i32 {
              %get3A_236 = arith.index_cast %while3A_235 : i32 to index
              %get3A_237 = tpu.vector_load %arg11[%get3A_236] {strides = array<i32>} : memref<32xi32, #tpu.memory_space<vmem>>, vector<16xi32>,
              %slice3A_238 = vector.extract_strided_slice %get3A_237 {offsets = [0], sizes = [1], strides = [1]} : vector<16xi32> to vector<1xi32>
              %squeeze3A_239 = vector.extract %slice3A_238[0] : i32 from vector<1xi32>
              %get3A_240 = arith.index_cast %squeeze3A_239 : i32 to index
              %get3A_241 = arith.constant 0 : index
              %get3A_242 = tpu.vector_load %arg12[%get3A_240, %get3A_241] {strides = array<i32>} : memref<64x32xf32, #tpu.memory_space<vmem>>, vector<16xf32>,
              %mul3A_243 = arith.constant 32 : i32
              %mul3A_244 = arith.muli %while3A_235, %mul3A_243 : i32
              %add3A_245 = arith.constant 0 : i32
              %add3A_246 = arith.addi %mul3A_244, %add3A_245 : i32
              %get3A_247 = arith.index_cast %add3A_246 : i32 to index
              %get3A_248 = tpu.vector_load %arg14[%get3A_247] {strides = array<i32>} : memref<512xf32, #tpu.memory_space<vmem>>, vector<16xf32>,
              %add3A_249 = arith.addf %get3A_242, %get3A_248 : vector<16xf32>
              %swap3A_250 = arith.index_cast %squeeze3A_239 : i32 to index
              %swap3A_251 = arith.constant 0 : index
              %swap3A_252 = tpu.vector_load %arg12[%swap3A_250, %swap3A_251] {strides = array<i32>} : memref<64x32xf32, #tpu.memory_space<vmem>>, vector<16xf32>,
              tpu.vector_store %arg12[%swap3A_250, %swap3A_251], %add3A_249 {strides = array<i32>} : memref<64x32xf32, #tpu.memory_space<vmem>>, vector<16xf32>,
              %get3A_253 = arith.index_cast %squeeze3A_239 : i32 to index
              %get3A_254 = arith.constant 16 : index
              %get3A_255 = tpu.vector_load %arg12[%get3A_253, %get3A_254] {strides = array<i32>} : memref<64x32xf32, #tpu.memory_space<vmem>>, vector<16xf32>,
              %mul3A_256 = arith.constant 32 : i32
              %mul3A_257 = arith.muli %while3A_235, %mul3A_256 : i32
              %add3A_258 = arith.constant 16 : i32
              %add3A_259 = arith.addi %mul3A_257, %add3A_258 : i32
              %get3A_260 = arith.index_cast %add3A_259 : i32 to index
              %get3A_261 = tpu.vector_load %arg14[%get3A_260] {strides = array<i32>} : memref<512xf32, #tpu.memory_space<vmem>>, vector<16xf32>,
              %add3A_262 = arith.addf %get3A_255, %get3A_261 : vector<16xf32>
              %swap3A_263 = arith.index_cast %squeeze3A_239 : i32 to index
              %swap3A_264 = arith.constant 16 : index
              %swap3A_265 = tpu.vector_load %arg12[%swap3A_263, %swap3A_264] {strides = array<i32>} : memref<64x32xf32, #tpu.memory_space<vmem>>, vector<16xf32>,
              tpu.vector_store %arg12[%swap3A_263, %swap3A_264], %add3A_262 {strides = array<i32>} : memref<64x32xf32, #tpu.memory_space<vmem>>, vector<16xf32>,
            }
          } else {
          }
          %while3A_197 = arith.constant 0 : i32
          scf.yield %while3A_197 : i32
        }
      } else {
      }
      %convert_element_type3A_159 = arith.extui %gt3A_50 : i1 to i32
      %cond3A_160 = arith.constant 0 : i32
      %cond3A_161 = arith.cmpi ne, %convert_element_type3A_159, %cond3A_160 : i32
      scf.if %cond3A_161 {
        %scan3A_162 = arith.constant 0 : i32
        %scan3A_163 = arith.constant 0 : i32
        %scan3A_164 = arith.constant 1024 : i32
        %scan3A_165 = arith.addi %scan3A_163, %scan3A_164 : i32
        %scan3A_166 = arith.constant 1 : i32
        %scan3A_167 = scf.for %scan3A_169 = %scan3A_163 to %scan3A_165 step %scan3A_166 iter_args(%scan3A_170 = %scan3A_162) -> (i32)  : i32 {
          %mul3A_171 = arith.constant 16 : i32
          %mul3A_172 = arith.muli %scan3A_169, %mul3A_171 : i32
          %get3A = arith.index_cast %mul3A_172 : i32 to index
          %get3A_173 = tpu.vector_load %arg8[%get3A] {strides = array<i32>} : memref<16400xi32, #tpu.memory_space<vmem>>, vector<16xi32>,
          %shift_right_logical3A = arith.constant 9 : i32
          %shift_right_logical3A_174 = vector.broadcast %shift_right_logical3A : i32 to vector<16xi32>
          %shift_right_logical3A_175 = arith.shrui %get3A_173, %shift_right_logical3A_174 : vector<16xi32>
          %eq3A_176 = arith.constant 1953 : i32
          %eq3A_177 = vector.broadcast %eq3A_176 : i32 to vector<16xi32>
          %eq3A_178 = arith.cmpi eq, %shift_right_logical3A_175, %eq3A_177 : vector<16xi32>
          %and3A = arith.constant 511 : i32
          %and3A_179 = vector.broadcast %and3A : i32 to vector<16xi32>
          %and3A_180 = arith.andi %get3A_173, %and3A_179 : vector<16xi32>
          %sub3A_181 = arith.constant 0 : i32
          %sub3A_182 = vector.broadcast %sub3A_181 : i32 to vector<16xi32>
          %sub3A_183 = arith.subi %and3A_180, %sub3A_182 : vector<16xi32>
          %ge3A_184 = arith.constant 0 : i32
          %ge3A_185 = vector.broadcast %ge3A_184 : i32 to vector<16xi32>
          %ge3A_186 = arith.cmpi sge, %sub3A_183, %ge3A_185 : vector<16xi32>
          %and3A_187 = arith.andi %eq3A_178, %ge3A_186 : vector<16xi1>
          %all_reduce_population_count3A = tpu.all_reduce %and3A_187 {dim = 0 : i64, kind = #tpu.reduction_kind<sum>} : vector<16xi1> -> vector<16xi32>
          %slice3A = vector.extract_strided_slice %all_reduce_population_count3A {offsets = [0], sizes = [1], strides = [1]} : vector<16xi32> to vector<1xi32>
          %squeeze3A = vector.extract %slice3A[0] : i32 from vector<1xi32>
          %gt3A_188 = arith.constant 0 : i32
          %gt3A_189 = arith.cmpi sgt, %squeeze3A, %gt3A_188 : i32
          %convert_element_type3A_190 = arith.extui %gt3A_189 : i1 to i32
          %cond3A_191 = arith.constant 0 : i32
          %cond3A_192 = arith.cmpi ne, %convert_element_type3A_190, %cond3A_191 : i32
          scf.if %cond3A_192 {
            %swap3A = arith.constant 0 : index
            %swap3A_194 = tpu.vector_load %arg11[%swap3A] masked %and3A_187 {strides = array<i32>} : memref<32xi32, #tpu.memory_space<vmem>>, vector<16xi32>, vector<16xi1>
            tpu.vector_store %arg11[%swap3A], %sub3A_183 masked %and3A_187 {strides = array<i32>} : memref<32xi32, #tpu.memory_space<vmem>>, vector<16xi32>, vector<16xi1>
            %mul3A_195 = arith.constant 16 : i32
            %mul3A_196 = arith.muli %scan3A_169, %mul3A_195 : i32
            %add3A_197 = vector.broadcast %mul3A_196 : i32 to vector<16xi32>
            %add3A_198 = arith.addi %iota3A, %add3A_197 : vector<16xi32>
            %swap3A_199 = arith.constant 0 : index
            %swap3A_200 = tpu.vector_load %arg10[%swap3A_199] masked %and3A_187 {strides = array<i32>} : memref<32xi32, #tpu.memory_space<vmem>>, vector<16xi32>, vector<16xi1>
            tpu.vector_store %arg10[%swap3A_199], %add3A_198 masked %and3A_187 {strides = array<i32>} : memref<32xi32, #tpu.memory_space<vmem>>, vector<16xi32>, vector<16xi1>
            %while3A = arith.constant 0 : i32
            %while3A_201 = arith.constant 0 : i32
            %while3A_202 = arith.subi %squeeze3A, %while3A_201 : i32
            %while3A_203 = arith.addi %while3A_201, %while3A_202 : i32
            %while3A_204 = arith.constant 1 : i32
            %while3A_205 = arith.divsi %while3A_202, %while3A_204 : i32
            %while3A_206 = arith.muli %while3A_205, %while3A_204 : i32
            %while3A_207 = arith.addi %while3A_201, %while3A_206 : i32
            %while3A_208 = arith.constant 1 : i32
            scf.for %while3A_230 = %while3A_201 to %while3A_207 step %while3A_208  : i32 {
              %get3A_231 = arith.index_cast %while3A_230 : i32 to index
              %get3A_232 = tpu.vector_load %arg10[%get3A_231] {strides = array<i32>} : memref<32xi32, #tpu.memory_space<vmem>>, vector<16xi32>,
              %slice3A_233 = vector.extract_strided_slice %get3A_232 {offsets = [0], sizes = [1], strides = [1]} : vector<16xi32> to vector<1xi32>
              %squeeze3A_234 = vector.extract %slice3A_233[0] : i32 from vector<1xi32>
              %mul3A_235 = arith.constant 32 : i32
              %mul3A_236 = arith.muli %squeeze3A_234, %mul3A_235 : i32
              %mul3A_237 = arith.constant 32 : i32
              %mul3A_238 = arith.muli %while3A_230, %mul3A_237 : i32
              %dma_start3A_239 = tpu.memref_slice %arg14[%mul3A_238] : memref<512xf32, #tpu.memory_space<vmem>> -> memref<32xf32, #tpu.memory_space<vmem>>
              %dma_start3A_240 = tpu.memref_slice %arg15[%mul3A_236] : memref<524288xf32, #tpu.memory_space<vmem_shared>> -> memref<32xf32, #tpu.memory_space<vmem_shared>>
              %dma_start3A_241 = tpu.memref_slice %arg14[%mul3A_238] : memref<512xf32, #tpu.memory_space<vmem>> -> memref<32xf32, #tpu.memory_space<vmem>>
              %dma_start3A_242 = tpu.memref_slice %arg15[%mul3A_236] : memref<524288xf32, #tpu.memory_space<vmem_shared>> -> memref<32xf32, #tpu.memory_space<vmem_shared>>
              tpu.enqueue_dma source(%dma_start3A_242 : memref<32xf32, #tpu.memory_space<vmem_shared>>) target(%dma_start3A_241 : memref<32xf32, #tpu.memory_space<vmem>>) target_semaphore(%arg18 : memref<!tpu.dma_semaphore, #tpu.memory_space<semaphore_mem>>)
            }
            %while3A_209 = arith.constant 1 : i32
            scf.for %while3A_230 = %while3A_207 to %while3A_203 step %while3A_209  : i32 {
              %get3A_231 = arith.index_cast %while3A_230 : i32 to index
              %get3A_232 = tpu.vector_load %arg10[%get3A_231] {strides = array<i32>} : memref<32xi32, #tpu.memory_space<vmem>>, vector<16xi32>,
              %slice3A_233 = vector.extract_strided_slice %get3A_232 {offsets = [0], sizes = [1], strides = [1]} : vector<16xi32> to vector<1xi32>
              %squeeze3A_234 = vector.extract %slice3A_233[0] : i32 from vector<1xi32>
              %mul3A_235 = arith.constant 32 : i32
              %mul3A_236 = arith.muli %squeeze3A_234, %mul3A_235 : i32
              %mul3A_237 = arith.constant 32 : i32
              %mul3A_238 = arith.muli %while3A_230, %mul3A_237 : i32
              %dma_start3A_239 = tpu.memref_slice %arg14[%mul3A_238] : memref<512xf32, #tpu.memory_space<vmem>> -> memref<32xf32, #tpu.memory_space<vmem>>
              %dma_start3A_240 = tpu.memref_slice %arg15[%mul3A_236] : memref<524288xf32, #tpu.memory_space<vmem_shared>> -> memref<32xf32, #tpu.memory_space<vmem_shared>>
              %dma_start3A_241 = tpu.memref_slice %arg14[%mul3A_238] : memref<512xf32, #tpu.memory_space<vmem>> -> memref<32xf32, #tpu.memory_space<vmem>>
              %dma_start3A_242 = tpu.memref_slice %arg15[%mul3A_236] : memref<524288xf32, #tpu.memory_space<vmem_shared>> -> memref<32xf32, #tpu.memory_space<vmem_shared>>
              tpu.enqueue_dma source(%dma_start3A_242 : memref<32xf32, #tpu.memory_space<vmem_shared>>) target(%dma_start3A_241 : memref<32xf32, #tpu.memory_space<vmem>>) target_semaphore(%arg18 : memref<!tpu.dma_semaphore, #tpu.memory_space<semaphore_mem>>)
            }
            %while3A_210 = arith.constant 0 : i32
            %while3A_211 = arith.constant 0 : i32
            %while3A_212 = arith.subi %squeeze3A, %while3A_211 : i32
            %while3A_213 = arith.addi %while3A_211, %while3A_212 : i32
            %while3A_214 = arith.constant 1 : i32
            %while3A_215 = arith.divsi %while3A_212, %while3A_214 : i32
            %while3A_216 = arith.muli %while3A_215, %while3A_214 : i32
            %while3A_217 = arith.addi %while3A_211, %while3A_216 : i32
            %while3A_218 = arith.constant 1 : i32
            scf.for %while3A_230 = %while3A_211 to %while3A_217 step %while3A_218  : i32 {
              %dma_wait3A_231 = arith.constant 0 : i32
              %dma_wait3A_232 = tpu.memref_slice %arg14[%dma_wait3A_231] : memref<512xf32, #tpu.memory_space<vmem>> -> memref<32xf32, #tpu.memory_space<vmem>>
              %dma_wait3A_233 = arith.constant 0 : i32
              %dma_wait3A_234 = tpu.memref_slice %arg15[%dma_wait3A_233] : memref<524288xf32, #tpu.memory_space<vmem_shared>> -> memref<32xf32, #tpu.memory_space<vmem_shared>>
              %dma_wait3A_235 = arith.constant 0 : i32
              %dma_wait3A_236 = tpu.memref_slice %arg14[%dma_wait3A_235] : memref<512xf32, #tpu.memory_space<vmem>> -> memref<32xf32, #tpu.memory_space<vmem>>
              %dma_wait3A_237 = arith.constant 0 : i32
              %dma_wait3A_238 = tpu.memref_slice %arg15[%dma_wait3A_237] : memref<524288xf32, #tpu.memory_space<vmem_shared>> -> memref<32xf32, #tpu.memory_space<vmem_shared>>
              tpu.wait_dma2 semaphore(%arg18 : memref<!tpu.dma_semaphore, #tpu.memory_space<semaphore_mem>>) src(%dma_wait3A_238 : memref<32xf32, #tpu.memory_space<vmem_shared>>) dst(%dma_wait3A_236 : memref<32xf32, #tpu.memory_space<vmem>>)
            }
            %while3A_219 = arith.constant 1 : i32
            scf.for %while3A_230 = %while3A_217 to %while3A_213 step %while3A_219  : i32 {
              %dma_wait3A_231 = arith.constant 0 : i32
              %dma_wait3A_232 = tpu.memref_slice %arg14[%dma_wait3A_231] : memref<512xf32, #tpu.memory_space<vmem>> -> memref<32xf32, #tpu.memory_space<vmem>>
              %dma_wait3A_233 = arith.constant 0 : i32
              %dma_wait3A_234 = tpu.memref_slice %arg15[%dma_wait3A_233] : memref<524288xf32, #tpu.memory_space<vmem_shared>> -> memref<32xf32, #tpu.memory_space<vmem_shared>>
              %dma_wait3A_235 = arith.constant 0 : i32
              %dma_wait3A_236 = tpu.memref_slice %arg14[%dma_wait3A_235] : memref<512xf32, #tpu.memory_space<vmem>> -> memref<32xf32, #tpu.memory_space<vmem>>
              %dma_wait3A_237 = arith.constant 0 : i32
              %dma_wait3A_238 = tpu.memref_slice %arg15[%dma_wait3A_237] : memref<524288xf32, #tpu.memory_space<vmem_shared>> -> memref<32xf32, #tpu.memory_space<vmem_shared>>
              tpu.wait_dma2 semaphore(%arg18 : memref<!tpu.dma_semaphore, #tpu.memory_space<semaphore_mem>>) src(%dma_wait3A_238 : memref<32xf32, #tpu.memory_space<vmem_shared>>) dst(%dma_wait3A_236 : memref<32xf32, #tpu.memory_space<vmem>>)
            }
            %while3A_220 = arith.constant 0 : i32
            %while3A_221 = arith.constant 0 : i32
            %while3A_222 = arith.subi %squeeze3A, %while3A_221 : i32
            %while3A_223 = arith.addi %while3A_221, %while3A_222 : i32
            %while3A_224 = arith.constant 1 : i32
            %while3A_225 = arith.divsi %while3A_222, %while3A_224 : i32
            %while3A_226 = arith.muli %while3A_225, %while3A_224 : i32
            %while3A_227 = arith.addi %while3A_221, %while3A_226 : i32
            %while3A_228 = arith.constant 1 : i32
            scf.for %while3A_230 = %while3A_221 to %while3A_227 step %while3A_228  : i32 {
              %get3A_231 = arith.index_cast %while3A_230 : i32 to index
              %get3A_232 = tpu.vector_load %arg11[%get3A_231] {strides = array<i32>} : memref<32xi32, #tpu.memory_space<vmem>>, vector<16xi32>,
              %slice3A_233 = vector.extract_strided_slice %get3A_232 {offsets = [0], sizes = [1], strides = [1]} : vector<16xi32> to vector<1xi32>
              %squeeze3A_234 = vector.extract %slice3A_233[0] : i32 from vector<1xi32>
              %get3A_235 = arith.index_cast %squeeze3A_234 : i32 to index
              %get3A_236 = arith.constant 0 : index
              %get3A_237 = tpu.vector_load %arg12[%get3A_235, %get3A_236] {strides = array<i32>} : memref<64x32xf32, #tpu.memory_space<vmem>>, vector<16xf32>,
              %mul3A_238 = arith.constant 32 : i32
              %mul3A_239 = arith.muli %while3A_230, %mul3A_238 : i32
              %add3A_240 = arith.constant 0 : i32
              %add3A_241 = arith.addi %mul3A_239, %add3A_240 : i32
              %get3A_242 = arith.index_cast %add3A_241 : i32 to index
              %get3A_243 = tpu.vector_load %arg14[%get3A_242] {strides = array<i32>} : memref<512xf32, #tpu.memory_space<vmem>>, vector<16xf32>,
              %add3A_244 = arith.addf %get3A_237, %get3A_243 : vector<16xf32>
              %swap3A_245 = arith.index_cast %squeeze3A_234 : i32 to index
              %swap3A_246 = arith.constant 0 : index
              %swap3A_247 = tpu.vector_load %arg12[%swap3A_245, %swap3A_246] {strides = array<i32>} : memref<64x32xf32, #tpu.memory_space<vmem>>, vector<16xf32>,
              tpu.vector_store %arg12[%swap3A_245, %swap3A_246], %add3A_244 {strides = array<i32>} : memref<64x32xf32, #tpu.memory_space<vmem>>, vector<16xf32>,
              %get3A_248 = arith.index_cast %squeeze3A_234 : i32 to index
              %get3A_249 = arith.constant 16 : index
              %get3A_250 = tpu.vector_load %arg12[%get3A_248, %get3A_249] {strides = array<i32>} : memref<64x32xf32, #tpu.memory_space<vmem>>, vector<16xf32>,
              %mul3A_251 = arith.constant 32 : i32
              %mul3A_252 = arith.muli %while3A_230, %mul3A_251 : i32
              %add3A_253 = arith.constant 16 : i32
              %add3A_254 = arith.addi %mul3A_252, %add3A_253 : i32
              %get3A_255 = arith.index_cast %add3A_254 : i32 to index
              %get3A_256 = tpu.vector_load %arg14[%get3A_255] {strides = array<i32>} : memref<512xf32, #tpu.memory_space<vmem>>, vector<16xf32>,
              %add3A_257 = arith.addf %get3A_250, %get3A_256 : vector<16xf32>
              %swap3A_258 = arith.index_cast %squeeze3A_234 : i32 to index
              %swap3A_259 = arith.constant 16 : index
              %swap3A_260 = tpu.vector_load %arg12[%swap3A_258, %swap3A_259] {strides = array<i32>} : memref<64x32xf32, #tpu.memory_space<vmem>>, vector<16xf32>,
              tpu.vector_store %arg12[%swap3A_258, %swap3A_259], %add3A_257 {strides = array<i32>} : memref<64x32xf32, #tpu.memory_space<vmem>>, vector<16xf32>,
            }
            %while3A_229 = arith.constant 1 : i32
            scf.for %while3A_230 = %while3A_227 to %while3A_223 step %while3A_229  : i32 {
              %get3A_231 = arith.index_cast %while3A_230 : i32 to index
              %get3A_232 = tpu.vector_load %arg11[%get3A_231] {strides = array<i32>} : memref<32xi32, #tpu.memory_space<vmem>>, vector<16xi32>,
              %slice3A_233 = vector.extract_strided_slice %get3A_232 {offsets = [0], sizes = [1], strides = [1]} : vector<16xi32> to vector<1xi32>
              %squeeze3A_234 = vector.extract %slice3A_233[0] : i32 from vector<1xi32>
              %get3A_235 = arith.index_cast %squeeze3A_234 : i32 to index
              %get3A_236 = arith.constant 0 : index
              %get3A_237 = tpu.vector_load %arg12[%get3A_235, %get3A_236] {strides = array<i32>} : memref<64x32xf32, #tpu.memory_space<vmem>>, vector<16xf32>,
              %mul3A_238 = arith.constant 32 : i32
              %mul3A_239 = arith.muli %while3A_230, %mul3A_238 : i32
              %add3A_240 = arith.constant 0 : i32
              %add3A_241 = arith.addi %mul3A_239, %add3A_240 : i32
              %get3A_242 = arith.index_cast %add3A_241 : i32 to index
              %get3A_243 = tpu.vector_load %arg14[%get3A_242] {strides = array<i32>} : memref<512xf32, #tpu.memory_space<vmem>>, vector<16xf32>,
              %add3A_244 = arith.addf %get3A_237, %get3A_243 : vector<16xf32>
              %swap3A_245 = arith.index_cast %squeeze3A_234 : i32 to index
              %swap3A_246 = arith.constant 0 : index
              %swap3A_247 = tpu.vector_load %arg12[%swap3A_245, %swap3A_246] {strides = array<i32>} : memref<64x32xf32, #tpu.memory_space<vmem>>, vector<16xf32>,
              tpu.vector_store %arg12[%swap3A_245, %swap3A_246], %add3A_244 {strides = array<i32>} : memref<64x32xf32, #tpu.memory_space<vmem>>, vector<16xf32>,
              %get3A_248 = arith.index_cast %squeeze3A_234 : i32 to index
              %get3A_249 = arith.constant 16 : index
              %get3A_250 = tpu.vector_load %arg12[%get3A_248, %get3A_249] {strides = array<i32>} : memref<64x32xf32, #tpu.memory_space<vmem>>, vector<16xf32>,
              %mul3A_251 = arith.constant 32 : i32
              %mul3A_252 = arith.muli %while3A_230, %mul3A_251 : i32
              %add3A_253 = arith.constant 16 : i32
              %add3A_254 = arith.addi %mul3A_252, %add3A_253 : i32
              %get3A_255 = arith.index_cast %add3A_254 : i32 to index
              %get3A_256 = tpu.vector_load %arg14[%get3A_255] {strides = array<i32>} : memref<512xf32, #tpu.memory_space<vmem>>, vector<16xf32>,
              %add3A_257 = arith.addf %get3A_250, %get3A_256 : vector<16xf32>
              %swap3A_258 = arith.index_cast %squeeze3A_234 : i32 to index
              %swap3A_259 = arith.constant 16 : index
              %swap3A_260 = tpu.vector_load %arg12[%swap3A_258, %swap3A_259] {strides = array<i32>} : memref<64x32xf32, #tpu.memory_space<vmem>>, vector<16xf32>,
              tpu.vector_store %arg12[%swap3A_258, %swap3A_259], %add3A_257 {strides = array<i32>} : memref<64x32xf32, #tpu.memory_space<vmem>>, vector<16xf32>,
            }
          } else {
          }
          %scan3A_193 = arith.constant 0 : i32
          scf.yield %scan3A_193 : i32
        }
        %scan3A_168 = arith.constant 1024 : i32
      } else {
      }
      "tpu.region"() ({
        %run_scoped3A = tpu.sem_alloc : memref<!tpu.dma_semaphore, #tpu.memory_space<semaphore_mem>>
        tpu.enqueue_dma source(%arg12 : memref<64x32xf32, #tpu.memory_space<vmem>>) target(%arg7 : memref<64x32xf32, #tpu.memory_space<hbm>>) target_semaphore(%run_scoped3A : memref<!tpu.dma_semaphore, #tpu.memory_space<semaphore_mem>>)
        tpu.wait_dma2 semaphore(%run_scoped3A : memref<!tpu.dma_semaphore, #tpu.memory_space<semaphore_mem>>) src(%arg12 : memref<64x32xf32, #tpu.memory_space<vmem>>) dst(%arg7 : memref<64x32xf32, #tpu.memory_space<hbm>>)
        tpu.yield
      }) : () -> ()
    } else {
    }
    return
  }
}

</mosaic_0001>

<sc_bundles>
// kernel: kernel.3.cloned.1.call-start
scs
__scs_entry_jumppad:
0x0: {  	(pc) =	sbr.rel $0x88, $3  }
0x1: {  	(tag) =	ssettag $0x0;
	lr =	simm.s32 $0x1  }
0x2: {  	[smem:$0x3F9E] =	sst lr;
	_ =	strace $0xD0000000  }
0x3: {  	_ = 	snop  }
0x4: {  	_ = 	snop  }
0x5: {  	_ = 	snop  }
0x6: {  	_ = 	snop  }
0x7: {  	_ = 	snop  }
__scs_overlays_trampoline_lowered:
0x8: {  	[smem:$0x3FAD] =	sst s0  }
0x9: {  	[smem:$0x3FAE] =	sst s1  }
0xa: {  	[smem:$0x3FAF] =	sst s2  }
0xb: {  	[smem:$0x3FB0] =	sst s3  }
0xc: {  	[smem:$0x3FB1] =	sst s4  }
0xd: {  	[smem:$0x3FB2] =	sst s5  }
0xe: {  	[smem:$0x3FB3] =	sst s6  }
0xf: {  	[smem:$0x3FB4] =	sst s7  }
0x10: {  	[smem:$0x3FB5] =	sst s8  }
0x11: {  	[smem:$0x3FB6] =	sst s9;
	s0 =	simm.s32 @!p0 $0x0  }
0x12: {  	s1 =	sld [smem:$0x3F9C];
	s0 =	simm.s32 @p0 $0x1  }
0x13: {  	[smem:$0x3FB7] =	sst s0;
	s0 =	simm.s32 @!p1 $0x0  }
0x14: {  	s2 =	sld [smem:$0x3F9B];
	s0 =	simm.s32 @p1 $0x1  }
0x15: {  	[smem:$0x3FB8] =	sst s0;
	s0 =	simm.s32 @!p2 $0x0  }
0x16: {  	s3 =	sld [smem:$0x3FDB];
	s0 =	simm.s32 @p2 $0x1  }
0x17: {  	s4 =	simm.s32 $0x1BF5;
	[smem:$0x3FBA] =	sst s0  }
0x18: {  	s0 =	sld [smem:$0x3F9D];
	_ =	swait.ge [sflag:s4], $0x0  }
0x19: {  	s7 =	sld [smem:$0x3F9E]  }
0x1a: {  	s8 =	sadd.s32 $0xFFFFE003, lr  }
0x1b: {  	s9 =	sadd.s32 $0xFFFFFEF7, lr;
	s5 =	simm.s32 $0xFFFFFFFF;
	p2 =	slt.u32 s8, $0xFFFFF086  }
0x1c: {  	p1 =	slt.u32 s9, $0xF7A;
	s5 =	simm.s32 @!p2 $0x0  }
0x1d: {  	s5 =	simm.s32 @p1 $0x1;
	p0 =	seq.s32 s7, s2  }
0x1e: {  	s7 =	smul.u32 @!p0 $0xF7A, s2;
	p2 =	seq.s32 @!p0 s5, $0x0  }
0x1f: {  	s9 =	smul.u32 $0xF7A, s1;
	s8 =	simm.s32 @!p0 $0x1BF5;
	p2 =	por !p2, p0  }
0x20: {  	[sflag:s8] =	ssyncset.s32 @!p0 $0xFFFFF086;
	s6 =	sadd.s32 @!p0 s3, s7;
	s7 =	simm.s32 @!p0 $0x108  }
0x21: {  	s3 =	sadd.s32 s3, s9;
	s6 =	sadd.s32 @!p0 $0x88, s6;
	s7 =	simm.s32 @p2 $0x1082  }
0x22: {  	[simem:s7], [sflag:s8] =	dma.local @!p0 [hbm:s6], $0xF7A  }
0x23: {  	s9 =	sor.u32 $0xD0000000, s2;
	s6 =	simm.s32 $0x108;
	_ =	swait.ge @!p0 [sflag:s8], $0x0  }
0x24: {  	s3 =	sadd.s32 $0x88, s3;
	s6 =	simm.s32 @!p1 $0x1082;
	[sflag:s4] =	ssyncset.s32 $0xFFFFF086  }
0x25: {  	[simem:s6], [sflag:s4] =	dma.local [hbm:s3], $0xF7A  }
0x26: {  	[smem:$0x3F9E] =	sst s1;
	(tag) =	ssettag s2;
	_ =	strace s9  }
0x27: {  	s1 =	sld [smem:$0x3FAE]  }
0x28: {  	s2 =	sld [smem:$0x3FAF]  }
0x29: {  	s4 =	sld [smem:$0x3FB1]  }
0x2a: {  	p0 =	seq.s32 s5, $0x0;
	s5 =	sld [smem:$0x3FB2]  }
0x2b: {  	s6 =	sld [smem:$0x3FB3]  }
0x2c: {  	s7 =	sld [smem:$0x3FB4]  }
0x2d: {  	s3 =	simm.s32 $0x108;
	s8 =	sld [smem:$0x3FB5]  }
0x2e: {  	s3 =	simm.s32 @!p0 $0x1082;
	s9 =	sld [smem:$0x3FB6]  }
0x2f: {  	lr =	sadd.s32 s0, s3;
	s0 =	sld [smem:$0x3FAD]  }
0x30: {  	s3 =	sld [smem:$0x3FB0]  }
0x31: {  	[smem:$0x3FB9] =	sst s10  }
0x32: {  	s10 =	sld [smem:$0x3FB7];
	_ =	sdelay $0x3  }
0x33: {  	p0 =	seq.s32 s10, $0x1;
	s10 =	sld [smem:$0x3FB9];
	_ =	sdelay $0x3  }
0x34: {  	[smem:$0x3FB9] =	sst s10  }
0x35: {  	s10 =	sld [smem:$0x3FB8];
	_ =	sdelay $0x3  }
0x36: {  	p1 =	seq.s32 s10, $0x1;
	s10 =	sld [smem:$0x3FB9];
	_ =	sdelay $0x3  }
0x37: {  	[smem:$0x3FB9] =	sst s10  }
0x38: {  	s10 =	sld [smem:$0x3FBA]  }
0x39: {  	_ = 	snop;
	(pc) =	sbr.ind lr, $3  }
0x3a: {  	_ = 	snop  }
0x3b: {  	_ = 	snop  }
0x3c: {  	p2 =	seq.s32 s10, $0x1;
	s10 =	sld [smem:$0x3FB9]  }
0x3d: {  	_ =	shalt  }
0x3e: {  	_ =	shalt  }
0x3f: {  	_ =	shalt  }
0x40: {  	_ =	shalt  }
0x41: {  	_ =	shalt  }
0x42: {  	_ =	shalt  }
0x43: {  	_ =	shalt  }
0x44: {  	_ =	shalt  }
0x45: {  	_ =	shalt  }
0x46: {  	_ =	shalt  }
0x47: {  	_ =	shalt  }
0x48: {  	_ =	shalt  }
0x49: {  	_ =	shalt  }
0x4a: {  	_ =	shalt  }
0x4b: {  	_ =	shalt  }
0x4c: {  	_ =	shalt  }
0x4d: {  	_ =	shalt  }
0x4e: {  	_ =	shalt  }
0x4f: {  	_ =	shalt  }
0x50: {  	_ =	shalt  }
0x51: {  	_ =	shalt  }
0x52: {  	_ =	shalt  }
0x53: {  	_ =	shalt  }
0x54: {  	_ =	shalt  }
0x55: {  	_ =	shalt  }
0x56: {  	_ =	shalt  }
0x57: {  	_ =	shalt  }
0x58: {  	_ =	shalt  }
0x59: {  	_ =	shalt  }
0x5a: {  	_ =	shalt  }
0x5b: {  	_ =	shalt  }
0x5c: {  	_ =	shalt  }
0x5d: {  	_ =	shalt  }
0x5e: {  	_ =	shalt  }
0x5f: {  	_ =	shalt  }
0x60: {  	_ =	shalt  }
0x61: {  	_ =	shalt  }
0x62: {  	_ =	shalt  }
0x63: {  	_ =	shalt  }
0x64: {  	_ =	shalt  }
0x65: {  	_ =	shalt  }
0x66: {  	_ =	shalt  }
0x67: {  	_ =	shalt  }
0x68: {  	_ =	shalt  }
0x69: {  	_ =	shalt  }
0x6a: {  	_ =	shalt  }
0x6b: {  	_ =	shalt  }
0x6c: {  	_ =	shalt  }
0x6d: {  	_ =	shalt  }
0x6e: {  	_ =	shalt  }
0x6f: {  	_ =	shalt  }
0x70: {  	_ =	shalt  }
0x71: {  	_ =	shalt  }
0x72: {  	_ =	shalt  }
0x73: {  	_ =	shalt  }
0x74: {  	_ =	shalt  }
0x75: {  	_ =	shalt  }
0x76: {  	_ =	shalt  }
0x77: {  	_ =	shalt  }
0x78: {  	_ =	shalt  }
0x79: {  	_ =	shalt  }
0x7a: {  	_ =	shalt  }
0x7b: {  	_ =	shalt  }
0x7c: {  	_ =	shalt  }
0x7d: {  	_ =	shalt  }
0x7e: {  	_ =	shalt  }
0x7f: {  	_ =	shalt  }
0x80: {  	_ =	shalt  }
0x81: {  	_ =	shalt  }
0x82: {  	_ =	shalt  }
0x83: {  	_ =	shalt  }
0x84: {  	_ =	shalt  }
0x85: {  	_ =	shalt  }
0x86: {  	_ =	shalt  }
0x87: {  	_ =	shalt  }
.Lfunc_end0:
.L_simem_size_0:
called_computation_lowered:
.L_overlay_start_0:
0x88: {  	s2 =	sld [smem:$0x3FD9]  }
0x89: {  	s3 =	sld [smem:$0x3FFE];
	_ =	sdelay $0x1  }
0x8a: {  	s1 =	srdreg.scid  }
0x8b: {  	s0 =	sand.u32 $0x1, s1  }
0x8c: {  	s17 =	sshll.u32 s0, $0xA;
	s2 =	sadd.s32 s3, s2  }
0x8d: {  	s2 =	sadd.s32 s2, s17  }
0x8e: {  	[smem:$0x3FC5] =	sst s2  }
0x8f: {  	_ = 	snop  }
0x90: {  	s2 =	sld [smem:$0x3FC9]  }
0x91: {  	s18 =	sld [smem:$0x3FC8]  }
0x92: {  	s4 =	sld [smem:$0x3FD0];
	(tm) =	ssettm $0x1  }
0x93: {  	s5 =	sld [smem:$0x3FFB];
	_ =	sdelay $0x3  }
0x94: {  	_ =	strace s5  }
0x95: {  	s5 =	sld [smem:$0x3FFC];
	_ =	sdelay $0x3  }
0x96: {  	_ =	strace s5  }
0x97: {  	s5 =	sld [smem:$0x3FFD];
	_ =	sdelay $0x3  }
0x98: {  	_ =	strace s5  }
0x99: {  	_ =	strace $0x8FFFFFFF  }
0x9a: {  	s19 =	sld [smem:$0x3FDB];
	_ =	sdelay $0x1  }
0x9b: {  	s6 =	simm.s32 $_scs_section_size  }
0x9c: {  	s7 =	simm.s32 $_size__tile_overlayer_lowered;
	s8 =	simm.s32 $_tile_overlayer_lowered  }
0x9d: {  	s22 =	simm.s32 $0x1BFF;
	s21 =	sshll.u32 s8, $0x1;
	s5 =	sadd.s32 s6, s19  }
0x9e: {  	s9 =	simm.s32 $0x0;
	s20 =	sshll.u32 s7, $0x1;
	s7 =	sadd.s32 s21, s5  }
0x9f: {  	[timem:s9], [sflag:s22] =	dma.local [hbm:s7], s20  }
0xa0: {  	_ =	swait.ge [sflag:s22], s20  }
0xa1: {  	s6 =	ssub.s32 $0x0, s20;
	[sflag:s22] =	ssyncset.done $0x0  }
0xa2: {  	[sflag:s22] =	ssyncadd.s32 s6;
	_ =	sdelay $0x1  }
0xa3: {  	s23 =	simm.s32 $0x1B8B  }
0xa4: {  	_ =	swait.ge [sflag:s23], $0x1  }
0xa5: {  	[sflag:s23] =	ssyncset.done $0x0  }
0xa6: {  	s25 =	simm.s32 $0x1B8E;
	s24 =	sld [smem:$0x3FFE];
	[sflag:s23] =	ssyncadd.s32 $0xFFFFFFFF  }
0xa7: {  	s26 =	simm.s32 $execute0_lowered;
	[smem:$0x3FD2] =	sst s25  }
0xa8: {  	s7 =	sshll.u32 s26, $0x1;
	_ =	strace $0x80000046;
	[dreg:$0x1] =	wrdreg $0xFFFFFFFF  }
0xa9: {  	s28 =	simm.s32 $_size_execute0_lowered;
	s5 =	sadd.s32 s5, s7;
	[dreg:$0x0] =	wrdreg $0x0  }
0xaa: {  	s7 =	sshll.u32 s28, $0x1;
	[dreg:$0x2] =	wrdreg s5  }
0xab: {  	[dreg:$0x3] =	wrdreg s7  }
0xac: {  	[dreg:$0x4] =	wrdreg $0xC0  }
0xad: {  	_ =	task [dreg:s9], $0x5FFFF  }
0xae: {  	[dreg:$0x1] =	wrdreg $0xFFFFFFFF  }
0xaf: {  	[dreg:$0x0] =	wrdreg $0x60  }
0xb0: {  	[dreg:$0x2] =	wrdreg s2  }
0xb1: {  	[dreg:$0x3] =	wrdreg s24  }
0xb2: {  	[dreg:$0x4] =	wrdreg s18  }
0xb3: {  	[dreg:$0x5] =	wrdreg s4  }
0xb4: {  	[dreg:$0x6] =	wrdreg $0x174000  }
0xb5: {  	[dreg:$0x7] =	wrdreg $0x9  }
0xb6: {  	_ =	task.clear_ibuf [dreg:s9], $0x8FFFF;
	_ =	strace $0x90000046  }
0xb7: {  	s29 =	simm.s32 $0x9;
	_ =	strace $0x80000048  }
0xb8: {  	_ =	swait.ge [sflag:s29], $0x1  }
0xb9: {  	[sflag:s29] =	ssyncadd.s32 $0xFFFFFFFF  }
0xba: {  	_ =	strace $0x90000048  }
0xbb: {  	_ =	sfence  }
0xbc: {  	s30 =	sld [smem:$0x0];
	_ =	sdelay $0x2  }
0xbd: {  	s31 =	sshll.u32 s1, $0xD;
	s1 =	sshrl.u32 s1, $0x2  }
0xbe: {  	s3 =	sand.u32 $0x4000, s31;
	s1 =	sadd.s32 s1, s30  }
0xbf: {  	s0 =	sor.u32 s3, s0;
	s1 =	sshll.u32 s1, $0x11  }
0xc0: {  	s0 =	sor.u32 s1, s0  }
0xc1: {  	s0 =	sadd.s32 $0x8F2B, s0  }
0xc2: {  	[sflag:s0] =	ssyncadd.remote.s32 $0x1  }
0xc3: {  	_ =	sfence.sel $0xFFFF  }
0xc4: {  	[dreg:$0x0] =	wrdreg $0xFFFFFFFF;
	(pc) =	sbr.abs _section_cstart, $3  }
0xc5: {  	[dreg:$0x1] =	wrdreg $0xFFFFFFFF  }
0xc6: {  	_ =	task.clear_ibuf [dreg:s9], $0x2FFFF;
	_ =	strace $0x9FFFFFFF  }
0xc7: {  	(tm) =	ssettm $0x7FFFFFFF  }
tec
execute0_lowered:
.L_overlay_start_1:
0x0: {  	(tag) =	ssettag $0x1  }
0x1: {  	s0 =	rddreg [dreg:$0x0]  }
0x2: {  	s3 =	rddreg [dreg:$0x1]  }
0x3: {  	s15 =	rddreg [dreg:$0x2]  }
0x4: {  	s10 =	stileid.u32;
	s4 =	rddreg [dreg:$0x3]  }
0x5: {  	s1 =	srdreg.scid;
	s5 =	rddreg [dreg:$0x4];
	v1 =	vimm.s32 $0x1380;
	vm0 =	vcmask $0x300;
	s6 =	simm.s32 $0x0  }
0x6: {  	v2 =	vimm.s32 $0x3380;
	vm1 =	vcmask $0x704;
	s17 =	simm.s32 $0x7A1400;
	s18 =	simm.s32 $0x1000;
	s19 =	simm.s32 $0x7200  }
0x7: {  	vm15 =	vcmask $0xB08;
	s28 =	simm.s32 $0x8;
	s29 =	simm.s32 $0x5;
	s31 =	simm.s32 $0x0;
	v1 =	vsel vm0, $0x0, v1;
	v2 =	vsel vm0, $0x2000, v2  }
0x8: {  	vm4 =	vcmask $0xF0C;
	s1 =	sand.u32 $0x1, s1;
	s2 =	sshll.u32 s10, $0x1;
	[smem:$0x7FF] =	sst s6;
	v1 =	vsel vm1, $0x80, v1;
	v2 =	vsel vm1, $0x2080, v2  }
0x9: {  	vm5 =	vcmask $0x1310;
	s7 =	sadd.s32 $0x800, s3;
	s20 =	sshll.u32 s10, $0xC;
	s23 =	sshll.u32 s10, $0xF;
	v1 =	vsel vm15, $0x100, v1;
	v2 =	vsel vm15, $0x2100, v2  }
0xa: {  	vm6 =	vcmask $0x1714;
	s24 =	sshll.u32 s10, $0x6;
	s13 =	sadd.s32 $0x8000, s0;
	s25 =	sadd.s32 $0xF4000, s4;
	v1 =	vsel vm4, $0x180, v1;
	v2 =	vsel vm4, $0x2180, v2  }
0xb: {  	vm7 =	vcmask $0x1B18;
	s2 =	sor.u32 s1, s2;
	_ =	strace $0x80000047;
	[dreg:$0x6] =	wrdreg s7;
	v1 =	vsel vm5, $0x200, v1;
	v2 =	vsel vm5, $0x2200, v2  }
0xc: {  	vm8 =	vcmask $0x1F1C;
	s7 =	sadd.s32 s20, s3;
	s1 =	ssub.s32 $0x2, s1;
	s3 =	sadd.s32 $0x10C00, s3;
	v1 =	vsel vm6, $0x280, v1;
	v2 =	vsel vm6, $0x2280, v2  }
0xd: {  	vm9 =	vcmask $0x2320;
	[dreg:$0xc] =	wrdreg s25;
	s25 =	simm.s32 $0x6;
	s8 =	sshll.u32 s2, $0x9;
	v1 =	vsel vm7, $0x300, v1;
	v2 =	vsel vm7, $0x2300, v2  }
0xe: {  	vm10 =	vcmask $0x2724;
	[dreg:$0x7] =	wrdreg s3;
	s21 =	sshrl.u32 s1, $0x1;
	s3 =	sadd.s32 s23, s5;
	v1 =	vsel vm8, $0x380, v1;
	v2 =	vsel vm8, $0x2380, v2  }
0xf: {  	vm11 =	vcmask $0x2B28;
	s7 =	sadd.s32 $0xC00, s7;
	s23 =	simm.s32 $0x5180;
	p0 =	seq.s32 s2, $0x1;
	v1 =	vsel vm9, $0x1000, v1;
	v2 =	vsel vm9, $0x3000, v2  }
0x10: {  	vm12 =	vcmask $0x2F2C;
	s9 =	sadd.s32 s0, s8;
	[dreg:$0x9] =	wrdreg s7;
	s7 =	sor.u32 $0x1C0A, s24;
	v1 =	vsel vm10, $0x1080, v1;
	v2 =	vsel vm10, $0x3080, v2  }
.Ltmp0:
0x11: {  	vm13 =	vcmask $0x3330;
	s0 =	sadd.s32 $0xF4000, s0;
	[dreg:$0xa] =	wrdreg s7;
	v1 =	vsel vm11, $0x1100, v1;
	v2 =	vsel vm11, $0x3100, v2;
	(pc) =	sbr.rel .LBB2_1-.Ltmp0, $4  }
0x12: {  	vm14 =	vcmask $0x3734;
	p1 =	sne.s32 s2, $0x0;
	s30 =	sshrl.u32 s3, $0x3;
	[dreg:$0xb] =	wrdreg s0;
	v1 =	vsel vm12, $0x1180, v1;
	v2 =	vsel vm12, $0x3180, v2  }
0x13: {  	v3 =	vlaneseq.u32;
	s1 =	ssub.s32 s1, s21;
	s22 =	sadd.s32 $0x4000, s9;
	[dreg:$0xe] =	wrdreg s30;
	v1 =	vsel vm13, $0x1200, v1;
	v2 =	vsel vm13, $0x3200, v2  }
0x14: {  	vm15 =	vcmask $0x3B38;
	s24 =	simm.s32 $0x9;
	s26 =	smax.u32 s1, $0x1;
	[dreg:$0x8] =	wrdreg s22;
	v1 =	vsel vm14, $0x1280, v1;
	v2 =	vsel vm14, $0x3280, v2  }
0x15: {  	v0 =	vmov s2;
	[dreg:$0xd] =	wrdreg s26;
	s22 =	simm.s32 $0xA;
	s26 =	simm.s32 $0x7;
	v1 =	vsel vm15, $0x1300, v1;
	v2 =	vsel vm15, $0x3300, v2  }
.LBB2_61:
0x16: {  	s0 =	rddreg [dreg:$0xc]  }
0x17: {  	[hbm4b:s0+s18] =	stream.strided.scatter [tilespmem:s19], [sflag:$0xA], $0x4000, s17, s18, $0x38;
	[tilespmem:$0x1F400] =	vst v63  }
0x18: {  	_ =	swait.ge [sflag:s22], $0x4000  }
0x19: {  	[sflag:s22] =	ssyncset.done $0x0  }
0x1a: {  	[sflag:s22] =	ssyncadd.s32 $0xFFFFC000  }
.LBB2_89:
0x1b: {  	s31 =	sadd.s32 $0x1, s31;
	s0 =	rddreg [dreg:$0xd]  }
0x1c: {  	p2 =	sne.s32 s31, s0  }
.Ltmp1:
0x1d: {  	_ = 	snop;
	(pc) =	sbr.rel @!p2 .LBB2_90-.Ltmp1, $1  }
0x1e: {  	_ =	sdelay $0x3  }
.LBB2_1:
0x1f: {  	[tilespmem:s19], [sflag:$0x1] =	stream.strided.gather [hbm4b:s9+s18], $0x4000, s17, s18, $0x38;
	[tilespmem:$0x1F400] =	vst v63  }
0x20: {  	s0 =	rddreg [dreg:$0x8]  }
0x21: {  	s16 =	rddreg [dreg:$0x9]  }
0x22: {  	s20 =	rddreg [dreg:$0xa]  }
0x23: {  	s1 =	simm.s32 $0xB200;
	s3 =	rddreg [dreg:$0xe]  }
0x24: {  	[tilespmem:s1], [sflag:$0x2] =	stream.strided.gather [hbm4b:s0+s18], $0x4000, s17, s18, $0x38;
	[tilespmem:$0x1F400] =	vst v63  }
0x25: {  	[spmem:s3], [sflag:s20] =	dma.local [hbm:s16], $0x1000  }
0x26: {  	_ =	swait.ge [sflag:s22], $0x1000  }
0x27: {  	[sflag:s22] =	ssyncset.done $0x0  }
0x28: {  	[sflag:s22] =	ssyncadd.s32 $0xFFFFF000  }
0x29: {  	[tilespmem:s6], [sflag:$0xA] =	stream.linear.gather [hbm4b:s15+s6], $0x4000, $0x38;
	[tilespmem:$0x1F400] =	vst v63  }
0x2a: {  	_ =	swait.ge [sflag:s22], $0x4000  }
0x2b: {  	[sflag:s22] =	ssyncset.done $0x0  }
0x2c: {  	[sflag:s22] =	ssyncadd.s32 $0xFFFFC000  }
0x2d: {  	s0 =	simm.s32 $0x10;
	[bflag:$0x0] =	sbarrier.arrive $0xFFFF  }
0x2e: {  	v4 =	vld [tilespmem:s0+$0xFFFFFFF0];
	_ =	sdelay $0x4  }
0x2f: {  	v5 =	vshrl.u32 v4, $0x9  }
0x30: {  	v5 =	vand.u32 $0x1F, v5  }
0x31: {  	vm0 =	veq.s32 v5, v0  }
0x32: {  	v6 =	vmpcnt.ones.xlane vm0;
	_ =	sdelay $0x1  }
0x33: {  	(v2sf) =	vpush v6, $0x0;
	_ =	sdelay $0xe  }
0x34: {  	s21 =	spop (v2sf)  }
0x35: {  	p2 =	slt.s32 s21, $0x1;
	s1 =	sadd.s32 $0x0, s21  }
0x36: {  	p3 =	sgt.s32 @!p2 s1, $0x1000  }
0x37: {  	p2 =	por p3, p2  }
0x38: {  	s3 =	simm.s32 $0x0;
	v6 =	vlaneseq.u32 @!p2  }
0x39: {  	vm0 =	veq.s32 @!p2 v5, v0;
	v5 =	vor.u32 @!p2 s3, v6  }
0x3a: {  	[tilespmem:s6+$0x4080] =	vst.msk @!p2 vm0, v5  }
0x3b: {  	[tilespmem:s6+$0x0] =	vst.msk @!p2 vm0, v4  }
0x3c: {  	v4 =	vld [tilespmem:s0+$0x0];
	_ =	sdelay $0x4  }
0x3d: {  	v5 =	vshrl.u32 v4, $0x9  }
0x3e: {  	v5 =	vand.u32 $0x1F, v5  }
0x3f: {  	vm15 =	veq.s32 v5, v0  }
0x40: {  	v63 =	vmpcnt.ones.xlane vm15;
	_ =	sdelay $0x1  }
0x41: {  	(v2sf) =	vpush v63, $0x0;
	_ =	sdelay $0xe  }
0x42: {  	s30 =	spop (v2sf)  }
0x43: {  	p2 =	slt.s32 s30, $0x1;
	s8 =	sadd.s32 s1, s30  }
0x44: {  	p3 =	sgt.s32 @!p2 s8, $0x1000  }
0x45: {  	p2 =	por p3, p2  }
0x46: {  	v6 =	vlaneseq.u32 @!p2  }
0x47: {  	vm0 =	veq.s32 @!p2 v5, v0;
	v5 =	vor.u32 @!p2 s0, v6  }
0x48: {  	[tilespmem:s1+$0x4080] =	vst.msk @!p2 vm0, v5  }
0x49: {  	s7 =	simm.s32 $0x30;
	s3 =	simm.s32 $0x0;
	[tilespmem:s1+$0x0] =	vst.msk @!p2 vm0, v4  }
.LBB2_2:
0x4a: {  	v4 =	vld [tilespmem:s7+$0xFFFFFFF0];
	_ =	sdelay $0x1  }
0x4b: {  	s3 =	sadd.s32 $0x2, s3  }
0x4c: {  	p2 =	slt.u32 s3, $0x3FE;
	_ =	sdelay $0x1  }
0x4d: {  	v5 =	vshrl.u32 v4, $0x9  }
0x4e: {  	v5 =	vand.u32 $0x1F, v5  }
0x4f: {  	vm0 =	veq.s32 v5, v0  }
0x50: {  	v6 =	vmpcnt.ones.xlane vm0;
	_ =	sdelay $0x1  }
0x51: {  	(v2sf) =	vpush v6, $0x0;
	_ =	sdelay $0xe  }
0x52: {  	s1 =	spop (v2sf)  }
0x53: {  	p3 =	slt.s32 s1, $0x1;
	s1 =	sadd.s32 s8, s1  }
0x54: {  	p4 =	sgt.s32 @!p3 s1, $0x1000  }
0x55: {  	s0 =	sadd.s32 $0x20, s0;
	p3 =	por p4, p3  }
0x56: {  	s10 =	sadd.s32 $0xFFFFFFF0, s0;
	v6 =	vlaneseq.u32 @!p3  }
0x57: {  	vm0 =	veq.s32 @!p3 v5, v0;
	v5 =	vor.u32 @!p3 s10, v6  }
0x58: {  	[tilespmem:s8+$0x4080] =	vst.msk @!p3 vm0, v5  }
0x59: {  	[tilespmem:s8+$0x0] =	vst.msk @!p3 vm0, v4  }
0x5a: {  	v4 =	vld [tilespmem:s7+$0x0];
	_ =	sdelay $0x4  }
0x5b: {  	v5 =	vshrl.u32 v4, $0x9  }
0x5c: {  	v5 =	vand.u32 $0x1F, v5  }
0x5d: {  	vm0 =	veq.s32 v5, v0  }
0x5e: {  	v6 =	vmpcnt.ones.xlane vm0;
	_ =	sdelay $0x1  }
0x5f: {  	(v2sf) =	vpush v6, $0x0;
	_ =	sdelay $0xe  }
0x60: {  	s8 =	spop (v2sf)  }
0x61: {  	p3 =	slt.s32 s8, $0x1;
	s8 =	sadd.s32 s1, s8  }
0x62: {  	p4 =	sgt.s32 @!p3 s8, $0x1000  }
.Ltmp2:
0x63: {  	p3 =	por p4, p3;
	(pc) =	sbr.rel @p2 .LBB2_2-.Ltmp2, $4  }
0x64: {  	v6 =	vlaneseq.u32 @!p3  }
0x65: {  	vm0 =	veq.s32 @!p3 v5, v0;
	v5 =	vor.u32 @!p3 s0, v6  }
0x66: {  	[tilespmem:s1+$0x4080] =	vst.msk @!p3 vm0, v5  }
0x67: {  	s7 =	sadd.s32 $0x20, s7;
	[tilespmem:s1+$0x0] =	vst.msk @!p3 vm0, v4  }
0x68: {  	p2 =	sgt.s32 s8, $0x1000;
	s20 =	sadd.s32 $0xF, s8  }
0x69: {  	s0 =	simm.s32 @p2 $0x0;
	s1 =	sshra.s32 s20, $0x1F  }
0x6a: {  	[tilespmem:s0], [sflag:$0xA] =	stream.linear.gather @p2 [hbm4b:s15+s0], $0x4000, $0x38;
	[tilespmem:$0x1F400] =	vst v63  }
.Ltmp3:
0x6b: {  	s7 =	simm.s32 @p2 $0xA;
	s1 =	sshrl.u32 s1, $0x1C;
	(pc) =	sbr.rel .LBB2_4-.Ltmp3, $4  }
0x6c: {  	s21 =	smov.u32 s15;
	s0 =	sadd.s32 s1, s20;
	_ =	swait.ge @p2 [sflag:s7], $0x4000  }
0x6d: {  	s30 =	sadd.s32 $0xFFFFFFFF, s8;
	s3 =	sshra.s32 s0, $0x4;
	[sflag:s7] =	ssyncset.done @p2 $0x0  }
0x6e: {  	v4 =	vimm.s32 @!p2 $0x7FFFFFFF;
	s0 =	simm.s32 $0x0;
	p3 =	sgt.s32 s3, $0x1;
	[sflag:s7] =	ssyncadd.s32 @p2 $0xFFFFC000  }
0x6f: {  	s3 =	simm.s32 @!p3 $0x1;
	[tilespmem:s8+$0x0] =	vst @!p2 v4;
	p3 =	sgt.u32 s30, $0xFFF;
	p2 =	slt.s32 s8, $0x1001  }
.LBB2_32:
0x70: {  	s0 =	sadd.s32 $0x1, s0  }
0x71: {  	p4 =	sne.s32 s0, $0x3D  }
.Ltmp4:
0x72: {  	_ = 	snop;
	(pc) =	sbr.rel @!p4 .LBB2_33-.Ltmp4, $4  }
0x73: {  	_ = 	snop  }
0x74: {  	s1 =	sshll.u32 s30, $0x9  }
0x75: {  	s8 =	sadd.s32 $0x7200, s8;
	s7 =	sadd.s32 $0x5, s7;
	s1 =	sadd.s32 s4, s1  }
0x76: {  	[hbm4b:s1+s18] =	stream.strided.scatter [tilespmem:s8], [sflag:s7], $0x4000, s17, s18, $0x38;
	[tilespmem:$0x1F400] =	vst v63  }
.LBB2_4:
0x77: {  	s7 =	sand.u32 $0x3, s0  }
0x78: {  	p4 =	sgt.u32 s0, $0x3A;
	s1 =	sadd.s32 $0x1, s7  }
0x79: {  	p5 =	slt.u32 @!p4 s0, $0x2;
	_ =	swait.ge [sflag:s1], $0x4000  }
0x7a: {  	s8 =	sxor.u32 @!p4 $0x2, s7;
	p5 =	por p5, p4;
	[sflag:s1] =	ssyncset.done $0x0  }
0x7b: {  	s10 =	sshll.u32 s0, $0x5;
	[sflag:s1] =	ssyncadd.s32 $0xFFFFC000;
	s1 =	sadd.s32 @!p5 $0x5, s8  }
0x7c: {  	s30 =	sor.u32 s2, s10;
	s11 =	simm.s32 @!p4 $0x1000;
	_ =	swait.ge @!p5 [sflag:s1], $0x4000  }
0x7d: {  	s12 =	simm.s32 @!p4 $0x7A1400;
	s10 =	sshll.u32 @!p4 s30, $0x9;
	[sflag:s1] =	ssyncset.done @!p5 $0x0  }
.Ltmp5:
0x7e: {  	[sflag:s1] =	ssyncadd.s32 @!p5 $0xFFFFC000;
	s1 =	sshll.u32 @!p4 s8, $0xE;
	(pc) =	sbr.rel @p3 .LBB2_18-.Ltmp5, $4  }
0x7f: {  	s10 =	sadd.s32 @!p4 s10, s13;
	s8 =	sadd.s32 @!p4 $0x1, s8;
	s1 =	sadd.s32 @!p4 $0x7200, s1  }
0x80: {  	[tilespmem:s1], [sflag:s8] =	stream.strided.gather @!p4 [hbm4b:s10+s11], $0x4000, s12, s11, $0x38;
	[tilespmem:$0x1F400] =	vst v63  }
0x81: {  	s8 =	sshll.u32 s7, $0xE  }
0x82: {  	v4 =	vmov s30;
	v5 =	vor.u32 s8, v1;
	v6 =	vor.u32 s8, v2  }
.Ltmp6:
0x83: {  	(pc) =	sbr.rel .LBB2_6-.Ltmp6, $2  }
0x84: {  	_ =	sdelay $0x2  }
0x85: {  	s14 =	simm.s32 $0x0  }
.LBB2_16:
0x86: {  	_ =	sdelay $0x3  }
0x87: {  	[tilespmem:v7+s19+$0x0] =	vst.idx.msk $0xffff, v8  }
.LBB2_17:
0x88: {  	s14 =	sadd.s32 $0x1, s14  }
0x89: {  	p4 =	sne.s32 s14, s3  }
.Ltmp7:
0x8a: {  	_ = 	snop;
	(pc) =	sbr.rel @!p4 .LBB2_18-.Ltmp7, $1  }
0x8b: {  	_ =	sdelay $0x3  }
.LBB2_6:
0x8c: {  	s1 =	sshll.u32 s14, $0x4  }
0x8d: {  	v7 =	vld [tilespmem:s1+$0x0];
	_ =	sdelay $0x4  }
0x8e: {  	v8 =	vshrl.u32 v7, $0x9  }
0x8f: {  	vm0 =	veq.s32 v8, v4  }
0x90: {  	v8 =	vmpcnt.ones.xlane vm0;
	_ =	sdelay $0x1  }
0x91: {  	(v2sf) =	vpush v8, $0x0;
	_ =	sdelay $0xe  }
0x92: {  	s20 =	spop (v2sf)  }
0x93: {  	p4 =	slt.s32 s20, $0x1  }
.Ltmp8:
0x94: {  	_ = 	snop;
	(pc) =	sbr.rel @p4 .LBB2_17-.Ltmp8, $1  }
0x95: {  	_ =	sdelay $0x3  }
0x96: {  	v7 =	vand.u32 $0x1FF, v7  }
0x97: {  	[tilespmem:s23+$0x0] =	vst.msk vm0, v7  }
0x98: {  	v7 =	vld [tilespmem:s1+$0x4080]  }
0x99: {  	p4 =	sne.s32 s20, $0x1  }
.Ltmp9:
0x9a: {  	_ = 	snop;
	(pc) =	sbr.rel @!p4 .LBB2_8-.Ltmp9, $4  }
0x9b: {  	_ = 	snop  }
0x9c: {  	s10 =	simm.s32 $0x5100  }
0x9d: {  	[tilespmem:s10+$0x0] =	vst.msk vm0, v7  }
0x9e: {  	s15 =	sadd.s32 $0xFFFFFFFF, s20;
	p5 =	por $0x0, $0x0;
	s1 =	simm.s32 $0x17200;
	v7 =	vld [tilespmem:s10+$0x0]  }
0x9f: {  	_ =	sdelay $0x3  }
0xa0: {  	(v2sf) =	vpush v7, $0x0;
	_ =	sdelay $0xe  }
0xa1: {  	p6 =	sne.s32 s15, $0x1;
	s10 =	spop (v2sf)  }
.Ltmp10:
0xa2: {  	s10 =	sshll.u32 s10, $0x7;
	(pc) =	sbr.rel @!p6 .LBB2_10-.Ltmp10, $4  }
0xa3: {  	s10 =	sshra.s32 s10, $0x2  }
0xa4: {  	s11 =	simm.s32 $0x5101;
	s10 =	sadd.s32 s10, s5  }
0xa5: {  	[tilespmem:s1], [sflag:$0x9] =	stream.linear.gather [spmem:s10], $0x20, $0x38;
	[tilespmem:$0x1F400] =	vst v63  }
0xa6: {  	s12 =	sadd.s32 $0xFFFFFFFF, s15;
	p5 =	por $0x1, $0x1;
	s10 =	simm.s32 $0x17200;
	v7 =	vld [tilespmem:s11+$0x0]  }
.LBB2_11:
0xa7: {  	p6 =	sne.s32 s12, $0x1;
	_ =	sdelay $0x3  }
0xa8: {  	(v2sf) =	vpush v7, $0x0;
	_ =	sdelay $0xe  }
0xa9: {  	s16 =	spop (v2sf)  }
.Ltmp11:
0xaa: {  	s16 =	sshll.u32 s16, $0x7;
	(pc) =	sbr.rel @p6 .LBB2_11-.Ltmp11, $4  }
0xab: {  	s16 =	sshra.s32 s16, $0x2  }
0xac: {  	s11 =	sadd.s32 $0x1, s11;
	s10 =	sadd.s32 $0x20, s10;
	s16 =	sadd.s32 s16, s5  }
0xad: {  	[tilespmem:s10], [sflag:$0x9] =	stream.linear.gather [spmem:s16], $0x20, $0x38;
	[tilespmem:$0x1F400] =	vst v63  }
0xae: {  	s12 =	sadd.s32 $0xFFFFFFFF, s12;
	v7 =	vld [tilespmem:s11+$0x0]  }
.LBB2_12:
0xaf: {  	_ =	sdelay $0x3  }
0xb0: {  	(v2sf) =	vpush v7, $0x0;
	_ =	sdelay $0xe  }
0xb1: {  	s11 =	spop (v2sf)  }
0xb2: {  	s11 =	sshll.u32 s11, $0x7  }
0xb3: {  	s10 =	sadd.s32 @p5 $0x20, s10;
	s11 =	sshra.s32 s11, $0x2  }
0xb4: {  	s1 =	smov.u32 @p5 s10;
	s11 =	sadd.s32 s11, s5  }
0xb5: {  	[tilespmem:s1], [sflag:$0x9] =	stream.linear.gather [spmem:s11], $0x20, $0x38;
	[tilespmem:$0x1F400] =	vst v63  }
.LBB2_13:
0xb6: {  	p5 =	sne.s32 s20, $0x1  }
.Ltmp12:
0xb7: {  	_ = 	snop;
	(pc) =	sbr.rel @p5 .LBB2_13-.Ltmp12, $4  }
0xb8: {  	_ = 	snop  }
0xb9: {  	_ =	swait.ge [sflag:s24], $0x20  }
0xba: {  	[sflag:s24] =	ssyncset.done $0x0  }
0xbb: {  	s20 =	sadd.s32 $0xFFFFFFFF, s20;
	[sflag:s24] =	ssyncadd.s32 $0xFFFFFFE0  }
0xbc: {  	s1 =	simm.s32 $0x5180  }
0xbd: {  	v7 =	vld.msk [tilespmem:s1+$0x0 ss:$0x0], $0xffff;
	_ =	sdelay $0x4  }
0xbe: {  	v8 =	vand.u32 $0x7F, v7;
	v7 =	vshll.u32 v7, $0x3  }
0xbf: {  	v7 =	vand.u32 $0xFFFFFC00, v7;
	v9 =	vor.u32 v8, v5  }
0xc0: {  	v9 =	vadd.s32 v7, v9;
	_ =	sdelay $0x2  }
0xc1: {  	s20 =	simm.s32 $0x17210  }
0xc2: {  	v11 =	vld [tilespmem:s20+$0xFFFFFFF0]  }
0xc3: {  	v10 =	vld.idx.msk [tilespmem:v9+s19+$0x0], $0xffff  }
0xc4: {  	v8 =	vor.u32 v8, v6  }
0xc5: {  	v7 =	vadd.s32 v7, v8;
	_ =	sdelay $0x2  }
0xc6: {  	v8 =	vadd.f32 v11, v10;
	_ =	sdelay $0x1  }
0xc7: {  	v10 =	vld.idx.msk [tilespmem:v7+s19+$0x0], $0xffff;
	[tilespmem:v9+s19+$0x0] =	vst.idx.msk $0xffff, v8  }
0xc8: {  	v8 =	vld [tilespmem:s20+$0x0];
	_ =	sdelay $0x1  }
.Ltmp13:
0xc9: {  	_ = 	snop;
	(pc) =	sbr.rel @!p4 .LBB2_16-.Ltmp13, $2  }
0xca: {  	_ =	sdelay $0x1  }
0xcb: {  	v8 =	vadd.f32 v8, v10;
	_ =	sdelay $0x1  }
.LBB2_15:
0xcc: {  	p4 =	sne.s32 s15, $0x1;
	[tilespmem:v7+s19+$0x0] =	vst.idx.msk $0xffff, v8;
	s1 =	sadd.s32 $0x1, s1;
	s20 =	sadd.s32 $0x20, s20  }
0xcd: {  	s15 =	sadd.s32 $0xFFFFFFFF, s15;
	v7 =	vld.msk [tilespmem:s1+$0x0 ss:$0x0], $0xffff;
	_ =	sdelay $0x5  }
0xce: {  	v8 =	vand.u32 $0x7F, v7;
	v7 =	vshll.u32 v7, $0x3  }
0xcf: {  	v7 =	vand.u32 $0xFFFFFC00, v7;
	v9 =	vor.u32 v8, v5;
	v8 =	vor.u32 v8, v6  }
0xd0: {  	v9 =	vadd.s32 v7, v9;
	v7 =	vadd.s32 v7, v8;
	_ =	sdelay $0x4  }
0xd1: {  	v8 =	vld.idx.msk [tilespmem:v9+s19+$0x0], $0xffff  }
0xd2: {  	v10 =	vld [tilespmem:s20+$0xFFFFFFF0];
	_ =	sdelay $0x4  }
0xd3: {  	v8 =	vadd.f32 v10, v8  }
0xd4: {  	v10 =	vld.idx.msk [tilespmem:v7+s19+$0x0], $0xffff  }
0xd5: {  	[tilespmem:v9+s19+$0x0] =	vst.idx.msk $0xffff, v8  }
0xd6: {  	v8 =	vld [tilespmem:s20+$0x0]  }
.Ltmp14:
0xd7: {  	(pc) =	sbr.rel @p4 .LBB2_15-.Ltmp14, $2  }
0xd8: {  	_ =	sdelay $0x2  }
0xd9: {  	v8 =	vadd.f32 v8, v10  }
.Ltmp15:
0xda: {  	_ = 	snop;
	(pc) =	sbr.rel .LBB2_16-.Ltmp15, $1  }
0xdb: {  	_ =	sdelay $0x3  }
.LBB2_8:
.Ltmp16:
0xdc: {  	(pc) =	sbr.rel .LBB2_12-.Ltmp16, $2  }
0xdd: {  	_ =	sdelay $0x2  }
0xde: {  	s10 =	simm.s32 $0x17200  }
.LBB2_10:
.Ltmp17:
0xdf: {  	(pc) =	sbr.rel .LBB2_12-.Ltmp17, $2  }
0xe0: {  	_ =	sdelay $0x2  }
0xe1: {  	s10 =	simm.s32 $0x17200  }
.LBB2_18:
.Ltmp18:
0xe2: {  	(pc) =	sbr.rel @p2 .LBB2_32-.Ltmp18, $1  }
0xe3: {  	_ =	sdelay $0x3  }
.Ltmp19:
0xe4: {  	(pc) =	sbr.rel .LBB2_20-.Ltmp19, $2  }
0xe5: {  	_ =	sdelay $0x2  }
0xe6: {  	s14 =	simm.s32 $0x0  }
.LBB2_30:
0xe7: {  	_ =	sdelay $0x3  }
0xe8: {  	[tilespmem:v7+s19+$0x0] =	vst.idx.msk $0xffff, v8  }
.LBB2_31:
0xe9: {  	s14 =	sadd.s32 $0x1, s14  }
0xea: {  	p4 =	sne.s32 s14, $0x400  }
.Ltmp20:
0xeb: {  	_ = 	snop;
	(pc) =	sbr.rel @!p4 .LBB2_32-.Ltmp20, $1  }
0xec: {  	_ =	sdelay $0x3  }
.LBB2_20:
0xed: {  	s1 =	sshll.u32 s14, $0x4  }
0xee: {  	v7 =	vld [tilespmem:s1+$0x0];
	_ =	sdelay $0x4  }
0xef: {  	v8 =	vshrl.u32 v7, $0x9  }
0xf0: {  	vm0 =	veq.s32 v8, v4  }
0xf1: {  	v8 =	vmpcnt.ones.xlane vm0;
	_ =	sdelay $0x1  }
0xf2: {  	(v2sf) =	vpush v8, $0x0;
	_ =	sdelay $0xe  }
0xf3: {  	s20 =	spop (v2sf)  }
0xf4: {  	p4 =	slt.s32 s20, $0x1  }
.Ltmp21:
0xf5: {  	_ = 	snop;
	(pc) =	sbr.rel @p4 .LBB2_31-.Ltmp21, $1  }
0xf6: {  	_ =	sdelay $0x3  }
0xf7: {  	p4 =	sne.s32 s20, $0x1  }
.Ltmp22:
0xf8: {  	_ = 	snop;
	(pc) =	sbr.rel @!p4 .LBB2_22-.Ltmp22, $4  }
0xf9: {  	v7 =	vand.u32 $0x1FF, v7  }
0xfa: {  	s10 =	simm.s32 $0x5100;
	[tilespmem:s23+$0x0] =	vst.msk vm0, v7;
	v7 =	vor.u32 s1, v3  }
0xfb: {  	[tilespmem:s10+$0x0] =	vst.msk vm0, v7  }
0xfc: {  	s15 =	sadd.s32 $0xFFFFFFFF, s20;
	p5 =	por $0x0, $0x0;
	s1 =	simm.s32 $0x17200;
	v7 =	vld [tilespmem:s10+$0x0]  }
0xfd: {  	_ =	sdelay $0x3  }
0xfe: {  	(v2sf) =	vpush v7, $0x0;
	_ =	sdelay $0xe  }
0xff: {  	p6 =	sne.s32 s15, $0x1;
	s10 =	spop (v2sf)  }
.Ltmp23:
0x100: {  	s10 =	sshll.u32 s10, $0x7;
	(pc) =	sbr.rel @!p6 .LBB2_24-.Ltmp23, $4  }
0x101: {  	s10 =	sshra.s32 s10, $0x2  }
0x102: {  	s11 =	simm.s32 $0x5101;
	s10 =	sadd.s32 s10, s5  }
0x103: {  	[tilespmem:s1], [sflag:$0x9] =	stream.linear.gather [spmem:s10], $0x20, $0x38;
	[tilespmem:$0x1F400] =	vst v63  }
0x104: {  	s12 =	sadd.s32 $0xFFFFFFFF, s15;
	p5 =	por $0x1, $0x1;
	s10 =	simm.s32 $0x17200;
	v7 =	vld [tilespmem:s11+$0x0]  }
.LBB2_25:
0x105: {  	p6 =	sne.s32 s12, $0x1;
	_ =	sdelay $0x3  }
0x106: {  	(v2sf) =	vpush v7, $0x0;
	_ =	sdelay $0xe  }
0x107: {  	s16 =	spop (v2sf)  }
.Ltmp24:
0x108: {  	s16 =	sshll.u32 s16, $0x7;
	(pc) =	sbr.rel @p6 .LBB2_25-.Ltmp24, $4  }
0x109: {  	s16 =	sshra.s32 s16, $0x2  }
0x10a: {  	s11 =	sadd.s32 $0x1, s11;
	s10 =	sadd.s32 $0x20, s10;
	s16 =	sadd.s32 s16, s5  }
0x10b: {  	[tilespmem:s10], [sflag:$0x9] =	stream.linear.gather [spmem:s16], $0x20, $0x38;
	[tilespmem:$0x1F400] =	vst v63  }
0x10c: {  	s12 =	sadd.s32 $0xFFFFFFFF, s12;
	v7 =	vld [tilespmem:s11+$0x0]  }
.LBB2_26:
0x10d: {  	_ =	sdelay $0x3  }
0x10e: {  	(v2sf) =	vpush v7, $0x0;
	_ =	sdelay $0xe  }
0x10f: {  	s11 =	spop (v2sf)  }
0x110: {  	s11 =	sshll.u32 s11, $0x7  }
0x111: {  	s10 =	sadd.s32 @p5 $0x20, s10;
	s11 =	sshra.s32 s11, $0x2  }
0x112: {  	s1 =	smov.u32 @p5 s10;
	s11 =	sadd.s32 s11, s5  }
0x113: {  	[tilespmem:s1], [sflag:$0x9] =	stream.linear.gather [spmem:s11], $0x20, $0x38;
	[tilespmem:$0x1F400] =	vst v63  }
.LBB2_27:
0x114: {  	p5 =	sne.s32 s20, $0x1  }
.Ltmp25:
0x115: {  	_ = 	snop;
	(pc) =	sbr.rel @p5 .LBB2_27-.Ltmp25, $4  }
0x116: {  	_ = 	snop  }
0x117: {  	_ =	swait.ge [sflag:s24], $0x20  }
0x118: {  	[sflag:s24] =	ssyncset.done $0x0  }
0x119: {  	s20 =	sadd.s32 $0xFFFFFFFF, s20;
	[sflag:s24] =	ssyncadd.s32 $0xFFFFFFE0  }
0x11a: {  	s1 =	simm.s32 $0x5180  }
0x11b: {  	v7 =	vld.msk [tilespmem:s1+$0x0 ss:$0x0], $0xffff;
	_ =	sdelay $0x4  }
0x11c: {  	v8 =	vand.u32 $0x7F, v7;
	v7 =	vshll.u32 v7, $0x3  }
0x11d: {  	v7 =	vand.u32 $0xFFFFFC00, v7;
	v9 =	vor.u32 v8, v5  }
0x11e: {  	v9 =	vadd.s32 v7, v9;
	_ =	sdelay $0x2  }
0x11f: {  	s20 =	simm.s32 $0x17210  }
0x120: {  	v11 =	vld [tilespmem:s20+$0xFFFFFFF0]  }
0x121: {  	v10 =	vld.idx.msk [tilespmem:v9+s19+$0x0], $0xffff  }
0x122: {  	v8 =	vor.u32 v8, v6  }
0x123: {  	v7 =	vadd.s32 v7, v8;
	_ =	sdelay $0x2  }
0x124: {  	v8 =	vadd.f32 v11, v10;
	_ =	sdelay $0x1  }
0x125: {  	v10 =	vld.idx.msk [tilespmem:v7+s19+$0x0], $0xffff;
	[tilespmem:v9+s19+$0x0] =	vst.idx.msk $0xffff, v8  }
0x126: {  	v8 =	vld [tilespmem:s20+$0x0];
	_ =	sdelay $0x1  }
.Ltmp26:
0x127: {  	_ = 	snop;
	(pc) =	sbr.rel @!p4 .LBB2_30-.Ltmp26, $2  }
0x128: {  	_ =	sdelay $0x1  }
0x129: {  	v8 =	vadd.f32 v8, v10;
	_ =	sdelay $0x1  }
.LBB2_29:
0x12a: {  	p4 =	sne.s32 s15, $0x1;
	[tilespmem:v7+s19+$0x0] =	vst.idx.msk $0xffff, v8;
	s1 =	sadd.s32 $0x1, s1;
	s20 =	sadd.s32 $0x20, s20  }
0x12b: {  	s15 =	sadd.s32 $0xFFFFFFFF, s15;
	v7 =	vld.msk [tilespmem:s1+$0x0 ss:$0x0], $0xffff;
	_ =	sdelay $0x5  }
0x12c: {  	v8 =	vand.u32 $0x7F, v7;
	v7 =	vshll.u32 v7, $0x3  }
0x12d: {  	v7 =	vand.u32 $0xFFFFFC00, v7;
	v9 =	vor.u32 v8, v5;
	v8 =	vor.u32 v8, v6  }
0x12e: {  	v9 =	vadd.s32 v7, v9;
	v7 =	vadd.s32 v7, v8;
	_ =	sdelay $0x4  }
0x12f: {  	v8 =	vld.idx.msk [tilespmem:v9+s19+$0x0], $0xffff  }
0x130: {  	v10 =	vld [tilespmem:s20+$0xFFFFFFF0];
	_ =	sdelay $0x4  }
0x131: {  	v8 =	vadd.f32 v10, v8  }
0x132: {  	v10 =	vld.idx.msk [tilespmem:v7+s19+$0x0], $0xffff  }
0x133: {  	[tilespmem:v9+s19+$0x0] =	vst.idx.msk $0xffff, v8  }
0x134: {  	v8 =	vld [tilespmem:s20+$0x0]  }
.Ltmp27:
0x135: {  	(pc) =	sbr.rel @p4 .LBB2_29-.Ltmp27, $2  }
0x136: {  	_ =	sdelay $0x2  }
0x137: {  	v8 =	vadd.f32 v8, v10  }
.Ltmp28:
0x138: {  	_ = 	snop;
	(pc) =	sbr.rel .LBB2_30-.Ltmp28, $1  }
0x139: {  	_ =	sdelay $0x3  }
.LBB2_22:
.Ltmp29:
0x13a: {  	(pc) =	sbr.rel .LBB2_26-.Ltmp29, $2  }
0x13b: {  	_ =	sdelay $0x2  }
0x13c: {  	s10 =	simm.s32 $0x17200  }
.LBB2_24:
.Ltmp30:
0x13d: {  	(pc) =	sbr.rel .LBB2_26-.Ltmp30, $2  }
0x13e: {  	_ =	sdelay $0x2  }
0x13f: {  	s10 =	simm.s32 $0x17200  }
.LBB2_33:
0x140: {  	_ =	swait.ge [sflag:s25], $0x4000  }
0x141: {  	[sflag:s25] =	ssyncset.done $0x0  }
0x142: {  	[sflag:s25] =	ssyncadd.s32 $0xFFFFC000  }
0x143: {  	_ =	swait.ge [sflag:s26], $0x4000  }
0x144: {  	[sflag:s26] =	ssyncset.done $0x0  }
0x145: {  	[sflag:s26] =	ssyncadd.s32 $0xFFFFC000  }
0x146: {  	_ =	swait.ge [sflag:s28], $0x4000  }
.Ltmp31:
0x147: {  	[sflag:s28] =	ssyncset.done $0x0;
	(pc) =	sbr.rel @p0 .LBB2_62-.Ltmp31, $4  }
0x148: {  	[sflag:s28] =	ssyncadd.s32 $0xFFFFC000  }
0x149: {  	_ =	swait.ge [sflag:s29], $0x4000  }
0x14a: {  	[sflag:s29] =	ssyncset.done $0x0  }
0x14b: {  	[sflag:s29] =	ssyncadd.s32 $0xFFFFC000  }
.Ltmp32:
0x14c: {  	(pc) =	sbr.rel @p1 .LBB2_89-.Ltmp32, $2  }
0x14d: {  	_ =	sdelay $0x2  }
0x14e: {  	s15 =	smov.u32 s21  }
.Ltmp33:
0x14f: {  	s0 =	rddreg [dreg:$0xb];
	(pc) =	sbr.rel @!p3 .LBB2_36-.Ltmp33, $4  }
0x150: {  	[tilespmem:s19], [sflag:$0xA] =	stream.strided.gather [hbm4b:s0+s18], $0x4000, s17, s18, $0x38;
	[tilespmem:$0x1F400] =	vst v63  }
0x151: {  	_ =	swait.ge [sflag:s22], $0x4000  }
0x152: {  	[sflag:s22] =	ssyncset.done $0x0  }
0x153: {  	s0 =	simm.s32 $0x0;
	[sflag:s22] =	ssyncadd.s32 $0xFFFFC000  }
.LBB2_48:
.Ltmp34:
0x154: {  	(pc) =	sbr.rel @p2 .LBB2_61-.Ltmp34, $4  }
.Ltmp35:
0x155: {  	(pc) =	sbr.rel @!p2 .LBB2_49-.Ltmp35, $4  }
0x156: {  	_ = 	snop  }
0x157: {  	_ = 	snop  }
0x158: {  	s0 =	simm.s32 $0x0  }
0x159: {  	_ = 	snop  }
.LBB2_46:
0x15a: {  	_ =	sdelay $0x3  }
0x15b: {  	[tilespmem:v4+s19+$0x0] =	vst.idx.msk $0xffff, v5  }
.LBB2_47:
0x15c: {  	s0 =	sadd.s32 $0x1, s0  }
0x15d: {  	p3 =	sne.s32 s0, s3  }
.Ltmp36:
0x15e: {  	_ = 	snop;
	(pc) =	sbr.rel @!p3 .LBB2_48-.Ltmp36, $1  }
0x15f: {  	_ =	sdelay $0x3  }
.LBB2_36:
0x160: {  	s1 =	sshll.u32 s0, $0x4  }
0x161: {  	v4 =	vld [tilespmem:s1+$0x0];
	_ =	sdelay $0x4  }
0x162: {  	v5 =	vand.u32 $0xFFFFFE00, v4  }
0x163: {  	vm0 =	veq.s32 v5, $0xF4000  }
0x164: {  	v5 =	vmpcnt.ones.xlane vm0;
	_ =	sdelay $0x1  }
0x165: {  	(v2sf) =	vpush v5, $0x0;
	_ =	sdelay $0xe  }
0x166: {  	s8 =	spop (v2sf)  }
0x167: {  	p3 =	slt.s32 s8, $0x1  }
.Ltmp37:
0x168: {  	_ = 	snop;
	(pc) =	sbr.rel @p3 .LBB2_47-.Ltmp37, $1  }
0x169: {  	_ =	sdelay $0x3  }
0x16a: {  	v4 =	vand.u32 $0x1FF, v4  }
0x16b: {  	[tilespmem:s23+$0x0] =	vst.msk vm0, v4  }
0x16c: {  	v4 =	vld [tilespmem:s1+$0x4080]  }
0x16d: {  	p3 =	sne.s32 s8, $0x1  }
.Ltmp38:
0x16e: {  	_ = 	snop;
	(pc) =	sbr.rel @!p3 .LBB2_38-.Ltmp38, $4  }
0x16f: {  	_ = 	snop  }
0x170: {  	s7 =	simm.s32 $0x5100  }
0x171: {  	[tilespmem:s7+$0x0] =	vst.msk vm0, v4  }
0x172: {  	p4 =	por $0x0, $0x0;
	s1 =	simm.s32 $0x17200;
	v4 =	vld [tilespmem:s7+$0x0];
	s7 =	sadd.s32 $0xFFFFFFFF, s8  }
0x173: {  	_ =	sdelay $0x3  }
0x174: {  	(v2sf) =	vpush v4, $0x0;
	_ =	sdelay $0xe  }
0x175: {  	p5 =	sne.s32 s7, $0x1;
	s10 =	spop (v2sf)  }
.Ltmp39:
0x176: {  	s10 =	sshll.u32 s10, $0x7;
	(pc) =	sbr.rel @!p5 .LBB2_40-.Ltmp39, $4  }
0x177: {  	s10 =	sshra.s32 s10, $0x2  }
0x178: {  	s11 =	simm.s32 $0x5101;
	s10 =	sadd.s32 s10, s5  }
0x179: {  	[tilespmem:s1], [sflag:$0x9] =	stream.linear.gather [spmem:s10], $0x20, $0x38;
	[tilespmem:$0x1F400] =	vst v63  }
0x17a: {  	s12 =	sadd.s32 $0xFFFFFFFF, s7;
	p4 =	por $0x1, $0x1;
	s10 =	simm.s32 $0x17200;
	v4 =	vld [tilespmem:s11+$0x0]  }
.LBB2_41:
0x17b: {  	p5 =	sne.s32 s12, $0x1;
	_ =	sdelay $0x3  }
0x17c: {  	(v2sf) =	vpush v4, $0x0;
	_ =	sdelay $0xe  }
0x17d: {  	s14 =	spop (v2sf)  }
.Ltmp40:
0x17e: {  	s14 =	sshll.u32 s14, $0x7;
	(pc) =	sbr.rel @p5 .LBB2_41-.Ltmp40, $4  }
0x17f: {  	s14 =	sshra.s32 s14, $0x2  }
0x180: {  	s11 =	sadd.s32 $0x1, s11;
	s10 =	sadd.s32 $0x20, s10;
	s14 =	sadd.s32 s14, s5  }
0x181: {  	[tilespmem:s10], [sflag:$0x9] =	stream.linear.gather [spmem:s14], $0x20, $0x38;
	[tilespmem:$0x1F400] =	vst v63  }
0x182: {  	s12 =	sadd.s32 $0xFFFFFFFF, s12;
	v4 =	vld [tilespmem:s11+$0x0]  }
.LBB2_42:
0x183: {  	_ =	sdelay $0x3  }
0x184: {  	(v2sf) =	vpush v4, $0x0;
	_ =	sdelay $0xe  }
0x185: {  	s11 =	spop (v2sf)  }
0x186: {  	s11 =	sshll.u32 s11, $0x7  }
0x187: {  	s10 =	sadd.s32 @p4 $0x20, s10;
	s11 =	sshra.s32 s11, $0x2  }
0x188: {  	s1 =	smov.u32 @p4 s10;
	s11 =	sadd.s32 s11, s5  }
0x189: {  	[tilespmem:s1], [sflag:$0x9] =	stream.linear.gather [spmem:s11], $0x20, $0x38;
	[tilespmem:$0x1F400] =	vst v63  }
.LBB2_43:
0x18a: {  	p4 =	sne.s32 s8, $0x1  }
.Ltmp41:
0x18b: {  	_ = 	snop;
	(pc) =	sbr.rel @p4 .LBB2_43-.Ltmp41, $4  }
0x18c: {  	_ = 	snop  }
0x18d: {  	_ =	swait.ge [sflag:s24], $0x20  }
0x18e: {  	[sflag:s24] =	ssyncset.done $0x0  }
0x18f: {  	s8 =	sadd.s32 $0xFFFFFFFF, s8;
	[sflag:s24] =	ssyncadd.s32 $0xFFFFFFE0  }
0x190: {  	s1 =	simm.s32 $0x5180  }
0x191: {  	v4 =	vld.msk [tilespmem:s1+$0x0 ss:$0x0], $0xffff;
	_ =	sdelay $0x4  }
0x192: {  	v5 =	vshll.u32 v4, $0x3  }
0x193: {  	v4 =	vand.u32 $0x7F, v4;
	v5 =	vand.u32 $0xFFFFFC00, v5  }
0x194: {  	v4 =	vor.u32 v4, v5  }
0x195: {  	v5 =	vadd.s32 v1, v4;
	_ =	sdelay $0x2  }
0x196: {  	s8 =	simm.s32 $0x17210  }
0x197: {  	v7 =	vld [tilespmem:s8+$0xFFFFFFF0]  }
0x198: {  	v6 =	vld.idx.msk [tilespmem:v5+s19+$0x0], $0xffff;
	_ =	sdelay $0x1  }
0x199: {  	v4 =	vadd.s32 v2, v4;
	_ =	sdelay $0x2  }
0x19a: {  	v6 =	vadd.f32 v7, v6;
	_ =	sdelay $0x1  }
0x19b: {  	v7 =	vld.idx.msk [tilespmem:v4+s19+$0x0], $0xffff;
	[tilespmem:v5+s19+$0x0] =	vst.idx.msk $0xffff, v6  }
0x19c: {  	v5 =	vld [tilespmem:s8+$0x0];
	_ =	sdelay $0x1  }
.Ltmp42:
0x19d: {  	_ = 	snop;
	(pc) =	sbr.rel @!p3 .LBB2_46-.Ltmp42, $2  }
0x19e: {  	_ =	sdelay $0x1  }
0x19f: {  	v5 =	vadd.f32 v5, v7;
	_ =	sdelay $0x1  }
.LBB2_45:
0x1a0: {  	p3 =	sne.s32 s7, $0x1;
	[tilespmem:v4+s19+$0x0] =	vst.idx.msk $0xffff, v5;
	s1 =	sadd.s32 $0x1, s1;
	s8 =	sadd.s32 $0x20, s8  }
0x1a1: {  	s7 =	sadd.s32 $0xFFFFFFFF, s7;
	v4 =	vld.msk [tilespmem:s1+$0x0 ss:$0x0], $0xffff;
	_ =	sdelay $0x5  }
0x1a2: {  	v5 =	vshll.u32 v4, $0x3  }
0x1a3: {  	v4 =	vand.u32 $0x7F, v4;
	v5 =	vand.u32 $0xFFFFFC00, v5  }
0x1a4: {  	v4 =	vor.u32 v4, v5  }
0x1a5: {  	v5 =	vadd.s32 v1, v4;
	_ =	sdelay $0x4  }
0x1a6: {  	v6 =	vld.idx.msk [tilespmem:v5+s19+$0x0], $0xffff  }
0x1a7: {  	v7 =	vld [tilespmem:s8+$0xFFFFFFF0]  }
0x1a8: {  	v4 =	vadd.s32 v2, v4;
	_ =	sdelay $0x3  }
0x1a9: {  	v6 =	vadd.f32 v7, v6  }
0x1aa: {  	v7 =	vld.idx.msk [tilespmem:v4+s19+$0x0], $0xffff  }
0x1ab: {  	[tilespmem:v5+s19+$0x0] =	vst.idx.msk $0xffff, v6  }
0x1ac: {  	v5 =	vld [tilespmem:s8+$0x0]  }
.Ltmp43:
0x1ad: {  	(pc) =	sbr.rel @p3 .LBB2_45-.Ltmp43, $2  }
0x1ae: {  	_ =	sdelay $0x2  }
0x1af: {  	v5 =	vadd.f32 v5, v7  }
.Ltmp44:
0x1b0: {  	_ = 	snop;
	(pc) =	sbr.rel .LBB2_46-.Ltmp44, $1  }
0x1b1: {  	_ =	sdelay $0x3  }
.LBB2_38:
.Ltmp45:
0x1b2: {  	(pc) =	sbr.rel .LBB2_42-.Ltmp45, $2  }
0x1b3: {  	_ =	sdelay $0x2  }
0x1b4: {  	s10 =	simm.s32 $0x17200  }
.LBB2_40:
.Ltmp46:
0x1b5: {  	(pc) =	sbr.rel .LBB2_42-.Ltmp46, $2  }
0x1b6: {  	_ =	sdelay $0x2  }
0x1b7: {  	s10 =	simm.s32 $0x17200  }
.LBB2_59:
0x1b8: {  	_ =	sdelay $0x3  }
0x1b9: {  	[tilespmem:v4+s19+$0x0] =	vst.idx.msk $0xffff, v5  }
.LBB2_60:
0x1ba: {  	s0 =	sadd.s32 $0x1, s0  }
0x1bb: {  	p2 =	sne.s32 s0, $0x400  }
.Ltmp47:
0x1bc: {  	_ = 	snop;
	(pc) =	sbr.rel @!p2 .LBB2_61-.Ltmp47, $1  }
0x1bd: {  	_ =	sdelay $0x3  }
.LBB2_49:
0x1be: {  	s1 =	sshll.u32 s0, $0x4  }
0x1bf: {  	v4 =	vld [tilespmem:s1+$0x0];
	_ =	sdelay $0x4  }
0x1c0: {  	v5 =	vand.u32 $0xFFFFFE00, v4  }
0x1c1: {  	vm0 =	veq.s32 v5, $0xF4000  }
0x1c2: {  	v5 =	vmpcnt.ones.xlane vm0;
	_ =	sdelay $0x1  }
0x1c3: {  	(v2sf) =	vpush v5, $0x0;
	_ =	sdelay $0xe  }
0x1c4: {  	s7 =	spop (v2sf)  }
0x1c5: {  	p2 =	slt.s32 s7, $0x1  }
.Ltmp48:
0x1c6: {  	_ = 	snop;
	(pc) =	sbr.rel @p2 .LBB2_60-.Ltmp48, $1  }
0x1c7: {  	_ =	sdelay $0x3  }
0x1c8: {  	p2 =	sne.s32 s7, $0x1  }
.Ltmp49:
0x1c9: {  	_ = 	snop;
	(pc) =	sbr.rel @!p2 .LBB2_51-.Ltmp49, $4  }
0x1ca: {  	v4 =	vand.u32 $0x1FF, v4  }
0x1cb: {  	s3 =	simm.s32 $0x5100;
	[tilespmem:s23+$0x0] =	vst.msk vm0, v4;
	v4 =	vor.u32 s1, v3  }
0x1cc: {  	[tilespmem:s3+$0x0] =	vst.msk vm0, v4  }
0x1cd: {  	p3 =	por $0x0, $0x0;
	s1 =	simm.s32 $0x17200;
	v4 =	vld [tilespmem:s3+$0x0];
	s3 =	sadd.s32 $0xFFFFFFFF, s7  }
0x1ce: {  	_ =	sdelay $0x3  }
0x1cf: {  	(v2sf) =	vpush v4, $0x0;
	_ =	sdelay $0xe  }
0x1d0: {  	p4 =	sne.s32 s3, $0x1;
	s8 =	spop (v2sf)  }
.Ltmp50:
0x1d1: {  	s8 =	sshll.u32 s8, $0x7;
	(pc) =	sbr.rel @!p4 .LBB2_53-.Ltmp50, $4  }
0x1d2: {  	s8 =	sshra.s32 s8, $0x2  }
0x1d3: {  	s10 =	simm.s32 $0x5101;
	s8 =	sadd.s32 s8, s5  }
0x1d4: {  	[tilespmem:s1], [sflag:$0x9] =	stream.linear.gather [spmem:s8], $0x20, $0x38;
	[tilespmem:$0x1F400] =	vst v63  }
0x1d5: {  	s11 =	sadd.s32 $0xFFFFFFFF, s3;
	p3 =	por $0x1, $0x1;
	s8 =	simm.s32 $0x17200;
	v4 =	vld [tilespmem:s10+$0x0]  }
.LBB2_54:
0x1d6: {  	p4 =	sne.s32 s11, $0x1;
	_ =	sdelay $0x3  }
0x1d7: {  	(v2sf) =	vpush v4, $0x0;
	_ =	sdelay $0xe  }
0x1d8: {  	s12 =	spop (v2sf)  }
.Ltmp51:
0x1d9: {  	s12 =	sshll.u32 s12, $0x7;
	(pc) =	sbr.rel @p4 .LBB2_54-.Ltmp51, $4  }
0x1da: {  	s12 =	sshra.s32 s12, $0x2  }
0x1db: {  	s10 =	sadd.s32 $0x1, s10;
	s8 =	sadd.s32 $0x20, s8;
	s12 =	sadd.s32 s12, s5  }
0x1dc: {  	[tilespmem:s8], [sflag:$0x9] =	stream.linear.gather [spmem:s12], $0x20, $0x38;
	[tilespmem:$0x1F400] =	vst v63  }
0x1dd: {  	s11 =	sadd.s32 $0xFFFFFFFF, s11;
	v4 =	vld [tilespmem:s10+$0x0]  }
.LBB2_55:
0x1de: {  	_ =	sdelay $0x3  }
0x1df: {  	(v2sf) =	vpush v4, $0x0;
	_ =	sdelay $0xe  }
0x1e0: {  	s10 =	spop (v2sf)  }
0x1e1: {  	s10 =	sshll.u32 s10, $0x7  }
0x1e2: {  	s8 =	sadd.s32 @p3 $0x20, s8;
	s10 =	sshra.s32 s10, $0x2  }
0x1e3: {  	s1 =	smov.u32 @p3 s8;
	s10 =	sadd.s32 s10, s5  }
0x1e4: {  	[tilespmem:s1], [sflag:$0x9] =	stream.linear.gather [spmem:s10], $0x20, $0x38;
	[tilespmem:$0x1F400] =	vst v63  }
.LBB2_56:
0x1e5: {  	p3 =	sne.s32 s7, $0x1  }
.Ltmp52:
0x1e6: {  	_ = 	snop;
	(pc) =	sbr.rel @p3 .LBB2_56-.Ltmp52, $4  }
0x1e7: {  	_ = 	snop  }
0x1e8: {  	_ =	swait.ge [sflag:s24], $0x20  }
0x1e9: {  	[sflag:s24] =	ssyncset.done $0x0  }
0x1ea: {  	s7 =	sadd.s32 $0xFFFFFFFF, s7;
	[sflag:s24] =	ssyncadd.s32 $0xFFFFFFE0  }
0x1eb: {  	s1 =	simm.s32 $0x5180  }
0x1ec: {  	v4 =	vld.msk [tilespmem:s1+$0x0 ss:$0x0], $0xffff;
	_ =	sdelay $0x4  }
0x1ed: {  	v5 =	vshll.u32 v4, $0x3  }
0x1ee: {  	v4 =	vand.u32 $0x7F, v4;
	v5 =	vand.u32 $0xFFFFFC00, v5  }
0x1ef: {  	v4 =	vor.u32 v4, v5  }
0x1f0: {  	v5 =	vadd.s32 v1, v4;
	_ =	sdelay $0x2  }
0x1f1: {  	s7 =	simm.s32 $0x17210  }
0x1f2: {  	v7 =	vld [tilespmem:s7+$0xFFFFFFF0]  }
0x1f3: {  	v6 =	vld.idx.msk [tilespmem:v5+s19+$0x0], $0xffff;
	_ =	sdelay $0x1  }
0x1f4: {  	v4 =	vadd.s32 v2, v4;
	_ =	sdelay $0x2  }
0x1f5: {  	v6 =	vadd.f32 v7, v6;
	_ =	sdelay $0x1  }
0x1f6: {  	v7 =	vld.idx.msk [tilespmem:v4+s19+$0x0], $0xffff;
	[tilespmem:v5+s19+$0x0] =	vst.idx.msk $0xffff, v6  }
0x1f7: {  	v5 =	vld [tilespmem:s7+$0x0];
	_ =	sdelay $0x1  }
.Ltmp53:
0x1f8: {  	_ = 	snop;
	(pc) =	sbr.rel @!p2 .LBB2_59-.Ltmp53, $2  }
0x1f9: {  	_ =	sdelay $0x1  }
0x1fa: {  	v5 =	vadd.f32 v5, v7;
	_ =	sdelay $0x1  }
.LBB2_58:
0x1fb: {  	p2 =	sne.s32 s3, $0x1;
	[tilespmem:v4+s19+$0x0] =	vst.idx.msk $0xffff, v5;
	s1 =	sadd.s32 $0x1, s1;
	s7 =	sadd.s32 $0x20, s7  }
0x1fc: {  	s3 =	sadd.s32 $0xFFFFFFFF, s3;
	v4 =	vld.msk [tilespmem:s1+$0x0 ss:$0x0], $0xffff;
	_ =	sdelay $0x5  }
0x1fd: {  	v5 =	vshll.u32 v4, $0x3  }
0x1fe: {  	v4 =	vand.u32 $0x7F, v4;
	v5 =	vand.u32 $0xFFFFFC00, v5  }
0x1ff: {  	v4 =	vor.u32 v4, v5  }
0x200: {  	v5 =	vadd.s32 v1, v4;
	_ =	sdelay $0x4  }
0x201: {  	v6 =	vld.idx.msk [tilespmem:v5+s19+$0x0], $0xffff  }
0x202: {  	v7 =	vld [tilespmem:s7+$0xFFFFFFF0]  }
0x203: {  	v4 =	vadd.s32 v2, v4;
	_ =	sdelay $0x3  }
0x204: {  	v6 =	vadd.f32 v7, v6  }
0x205: {  	v7 =	vld.idx.msk [tilespmem:v4+s19+$0x0], $0xffff  }
0x206: {  	[tilespmem:v5+s19+$0x0] =	vst.idx.msk $0xffff, v6  }
0x207: {  	v5 =	vld [tilespmem:s7+$0x0]  }
.Ltmp54:
0x208: {  	(pc) =	sbr.rel @p2 .LBB2_58-.Ltmp54, $2  }
0x209: {  	_ =	sdelay $0x2  }
0x20a: {  	v5 =	vadd.f32 v5, v7  }
.Ltmp55:
0x20b: {  	_ = 	snop;
	(pc) =	sbr.rel .LBB2_59-.Ltmp55, $1  }
0x20c: {  	_ =	sdelay $0x3  }
.LBB2_51:
.Ltmp56:
0x20d: {  	(pc) =	sbr.rel .LBB2_55-.Ltmp56, $2  }
0x20e: {  	_ =	sdelay $0x2  }
0x20f: {  	s8 =	simm.s32 $0x17200  }
.LBB2_53:
.Ltmp57:
0x210: {  	(pc) =	sbr.rel .LBB2_55-.Ltmp57, $2  }
0x211: {  	_ =	sdelay $0x2  }
0x212: {  	s8 =	simm.s32 $0x17200  }
.LBB2_62:
0x213: {  	s0 =	simm.s32 $0x0  }
.Ltmp58:
0x214: {  	s1 =	rddreg [dreg:$0x6];
	s7 =	simm.s32 $0x5200;
	(pc) =	sbr.rel @!p3 .LBB2_63-.Ltmp58, $4  }
0x215: {  	[tilespmem:s7], [sflag:$0xA] =	stream.linear.gather [hbm4b:s1+s0], $0x2000, $0x38;
	[tilespmem:$0x1F400] =	vst v63  }
0x216: {  	_ =	swait.ge [sflag:s22], $0x2000  }
0x217: {  	[sflag:s22] =	ssyncset.done $0x0  }
0x218: {  	s15 =	smov.u32 s21;
	[sflag:s22] =	ssyncadd.s32 $0xFFFFE000  }
.LBB2_75:
.Ltmp59:
0x219: {  	(pc) =	sbr.rel @!p2 .LBB2_76-.Ltmp59, $2  }
0x21a: {  	_ =	sdelay $0x2  }
0x21b: {  	s0 =	simm.s32 $0x0  }
.LBB2_88:
.Ltmp60:
0x21c: {  	s0 =	rddreg [dreg:$0x7];
	s1 =	simm.s32 $0x5200;
	(pc) =	sbr.rel .LBB2_89-.Ltmp60, $4  }
0x21d: {  	[hbm4b:s0+s6] =	stream.linear.scatter [tilespmem:s1], [sflag:$0xA], $0x2000, $0x38;
	[tilespmem:$0x1F400] =	vst v63  }
0x21e: {  	_ =	swait.ge [sflag:s22], $0x2000  }
0x21f: {  	[sflag:s22] =	ssyncset.done $0x0  }
0x220: {  	[sflag:s22] =	ssyncadd.s32 $0xFFFFE000  }
.LBB2_73:
0x221: {  	[tilespmem:s10+$0x5210] =	vst v4  }
.LBB2_74:
0x222: {  	s0 =	sadd.s32 $0x1, s0  }
0x223: {  	p3 =	sne.s32 s0, s3  }
.Ltmp61:
0x224: {  	_ = 	snop;
	(pc) =	sbr.rel @!p3 .LBB2_75-.Ltmp61, $1  }
0x225: {  	_ =	sdelay $0x3  }
.LBB2_63:
0x226: {  	s1 =	sshll.u32 s0, $0x4  }
0x227: {  	v4 =	vld [tilespmem:s1+$0x0];
	_ =	sdelay $0x4  }
0x228: {  	v5 =	vand.u32 $0xFFFFFE00, v4  }
0x229: {  	vm0 =	veq.s32 v5, $0xF4200  }
0x22a: {  	v5 =	vmpcnt.ones.xlane vm0;
	_ =	sdelay $0x1  }
0x22b: {  	(v2sf) =	vpush v5, $0x0;
	_ =	sdelay $0xe  }
0x22c: {  	s8 =	spop (v2sf)  }
0x22d: {  	p3 =	slt.s32 s8, $0x1  }
.Ltmp62:
0x22e: {  	_ = 	snop;
	(pc) =	sbr.rel @p3 .LBB2_74-.Ltmp62, $1  }
0x22f: {  	_ =	sdelay $0x3  }
0x230: {  	v4 =	vand.u32 $0x1FF, v4  }
0x231: {  	[tilespmem:s23+$0x0] =	vst.msk vm0, v4  }
0x232: {  	v4 =	vld [tilespmem:s1+$0x4080]  }
0x233: {  	p3 =	sne.s32 s8, $0x1  }
.Ltmp63:
0x234: {  	_ = 	snop;
	(pc) =	sbr.rel @!p3 .LBB2_65-.Ltmp63, $4  }
0x235: {  	_ = 	snop  }
0x236: {  	s7 =	simm.s32 $0x5100  }
0x237: {  	[tilespmem:s7+$0x0] =	vst.msk vm0, v4  }
0x238: {  	p4 =	por $0x0, $0x0;
	s1 =	simm.s32 $0x17200;
	v4 =	vld [tilespmem:s7+$0x0];
	s7 =	sadd.s32 $0xFFFFFFFF, s8  }
0x239: {  	_ =	sdelay $0x3  }
0x23a: {  	(v2sf) =	vpush v4, $0x0;
	_ =	sdelay $0xe  }
0x23b: {  	p5 =	sne.s32 s7, $0x1;
	s10 =	spop (v2sf)  }
.Ltmp64:
0x23c: {  	s10 =	sshll.u32 s10, $0x7;
	(pc) =	sbr.rel @!p5 .LBB2_67-.Ltmp64, $4  }
0x23d: {  	s10 =	sshra.s32 s10, $0x2  }
0x23e: {  	s11 =	simm.s32 $0x5101;
	s10 =	sadd.s32 s10, s5  }
0x23f: {  	[tilespmem:s1], [sflag:$0x9] =	stream.linear.gather [spmem:s10], $0x20, $0x38;
	[tilespmem:$0x1F400] =	vst v63  }
0x240: {  	s12 =	sadd.s32 $0xFFFFFFFF, s7;
	p4 =	por $0x1, $0x1;
	s10 =	simm.s32 $0x17200;
	v4 =	vld [tilespmem:s11+$0x0]  }
.LBB2_68:
0x241: {  	p5 =	sne.s32 s12, $0x1;
	_ =	sdelay $0x3  }
0x242: {  	(v2sf) =	vpush v4, $0x0;
	_ =	sdelay $0xe  }
0x243: {  	s14 =	spop (v2sf)  }
.Ltmp65:
0x244: {  	s14 =	sshll.u32 s14, $0x7;
	(pc) =	sbr.rel @p5 .LBB2_68-.Ltmp65, $4  }
0x245: {  	s14 =	sshra.s32 s14, $0x2  }
0x246: {  	s11 =	sadd.s32 $0x1, s11;
	s10 =	sadd.s32 $0x20, s10;
	s14 =	sadd.s32 s14, s5  }
0x247: {  	[tilespmem:s10], [sflag:$0x9] =	stream.linear.gather [spmem:s14], $0x20, $0x38;
	[tilespmem:$0x1F400] =	vst v63  }
0x248: {  	s12 =	sadd.s32 $0xFFFFFFFF, s12;
	v4 =	vld [tilespmem:s11+$0x0]  }
.LBB2_69:
0x249: {  	_ =	sdelay $0x3  }
0x24a: {  	(v2sf) =	vpush v4, $0x0;
	_ =	sdelay $0xe  }
0x24b: {  	s11 =	spop (v2sf)  }
0x24c: {  	s11 =	sshll.u32 s11, $0x7  }
0x24d: {  	s10 =	sadd.s32 @p4 $0x20, s10;
	s11 =	sshra.s32 s11, $0x2  }
0x24e: {  	s1 =	smov.u32 @p4 s10;
	s11 =	sadd.s32 s11, s5  }
0x24f: {  	[tilespmem:s1], [sflag:$0x9] =	stream.linear.gather [spmem:s11], $0x20, $0x38;
	[tilespmem:$0x1F400] =	vst v63  }
.LBB2_70:
0x250: {  	p4 =	sne.s32 s8, $0x1  }
.Ltmp66:
0x251: {  	_ = 	snop;
	(pc) =	sbr.rel @p4 .LBB2_70-.Ltmp66, $4  }
0x252: {  	_ = 	snop  }
0x253: {  	_ =	swait.ge [sflag:s24], $0x20  }
0x254: {  	[sflag:s24] =	ssyncset.done $0x0  }
0x255: {  	s8 =	sadd.s32 $0xFFFFFFFF, s8;
	[sflag:s24] =	ssyncadd.s32 $0xFFFFFFE0  }
0x256: {  	s8 =	simm.s32 $0x5180  }
0x257: {  	v4 =	vld [tilespmem:s8+$0x0];
	_ =	sdelay $0x4  }
0x258: {  	(v2sf) =	vpush v4, $0x0;
	_ =	sdelay $0xe  }
0x259: {  	s10 =	spop (v2sf)  }
0x25a: {  	s1 =	simm.s32 $0x17210;
	s10 =	sshll.u32 s10, $0x9  }
0x25b: {  	v4 =	vld [tilespmem:s1+$0xFFFFFFF0];
	s10 =	sshra.s32 s10, $0x2  }
0x25c: {  	v5 =	vld [tilespmem:s10+$0x5200];
	_ =	sdelay $0x4  }
0x25d: {  	v4 =	vadd.f32 v4, v5;
	_ =	sdelay $0x1  }
0x25e: {  	[tilespmem:s10+$0x5200] =	vst v4;
	v4 =	vld [tilespmem:s10+$0x5210]  }
0x25f: {  	v5 =	vld [tilespmem:s1+$0x0];
	_ =	sdelay $0x1  }
.Ltmp67:
0x260: {  	_ = 	snop;
	(pc) =	sbr.rel @!p3 .LBB2_73-.Ltmp67, $2  }
0x261: {  	_ =	sdelay $0x1  }
0x262: {  	v4 =	vadd.f32 v5, v4;
	_ =	sdelay $0x1  }
.LBB2_72:
0x263: {  	p3 =	sne.s32 s7, $0x1;
	[tilespmem:s10+$0x5210] =	vst v4;
	s8 =	sadd.s32 $0x1, s8;
	s1 =	sadd.s32 $0x20, s1  }
0x264: {  	s7 =	sadd.s32 $0xFFFFFFFF, s7;
	v4 =	vld [tilespmem:s8+$0x0];
	_ =	sdelay $0x4  }
0x265: {  	(v2sf) =	vpush v4, $0x0;
	_ =	sdelay $0xe  }
0x266: {  	s10 =	spop (v2sf)  }
0x267: {  	s10 =	sshll.u32 s10, $0x9  }
0x268: {  	s10 =	sshra.s32 s10, $0x2;
	v4 =	vld [tilespmem:s1+$0xFFFFFFF0]  }
0x269: {  	v5 =	vld [tilespmem:s10+$0x5200];
	_ =	sdelay $0x4  }
0x26a: {  	v4 =	vadd.f32 v4, v5;
	_ =	sdelay $0x1  }
0x26b: {  	[tilespmem:s10+$0x5200] =	vst v4;
	v4 =	vld [tilespmem:s10+$0x5210]  }
0x26c: {  	v5 =	vld [tilespmem:s1+$0x0]  }
.Ltmp68:
0x26d: {  	(pc) =	sbr.rel @p3 .LBB2_72-.Ltmp68, $2  }
0x26e: {  	_ =	sdelay $0x2  }
0x26f: {  	v4 =	vadd.f32 v5, v4  }
.Ltmp69:
0x270: {  	_ = 	snop;
	(pc) =	sbr.rel .LBB2_73-.Ltmp69, $1  }
0x271: {  	_ =	sdelay $0x3  }
.LBB2_65:
.Ltmp70:
0x272: {  	(pc) =	sbr.rel .LBB2_69-.Ltmp70, $2  }
0x273: {  	_ =	sdelay $0x2  }
0x274: {  	s10 =	simm.s32 $0x17200  }
.LBB2_67:
.Ltmp71:
0x275: {  	(pc) =	sbr.rel .LBB2_69-.Ltmp71, $2  }
0x276: {  	_ =	sdelay $0x2  }
0x277: {  	s10 =	simm.s32 $0x17200  }
.LBB2_86:
0x278: {  	[tilespmem:s8+$0x5210] =	vst v4  }
.LBB2_87:
0x279: {  	s0 =	sadd.s32 $0x1, s0  }
0x27a: {  	p2 =	sne.s32 s0, $0x400  }
.Ltmp72:
0x27b: {  	_ = 	snop;
	(pc) =	sbr.rel @!p2 .LBB2_88-.Ltmp72, $1  }
0x27c: {  	_ =	sdelay $0x3  }
.LBB2_76:
0x27d: {  	s1 =	sshll.u32 s0, $0x4  }
0x27e: {  	v4 =	vld [tilespmem:s1+$0x0];
	_ =	sdelay $0x4  }
0x27f: {  	v5 =	vand.u32 $0xFFFFFE00, v4  }
0x280: {  	vm0 =	veq.s32 v5, $0xF4200  }
0x281: {  	v5 =	vmpcnt.ones.xlane vm0;
	_ =	sdelay $0x1  }
0x282: {  	(v2sf) =	vpush v5, $0x0;
	_ =	sdelay $0xe  }
0x283: {  	s7 =	spop (v2sf)  }
0x284: {  	p2 =	slt.s32 s7, $0x1  }
.Ltmp73:
0x285: {  	_ = 	snop;
	(pc) =	sbr.rel @p2 .LBB2_87-.Ltmp73, $1  }
0x286: {  	_ =	sdelay $0x3  }
0x287: {  	p2 =	sne.s32 s7, $0x1  }
.Ltmp74:
0x288: {  	_ = 	snop;
	(pc) =	sbr.rel @!p2 .LBB2_78-.Ltmp74, $4  }
0x289: {  	v4 =	vand.u32 $0x1FF, v4  }
0x28a: {  	s3 =	simm.s32 $0x5100;
	[tilespmem:s23+$0x0] =	vst.msk vm0, v4;
	v4 =	vor.u32 s1, v3  }
0x28b: {  	[tilespmem:s3+$0x0] =	vst.msk vm0, v4  }
0x28c: {  	p3 =	por $0x0, $0x0;
	s1 =	simm.s32 $0x17200;
	v4 =	vld [tilespmem:s3+$0x0];
	s3 =	sadd.s32 $0xFFFFFFFF, s7  }
0x28d: {  	_ =	sdelay $0x3  }
0x28e: {  	(v2sf) =	vpush v4, $0x0;
	_ =	sdelay $0xe  }
0x28f: {  	p4 =	sne.s32 s3, $0x1;
	s8 =	spop (v2sf)  }
.Ltmp75:
0x290: {  	s8 =	sshll.u32 s8, $0x7;
	(pc) =	sbr.rel @!p4 .LBB2_80-.Ltmp75, $4  }
0x291: {  	s8 =	sshra.s32 s8, $0x2  }
0x292: {  	s10 =	simm.s32 $0x5101;
	s8 =	sadd.s32 s8, s5  }
0x293: {  	[tilespmem:s1], [sflag:$0x9] =	stream.linear.gather [spmem:s8], $0x20, $0x38;
	[tilespmem:$0x1F400] =	vst v63  }
0x294: {  	s11 =	sadd.s32 $0xFFFFFFFF, s3;
	p3 =	por $0x1, $0x1;
	s8 =	simm.s32 $0x17200;
	v4 =	vld [tilespmem:s10+$0x0]  }
.LBB2_81:
0x295: {  	p4 =	sne.s32 s11, $0x1;
	_ =	sdelay $0x3  }
0x296: {  	(v2sf) =	vpush v4, $0x0;
	_ =	sdelay $0xe  }
0x297: {  	s12 =	spop (v2sf)  }
.Ltmp76:
0x298: {  	s12 =	sshll.u32 s12, $0x7;
	(pc) =	sbr.rel @p4 .LBB2_81-.Ltmp76, $4  }
0x299: {  	s12 =	sshra.s32 s12, $0x2  }
0x29a: {  	s10 =	sadd.s32 $0x1, s10;
	s8 =	sadd.s32 $0x20, s8;
	s12 =	sadd.s32 s12, s5  }
0x29b: {  	[tilespmem:s8], [sflag:$0x9] =	stream.linear.gather [spmem:s12], $0x20, $0x38;
	[tilespmem:$0x1F400] =	vst v63  }
0x29c: {  	s11 =	sadd.s32 $0xFFFFFFFF, s11;
	v4 =	vld [tilespmem:s10+$0x0]  }
.LBB2_82:
0x29d: {  	_ =	sdelay $0x3  }
0x29e: {  	(v2sf) =	vpush v4, $0x0;
	_ =	sdelay $0xe  }
0x29f: {  	s10 =	spop (v2sf)  }
0x2a0: {  	s10 =	sshll.u32 s10, $0x7  }
0x2a1: {  	s8 =	sadd.s32 @p3 $0x20, s8;
	s10 =	sshra.s32 s10, $0x2  }
0x2a2: {  	s1 =	smov.u32 @p3 s8;
	s10 =	sadd.s32 s10, s5  }
0x2a3: {  	[tilespmem:s1], [sflag:$0x9] =	stream.linear.gather [spmem:s10], $0x20, $0x38;
	[tilespmem:$0x1F400] =	vst v63  }
.LBB2_83:
0x2a4: {  	p3 =	sne.s32 s7, $0x1  }
.Ltmp77:
0x2a5: {  	_ = 	snop;
	(pc) =	sbr.rel @p3 .LBB2_83-.Ltmp77, $4  }
0x2a6: {  	_ = 	snop  }
0x2a7: {  	_ =	swait.ge [sflag:s24], $0x20  }
0x2a8: {  	[sflag:s24] =	ssyncset.done $0x0  }
0x2a9: {  	s7 =	sadd.s32 $0xFFFFFFFF, s7;
	[sflag:s24] =	ssyncadd.s32 $0xFFFFFFE0  }
0x2aa: {  	s7 =	simm.s32 $0x5180  }
0x2ab: {  	v4 =	vld [tilespmem:s7+$0x0];
	_ =	sdelay $0x4  }
0x2ac: {  	(v2sf) =	vpush v4, $0x0;
	_ =	sdelay $0xe  }
0x2ad: {  	s8 =	spop (v2sf)  }
0x2ae: {  	s1 =	simm.s32 $0x17210;
	s8 =	sshll.u32 s8, $0x9  }
0x2af: {  	v4 =	vld [tilespmem:s1+$0xFFFFFFF0];
	s8 =	sshra.s32 s8, $0x2  }
0x2b0: {  	v5 =	vld [tilespmem:s8+$0x5200];
	_ =	sdelay $0x4  }
0x2b1: {  	v4 =	vadd.f32 v4, v5;
	_ =	sdelay $0x1  }
0x2b2: {  	[tilespmem:s8+$0x5200] =	vst v4;
	v4 =	vld [tilespmem:s8+$0x5210]  }
0x2b3: {  	v5 =	vld [tilespmem:s1+$0x0];
	_ =	sdelay $0x1  }
.Ltmp78:
0x2b4: {  	_ = 	snop;
	(pc) =	sbr.rel @!p2 .LBB2_86-.Ltmp78, $2  }
0x2b5: {  	_ =	sdelay $0x1  }
0x2b6: {  	v4 =	vadd.f32 v5, v4;
	_ =	sdelay $0x1  }
.LBB2_85:
0x2b7: {  	p2 =	sne.s32 s3, $0x1;
	[tilespmem:s8+$0x5210] =	vst v4;
	s7 =	sadd.s32 $0x1, s7;
	s1 =	sadd.s32 $0x20, s1  }
0x2b8: {  	s3 =	sadd.s32 $0xFFFFFFFF, s3;
	v4 =	vld [tilespmem:s7+$0x0];
	_ =	sdelay $0x4  }
0x2b9: {  	(v2sf) =	vpush v4, $0x0;
	_ =	sdelay $0xe  }
0x2ba: {  	s8 =	spop (v2sf)  }
0x2bb: {  	s8 =	sshll.u32 s8, $0x9  }
0x2bc: {  	s8 =	sshra.s32 s8, $0x2;
	v4 =	vld [tilespmem:s1+$0xFFFFFFF0]  }
0x2bd: {  	v5 =	vld [tilespmem:s8+$0x5200];
	_ =	sdelay $0x4  }
0x2be: {  	v4 =	vadd.f32 v4, v5;
	_ =	sdelay $0x1  }
0x2bf: {  	[tilespmem:s8+$0x5200] =	vst v4;
	v4 =	vld [tilespmem:s8+$0x5210]  }
0x2c0: {  	v5 =	vld [tilespmem:s1+$0x0]  }
.Ltmp79:
0x2c1: {  	(pc) =	sbr.rel @p2 .LBB2_85-.Ltmp79, $2  }
0x2c2: {  	_ =	sdelay $0x2  }
0x2c3: {  	v4 =	vadd.f32 v5, v4  }
.Ltmp80:
0x2c4: {  	_ = 	snop;
	(pc) =	sbr.rel .LBB2_86-.Ltmp80, $1  }
0x2c5: {  	_ =	sdelay $0x3  }
.LBB2_78:
.Ltmp81:
0x2c6: {  	(pc) =	sbr.rel .LBB2_82-.Ltmp81, $2  }
0x2c7: {  	_ =	sdelay $0x2  }
0x2c8: {  	s8 =	simm.s32 $0x17200  }
.LBB2_80:
.Ltmp82:
0x2c9: {  	(pc) =	sbr.rel .LBB2_82-.Ltmp82, $2  }
0x2ca: {  	_ =	sdelay $0x2  }
0x2cb: {  	s8 =	simm.s32 $0x17200  }
.LBB2_90:
0x2cc: {  	_ =	sfence.sel $0x180000  }
0x2cd: {  	[bflag:$0x0] =	sbarrier.arrive $0xFFFF  }
0x2ce: {  	_ =	strace $0x90000047  }
0x2cf: {  	s0 =	stileid.u32;
	[bflag:$0x2] =	sbarrier.arrive $0xFFFF  }
0x2d0: {  	p0 =	sne.s32 s0, $0x0;
	s0 =	rddreg [dreg:$0x5]  }
0x2d1: {  	s0 =	sadd.s32 @!p0 $0x100000, s0  }
0x2d2: {  	[sflag:s0] =	ssyncadd.tile.s32 @!p0 $0x1;
	_ =	shalt  }
.Lfunc_end2:
_tile_overlayer_lowered:
.L_overlay_start_2:
0x2d3: {  	(tag) =	ssettag $0x2  }
0x2d4: {  	s0 =	rddreg [dreg:$0x0];
	s2 =	stileid.u32  }
0x2d5: {  	s1 =	rddreg [dreg:$0x1];
	p0 =	sne.s32 s2, $0x0  }
0x2d6: {  	s3 =	rddreg [dreg:$0x2];
	[bflag:$0x3] =	sbarrier.arrive $0xFFFF;
	s2 =	simm.s32 @!p0 $0x1C0A  }
0x2d7: {  	[timem:s3], [sflag:s2] =	dma.local @!p0 [hbm:s0], s1  }
0x2d8: {  	s0 =	simm.s32 @!p0 $0xA  }
0x2d9: {  	_ =	swait.ge @!p0 [sflag:s0], s1  }
0x2da: {  	s1 =	ssub.s32 @!p0 $0x0, s1;
	[sflag:s0] =	ssyncset.done @!p0 $0x0  }
0x2db: {  	[sflag:s0] =	ssyncadd.s32 @!p0 s1  }
0x2dc: {  	[bflag:$0x3] =	sbarrier.arrive $0xFFFF  }
0x2dd: {  	_ =	shalt  }

</sc_bundles>
